<compile_context>
chip_gen: v7x
topology: tpu7x:2x2x1
jax: 0.10.2.dev20260603
libtpu: 0.0.44.dev20260713+nightly
codegen_flags: <defaults>
</compile_context>

<pallas_src>
import functools

import jax
import jax.numpy as jnp
from jax import lax
from jax.experimental import pallas as pl
from jax.experimental.pallas import tpu as pltpu
from jax.experimental.pallas import tpu_sc as plsc

NUM_EMBEDDINGS = 8192
D = 768
XROWS = 4096
XCOLS = 50
B = XROWS * XCOLS

NC = 2
NS = 16
NW = NC * NS
R_PER_W = XROWS // NW
B_PER_W = B // NW
CHUNK = 32
NBUF = 4
CPB = R_PER_W // CHUNK
N_CHUNKS = B_PER_W // CHUNK


def _gather_sc(idx_t_flat, table):
    mesh = plsc.VectorSubcoreMesh(core_axis_name="c", subcore_axis_name="s")

    scratch = [pltpu.VMEM((B_PER_W,), jnp.int32)]
    scratch += [pltpu.VMEM((CHUNK, D), jnp.float32) for _ in range(NBUF)]
    scratch += [pltpu.SemaphoreType.DMA]
    scratch += [pltpu.SemaphoreType.DMA for _ in range(2 * NBUF)]

    @functools.partial(
        pl.kernel,
        mesh=mesh,
        out_type=jax.ShapeDtypeStruct((XCOLS, XROWS, D), jnp.float32),
        scratch_types=scratch,
    )
    def k(idx_hbm, table_hbm, out_hbm, idx_v, *bufs_and_sems):
        rows = bufs_and_sems[:NBUF]
        isem = bufs_and_sems[NBUF]
        gsem = bufs_and_sems[NBUF + 1:NBUF + 1 + NBUF]
        ssem = bufs_and_sems[NBUF + 1 + NBUF:]
        wid = lax.axis_index("s") * NC + lax.axis_index("c")
        i0 = wid * R_PER_W

        for j in range(XCOLS):
            pltpu.async_copy(
                idx_hbm.at[pl.ds(j * XROWS + i0, R_PER_W)],
                idx_v.at[pl.ds(j * R_PER_W, R_PER_W)], isem)

        def wait_stage():
            pltpu.make_async_copy(
                idx_hbm.at[pl.ds(0, R_PER_W)],
                idx_v.at[pl.ds(0, R_PER_W)], isem).wait()

        wait_stage()

        def start_gather(b, t):
            pltpu.async_copy(
                table_hbm.at[idx_v.at[pl.ds(t * CHUNK, CHUNK)]], rows[b],
                gsem[b])

        def wait_gather(b):
            pltpu.make_async_copy(
                table_hbm.at[pl.ds(0, CHUNK)], rows[b], gsem[b]).wait()

        def start_store(b, t):
            j = t // CPB
            h = t % CPB
            pltpu.async_copy(
                rows[b], out_hbm.at[j].at[pl.ds(i0 + h * CHUNK, CHUNK)],
                ssem[b])

        def wait_store(b):
            pltpu.make_async_copy(
                rows[b], out_hbm.at[0].at[pl.ds(0, CHUNK)], ssem[b]).wait()

        for b in range(NBUF):
            start_gather(b, b)

        for j in range(1, XCOLS):
            wait_stage()

        @pl.loop(0, N_CHUNKS - NBUF, step=NBUF)
        def _(t):
            for b in range(NBUF):
                wait_gather(b)
                start_store(b, t + b)
            for b in range(NBUF):
                wait_store(b)
                start_gather(b, t + NBUF + b)

        for b in range(NBUF):
            wait_gather(b)
            start_store(b, N_CHUNKS - NBUF + b)
        for b in range(NBUF):
            wait_store(b)

    return k(idx_t_flat, table)


def kernel(x, table):
    idx_t_flat = x.T.reshape(-1)
    out_t = _gather_sc(idx_t_flat, table)
    return jnp.transpose(out_t, (1, 0, 2))

# --- scband reference (transcript-rebuilt; emitter-appended) ---
"""Pipeline reference for scband-codebook-47021301957004 (READ-ONLY COPY).

The authoritative reference and input builder live on the scoring server;
editing this copy changes nothing except your own understanding.
"""

import jax, jax.numpy as jnp
import numpy as np

NUM_EMBEDDINGS = 8192
EMBEDDING_DIM = 768

def setup_inputs(seed: int = 0) -> dict:
    key = jax.random.key(seed)
    k1, k2 = jax.random.split(key)
    x = jax.random.randint(k1, (4096, 50), 0, NUM_EMBEDDINGS, dtype=jnp.int32)
    # nn.Embedding weight initialized uniform(-1/K, 1/K) per the module's __init__
    table = jax.random.uniform(k2, (NUM_EMBEDDINGS, EMBEDDING_DIM), dtype=jnp.float32,
                               minval=-1.0 / NUM_EMBEDDINGS, maxval=1.0 / NUM_EMBEDDINGS)
    return {"x": x, "table": table}

def reference(x, table):
    # forward(x) = self.embeddings(x): pure embedding gather
    return jnp.take(table, x, axis=0)

if __name__ == "__main__":
    import jax
    _d = setup_inputs()
    print(jax.jit(kernel)(*tuple(_d.values())))

</pallas_src>

<mosaic_0001>
#map = affine_map<(d0, d1) -> (0)>
#map1 = affine_map<(d0, d1) -> (0, 0)>
#map2 = affine_map<(d0, d1) -> (0, 0, 0)>
module attributes {stable_mosaic.version = 14 : i64} {
  func.func @k(%arg0: i32, %arg1: i32, %arg2: memref<204800xi32, #tpu.memory_space<hbm>>, %arg3: memref<8192x768xf32, #tpu.memory_space<hbm>>, %arg4: memref<50x4096x768xf32, #tpu.memory_space<hbm>>, %arg5: memref<6400xi32, #tpu.memory_space<vmem>>, %arg6: memref<32x768xf32, #tpu.memory_space<vmem>>, %arg7: memref<32x768xf32, #tpu.memory_space<vmem>>, %arg8: memref<32x768xf32, #tpu.memory_space<vmem>>, %arg9: memref<32x768xf32, #tpu.memory_space<vmem>>, %arg10: memref<!tpu.dma_semaphore, #tpu.memory_space<semaphore_mem>>, %arg11: memref<!tpu.dma_semaphore, #tpu.memory_space<semaphore_mem>>, %arg12: memref<!tpu.dma_semaphore, #tpu.memory_space<semaphore_mem>>, %arg13: memref<!tpu.dma_semaphore, #tpu.memory_space<semaphore_mem>>, %arg14: memref<!tpu.dma_semaphore, #tpu.memory_space<semaphore_mem>>, %arg15: memref<!tpu.dma_semaphore, #tpu.memory_space<semaphore_mem>>, %arg16: memref<!tpu.dma_semaphore, #tpu.memory_space<semaphore_mem>>, %arg17: memref<!tpu.dma_semaphore, #tpu.memory_space<semaphore_mem>>, %arg18: memref<!tpu.dma_semaphore, #tpu.memory_space<semaphore_mem>>) attributes {dimension_semantics = [#tpu.dimension_semantics<core_parallel>, #tpu.dimension_semantics<subcore_parallel>], iteration_bounds = array<i64: 2, 16>, scalar_prefetch = 0 : i64, scratch_operands = 14 : i64, tpu.core_type = #tpu.core_type<sc_vector_subcore>, window_params = [{transform_indices = #map}, {transform_indices = #map1}, {transform_indices = #map2}]} {
    %mul3A = arith.constant 2 : i32
    %mul3A_0 = arith.muli %arg1, %mul3A : i32
    %add3A = arith.addi %mul3A_0, %arg0 : i32
    %mul3A_1 = arith.constant 128 : i32
    %mul3A_2 = arith.muli %add3A, %mul3A_1 : i32
    %add3A_3 = arith.constant 0 : i32
    %add3A_4 = arith.addi %add3A_3, %mul3A_2 : i32
    %dma_start3A = arith.constant 0 : i32
    %dma_start3A_5 = tpu.memref_slice %arg5[%dma_start3A] : memref<6400xi32, #tpu.memory_space<vmem>> -> memref<128xi32, #tpu.memory_space<vmem>>
    %dma_start3A_6 = tpu.memref_slice %arg2[%add3A_4] : memref<204800xi32, #tpu.memory_space<hbm>> -> memref<128xi32, #tpu.memory_space<hbm>>
    %dma_start3A_7 = arith.constant 0 : i32
    %dma_start3A_8 = tpu.memref_slice %arg5[%dma_start3A_7] : memref<6400xi32, #tpu.memory_space<vmem>> -> memref<128xi32, #tpu.memory_space<vmem>>
    %dma_start3A_9 = tpu.memref_slice %arg2[%add3A_4] : memref<204800xi32, #tpu.memory_space<hbm>> -> memref<128xi32, #tpu.memory_space<hbm>>
    tpu.enqueue_dma source(%dma_start3A_9 : memref<128xi32, #tpu.memory_space<hbm>>) target(%dma_start3A_8 : memref<128xi32, #tpu.memory_space<vmem>>) target_semaphore(%arg10 : memref<!tpu.dma_semaphore, #tpu.memory_space<semaphore_mem>>)
    %add3A_10 = arith.constant 4096 : i32
    %add3A_11 = arith.addi %add3A_10, %mul3A_2 : i32
    %dma_start3A_12 = arith.constant 128 : i32
    %dma_start3A_13 = tpu.memref_slice %arg5[%dma_start3A_12] : memref<6400xi32, #tpu.memory_space<vmem>> -> memref<128xi32, #tpu.memory_space<vmem>>
    %dma_start3A_14 = tpu.memref_slice %arg2[%add3A_11] : memref<204800xi32, #tpu.memory_space<hbm>> -> memref<128xi32, #tpu.memory_space<hbm>>
    %dma_start3A_15 = arith.constant 128 : i32
    %dma_start3A_16 = tpu.memref_slice %arg5[%dma_start3A_15] : memref<6400xi32, #tpu.memory_space<vmem>> -> memref<128xi32, #tpu.memory_space<vmem>>
    %dma_start3A_17 = tpu.memref_slice %arg2[%add3A_11] : memref<204800xi32, #tpu.memory_space<hbm>> -> memref<128xi32, #tpu.memory_space<hbm>>
    tpu.enqueue_dma source(%dma_start3A_17 : memref<128xi32, #tpu.memory_space<hbm>>) target(%dma_start3A_16 : memref<128xi32, #tpu.memory_space<vmem>>) target_semaphore(%arg10 : memref<!tpu.dma_semaphore, #tpu.memory_space<semaphore_mem>>)
    %add3A_18 = arith.constant 8192 : i32
    %add3A_19 = arith.addi %add3A_18, %mul3A_2 : i32
    %dma_start3A_20 = arith.constant 256 : i32
    %dma_start3A_21 = tpu.memref_slice %arg5[%dma_start3A_20] : memref<6400xi32, #tpu.memory_space<vmem>> -> memref<128xi32, #tpu.memory_space<vmem>>
    %dma_start3A_22 = tpu.memref_slice %arg2[%add3A_19] : memref<204800xi32, #tpu.memory_space<hbm>> -> memref<128xi32, #tpu.memory_space<hbm>>
    %dma_start3A_23 = arith.constant 256 : i32
    %dma_start3A_24 = tpu.memref_slice %arg5[%dma_start3A_23] : memref<6400xi32, #tpu.memory_space<vmem>> -> memref<128xi32, #tpu.memory_space<vmem>>
    %dma_start3A_25 = tpu.memref_slice %arg2[%add3A_19] : memref<204800xi32, #tpu.memory_space<hbm>> -> memref<128xi32, #tpu.memory_space<hbm>>
    tpu.enqueue_dma source(%dma_start3A_25 : memref<128xi32, #tpu.memory_space<hbm>>) target(%dma_start3A_24 : memref<128xi32, #tpu.memory_space<vmem>>) target_semaphore(%arg10 : memref<!tpu.dma_semaphore, #tpu.memory_space<semaphore_mem>>)
    %add3A_26 = arith.constant 12288 : i32
    %add3A_27 = arith.addi %add3A_26, %mul3A_2 : i32
    %dma_start3A_28 = arith.constant 384 : i32
    %dma_start3A_29 = tpu.memref_slice %arg5[%dma_start3A_28] : memref<6400xi32, #tpu.memory_space<vmem>> -> memref<128xi32, #tpu.memory_space<vmem>>
    %dma_start3A_30 = tpu.memref_slice %arg2[%add3A_27] : memref<204800xi32, #tpu.memory_space<hbm>> -> memref<128xi32, #tpu.memory_space<hbm>>
    %dma_start3A_31 = arith.constant 384 : i32
    %dma_start3A_32 = tpu.memref_slice %arg5[%dma_start3A_31] : memref<6400xi32, #tpu.memory_space<vmem>> -> memref<128xi32, #tpu.memory_space<vmem>>
    %dma_start3A_33 = tpu.memref_slice %arg2[%add3A_27] : memref<204800xi32, #tpu.memory_space<hbm>> -> memref<128xi32, #tpu.memory_space<hbm>>
    tpu.enqueue_dma source(%dma_start3A_33 : memref<128xi32, #tpu.memory_space<hbm>>) target(%dma_start3A_32 : memref<128xi32, #tpu.memory_space<vmem>>) target_semaphore(%arg10 : memref<!tpu.dma_semaphore, #tpu.memory_space<semaphore_mem>>)
    %add3A_34 = arith.constant 16384 : i32
    %add3A_35 = arith.addi %add3A_34, %mul3A_2 : i32
    %dma_start3A_36 = arith.constant 512 : i32
    %dma_start3A_37 = tpu.memref_slice %arg5[%dma_start3A_36] : memref<6400xi32, #tpu.memory_space<vmem>> -> memref<128xi32, #tpu.memory_space<vmem>>
    %dma_start3A_38 = tpu.memref_slice %arg2[%add3A_35] : memref<204800xi32, #tpu.memory_space<hbm>> -> memref<128xi32, #tpu.memory_space<hbm>>
    %dma_start3A_39 = arith.constant 512 : i32
    %dma_start3A_40 = tpu.memref_slice %arg5[%dma_start3A_39] : memref<6400xi32, #tpu.memory_space<vmem>> -> memref<128xi32, #tpu.memory_space<vmem>>
    %dma_start3A_41 = tpu.memref_slice %arg2[%add3A_35] : memref<204800xi32, #tpu.memory_space<hbm>> -> memref<128xi32, #tpu.memory_space<hbm>>
    tpu.enqueue_dma source(%dma_start3A_41 : memref<128xi32, #tpu.memory_space<hbm>>) target(%dma_start3A_40 : memref<128xi32, #tpu.memory_space<vmem>>) target_semaphore(%arg10 : memref<!tpu.dma_semaphore, #tpu.memory_space<semaphore_mem>>)
    %add3A_42 = arith.constant 20480 : i32
    %add3A_43 = arith.addi %add3A_42, %mul3A_2 : i32
    %dma_start3A_44 = arith.constant 640 : i32
    %dma_start3A_45 = tpu.memref_slice %arg5[%dma_start3A_44] : memref<6400xi32, #tpu.memory_space<vmem>> -> memref<128xi32, #tpu.memory_space<vmem>>
    %dma_start3A_46 = tpu.memref_slice %arg2[%add3A_43] : memref<204800xi32, #tpu.memory_space<hbm>> -> memref<128xi32, #tpu.memory_space<hbm>>
    %dma_start3A_47 = arith.constant 640 : i32
    %dma_start3A_48 = tpu.memref_slice %arg5[%dma_start3A_47] : memref<6400xi32, #tpu.memory_space<vmem>> -> memref<128xi32, #tpu.memory_space<vmem>>
    %dma_start3A_49 = tpu.memref_slice %arg2[%add3A_43] : memref<204800xi32, #tpu.memory_space<hbm>> -> memref<128xi32, #tpu.memory_space<hbm>>
    tpu.enqueue_dma source(%dma_start3A_49 : memref<128xi32, #tpu.memory_space<hbm>>) target(%dma_start3A_48 : memref<128xi32, #tpu.memory_space<vmem>>) target_semaphore(%arg10 : memref<!tpu.dma_semaphore, #tpu.memory_space<semaphore_mem>>)
    %add3A_50 = arith.constant 24576 : i32
    %add3A_51 = arith.addi %add3A_50, %mul3A_2 : i32
    %dma_start3A_52 = arith.constant 768 : i32
    %dma_start3A_53 = tpu.memref_slice %arg5[%dma_start3A_52] : memref<6400xi32, #tpu.memory_space<vmem>> -> memref<128xi32, #tpu.memory_space<vmem>>
    %dma_start3A_54 = tpu.memref_slice %arg2[%add3A_51] : memref<204800xi32, #tpu.memory_space<hbm>> -> memref<128xi32, #tpu.memory_space<hbm>>
    %dma_start3A_55 = arith.constant 768 : i32
    %dma_start3A_56 = tpu.memref_slice %arg5[%dma_start3A_55] : memref<6400xi32, #tpu.memory_space<vmem>> -> memref<128xi32, #tpu.memory_space<vmem>>
    %dma_start3A_57 = tpu.memref_slice %arg2[%add3A_51] : memref<204800xi32, #tpu.memory_space<hbm>> -> memref<128xi32, #tpu.memory_space<hbm>>
    tpu.enqueue_dma source(%dma_start3A_57 : memref<128xi32, #tpu.memory_space<hbm>>) target(%dma_start3A_56 : memref<128xi32, #tpu.memory_space<vmem>>) target_semaphore(%arg10 : memref<!tpu.dma_semaphore, #tpu.memory_space<semaphore_mem>>)
    %add3A_58 = arith.constant 28672 : i32
    %add3A_59 = arith.addi %add3A_58, %mul3A_2 : i32
    %dma_start3A_60 = arith.constant 896 : i32
    %dma_start3A_61 = tpu.memref_slice %arg5[%dma_start3A_60] : memref<6400xi32, #tpu.memory_space<vmem>> -> memref<128xi32, #tpu.memory_space<vmem>>
    %dma_start3A_62 = tpu.memref_slice %arg2[%add3A_59] : memref<204800xi32, #tpu.memory_space<hbm>> -> memref<128xi32, #tpu.memory_space<hbm>>
    %dma_start3A_63 = arith.constant 896 : i32
    %dma_start3A_64 = tpu.memref_slice %arg5[%dma_start3A_63] : memref<6400xi32, #tpu.memory_space<vmem>> -> memref<128xi32, #tpu.memory_space<vmem>>
    %dma_start3A_65 = tpu.memref_slice %arg2[%add3A_59] : memref<204800xi32, #tpu.memory_space<hbm>> -> memref<128xi32, #tpu.memory_space<hbm>>
    tpu.enqueue_dma source(%dma_start3A_65 : memref<128xi32, #tpu.memory_space<hbm>>) target(%dma_start3A_64 : memref<128xi32, #tpu.memory_space<vmem>>) target_semaphore(%arg10 : memref<!tpu.dma_semaphore, #tpu.memory_space<semaphore_mem>>)
    %add3A_66 = arith.constant 32768 : i32
    %add3A_67 = arith.addi %add3A_66, %mul3A_2 : i32
    %dma_start3A_68 = arith.constant 1024 : i32
    %dma_start3A_69 = tpu.memref_slice %arg5[%dma_start3A_68] : memref<6400xi32, #tpu.memory_space<vmem>> -> memref<128xi32, #tpu.memory_space<vmem>>
    %dma_start3A_70 = tpu.memref_slice %arg2[%add3A_67] : memref<204800xi32, #tpu.memory_space<hbm>> -> memref<128xi32, #tpu.memory_space<hbm>>
    %dma_start3A_71 = arith.constant 1024 : i32
    %dma_start3A_72 = tpu.memref_slice %arg5[%dma_start3A_71] : memref<6400xi32, #tpu.memory_space<vmem>> -> memref<128xi32, #tpu.memory_space<vmem>>
    %dma_start3A_73 = tpu.memref_slice %arg2[%add3A_67] : memref<204800xi32, #tpu.memory_space<hbm>> -> memref<128xi32, #tpu.memory_space<hbm>>
    tpu.enqueue_dma source(%dma_start3A_73 : memref<128xi32, #tpu.memory_space<hbm>>) target(%dma_start3A_72 : memref<128xi32, #tpu.memory_space<vmem>>) target_semaphore(%arg10 : memref<!tpu.dma_semaphore, #tpu.memory_space<semaphore_mem>>)
    %add3A_74 = arith.constant 36864 : i32
    %add3A_75 = arith.addi %add3A_74, %mul3A_2 : i32
    %dma_start3A_76 = arith.constant 1152 : i32
    %dma_start3A_77 = tpu.memref_slice %arg5[%dma_start3A_76] : memref<6400xi32, #tpu.memory_space<vmem>> -> memref<128xi32, #tpu.memory_space<vmem>>
    %dma_start3A_78 = tpu.memref_slice %arg2[%add3A_75] : memref<204800xi32, #tpu.memory_space<hbm>> -> memref<128xi32, #tpu.memory_space<hbm>>
    %dma_start3A_79 = arith.constant 1152 : i32
    %dma_start3A_80 = tpu.memref_slice %arg5[%dma_start3A_79] : memref<6400xi32, #tpu.memory_space<vmem>> -> memref<128xi32, #tpu.memory_space<vmem>>
    %dma_start3A_81 = tpu.memref_slice %arg2[%add3A_75] : memref<204800xi32, #tpu.memory_space<hbm>> -> memref<128xi32, #tpu.memory_space<hbm>>
    tpu.enqueue_dma source(%dma_start3A_81 : memref<128xi32, #tpu.memory_space<hbm>>) target(%dma_start3A_80 : memref<128xi32, #tpu.memory_space<vmem>>) target_semaphore(%arg10 : memref<!tpu.dma_semaphore, #tpu.memory_space<semaphore_mem>>)
    %add3A_82 = arith.constant 40960 : i32
    %add3A_83 = arith.addi %add3A_82, %mul3A_2 : i32
    %dma_start3A_84 = arith.constant 1280 : i32
    %dma_start3A_85 = tpu.memref_slice %arg5[%dma_start3A_84] : memref<6400xi32, #tpu.memory_space<vmem>> -> memref<128xi32, #tpu.memory_space<vmem>>
    %dma_start3A_86 = tpu.memref_slice %arg2[%add3A_83] : memref<204800xi32, #tpu.memory_space<hbm>> -> memref<128xi32, #tpu.memory_space<hbm>>
    %dma_start3A_87 = arith.constant 1280 : i32
    %dma_start3A_88 = tpu.memref_slice %arg5[%dma_start3A_87] : memref<6400xi32, #tpu.memory_space<vmem>> -> memref<128xi32, #tpu.memory_space<vmem>>
    %dma_start3A_89 = tpu.memref_slice %arg2[%add3A_83] : memref<204800xi32, #tpu.memory_space<hbm>> -> memref<128xi32, #tpu.memory_space<hbm>>
    tpu.enqueue_dma source(%dma_start3A_89 : memref<128xi32, #tpu.memory_space<hbm>>) target(%dma_start3A_88 : memref<128xi32, #tpu.memory_space<vmem>>) target_semaphore(%arg10 : memref<!tpu.dma_semaphore, #tpu.memory_space<semaphore_mem>>)
    %add3A_90 = arith.constant 45056 : i32
    %add3A_91 = arith.addi %add3A_90, %mul3A_2 : i32
    %dma_start3A_92 = arith.constant 1408 : i32
    %dma_start3A_93 = tpu.memref_slice %arg5[%dma_start3A_92] : memref<6400xi32, #tpu.memory_space<vmem>> -> memref<128xi32, #tpu.memory_space<vmem>>
    %dma_start3A_94 = tpu.memref_slice %arg2[%add3A_91] : memref<204800xi32, #tpu.memory_space<hbm>> -> memref<128xi32, #tpu.memory_space<hbm>>
    %dma_start3A_95 = arith.constant 1408 : i32
    %dma_start3A_96 = tpu.memref_slice %arg5[%dma_start3A_95] : memref<6400xi32, #tpu.memory_space<vmem>> -> memref<128xi32, #tpu.memory_space<vmem>>
    %dma_start3A_97 = tpu.memref_slice %arg2[%add3A_91] : memref<204800xi32, #tpu.memory_space<hbm>> -> memref<128xi32, #tpu.memory_space<hbm>>
    tpu.enqueue_dma source(%dma_start3A_97 : memref<128xi32, #tpu.memory_space<hbm>>) target(%dma_start3A_96 : memref<128xi32, #tpu.memory_space<vmem>>) target_semaphore(%arg10 : memref<!tpu.dma_semaphore, #tpu.memory_space<semaphore_mem>>)
    %add3A_98 = arith.constant 49152 : i32
    %add3A_99 = arith.addi %add3A_98, %mul3A_2 : i32
    %dma_start3A_100 = arith.constant 1536 : i32
    %dma_start3A_101 = tpu.memref_slice %arg5[%dma_start3A_100] : memref<6400xi32, #tpu.memory_space<vmem>> -> memref<128xi32, #tpu.memory_space<vmem>>
    %dma_start3A_102 = tpu.memref_slice %arg2[%add3A_99] : memref<204800xi32, #tpu.memory_space<hbm>> -> memref<128xi32, #tpu.memory_space<hbm>>
    %dma_start3A_103 = arith.constant 1536 : i32
    %dma_start3A_104 = tpu.memref_slice %arg5[%dma_start3A_103] : memref<6400xi32, #tpu.memory_space<vmem>> -> memref<128xi32, #tpu.memory_space<vmem>>
    %dma_start3A_105 = tpu.memref_slice %arg2[%add3A_99] : memref<204800xi32, #tpu.memory_space<hbm>> -> memref<128xi32, #tpu.memory_space<hbm>>
    tpu.enqueue_dma source(%dma_start3A_105 : memref<128xi32, #tpu.memory_space<hbm>>) target(%dma_start3A_104 : memref<128xi32, #tpu.memory_space<vmem>>) target_semaphore(%arg10 : memref<!tpu.dma_semaphore, #tpu.memory_space<semaphore_mem>>)
    %add3A_106 = arith.constant 53248 : i32
    %add3A_107 = arith.addi %add3A_106, %mul3A_2 : i32
    %dma_start3A_108 = arith.constant 1664 : i32
    %dma_start3A_109 = tpu.memref_slice %arg5[%dma_start3A_108] : memref<6400xi32, #tpu.memory_space<vmem>> -> memref<128xi32, #tpu.memory_space<vmem>>
    %dma_start3A_110 = tpu.memref_slice %arg2[%add3A_107] : memref<204800xi32, #tpu.memory_space<hbm>> -> memref<128xi32, #tpu.memory_space<hbm>>
    %dma_start3A_111 = arith.constant 1664 : i32
    %dma_start3A_112 = tpu.memref_slice %arg5[%dma_start3A_111] : memref<6400xi32, #tpu.memory_space<vmem>> -> memref<128xi32, #tpu.memory_space<vmem>>
    %dma_start3A_113 = tpu.memref_slice %arg2[%add3A_107] : memref<204800xi32, #tpu.memory_space<hbm>> -> memref<128xi32, #tpu.memory_space<hbm>>
    tpu.enqueue_dma source(%dma_start3A_113 : memref<128xi32, #tpu.memory_space<hbm>>) target(%dma_start3A_112 : memref<128xi32, #tpu.memory_space<vmem>>) target_semaphore(%arg10 : memref<!tpu.dma_semaphore, #tpu.memory_space<semaphore_mem>>)
    %add3A_114 = arith.constant 57344 : i32
    %add3A_115 = arith.addi %add3A_114, %mul3A_2 : i32
    %dma_start3A_116 = arith.constant 1792 : i32
    %dma_start3A_117 = tpu.memref_slice %arg5[%dma_start3A_116] : memref<6400xi32, #tpu.memory_space<vmem>> -> memref<128xi32, #tpu.memory_space<vmem>>
    %dma_start3A_118 = tpu.memref_slice %arg2[%add3A_115] : memref<204800xi32, #tpu.memory_space<hbm>> -> memref<128xi32, #tpu.memory_space<hbm>>
    %dma_start3A_119 = arith.constant 1792 : i32
    %dma_start3A_120 = tpu.memref_slice %arg5[%dma_start3A_119] : memref<6400xi32, #tpu.memory_space<vmem>> -> memref<128xi32, #tpu.memory_space<vmem>>
    %dma_start3A_121 = tpu.memref_slice %arg2[%add3A_115] : memref<204800xi32, #tpu.memory_space<hbm>> -> memref<128xi32, #tpu.memory_space<hbm>>
    tpu.enqueue_dma source(%dma_start3A_121 : memref<128xi32, #tpu.memory_space<hbm>>) target(%dma_start3A_120 : memref<128xi32, #tpu.memory_space<vmem>>) target_semaphore(%arg10 : memref<!tpu.dma_semaphore, #tpu.memory_space<semaphore_mem>>)
    %add3A_122 = arith.constant 61440 : i32
    %add3A_123 = arith.addi %add3A_122, %mul3A_2 : i32
    %dma_start3A_124 = arith.constant 1920 : i32
    %dma_start3A_125 = tpu.memref_slice %arg5[%dma_start3A_124] : memref<6400xi32, #tpu.memory_space<vmem>> -> memref<128xi32, #tpu.memory_space<vmem>>
    %dma_start3A_126 = tpu.memref_slice %arg2[%add3A_123] : memref<204800xi32, #tpu.memory_space<hbm>> -> memref<128xi32, #tpu.memory_space<hbm>>
    %dma_start3A_127 = arith.constant 1920 : i32
    %dma_start3A_128 = tpu.memref_slice %arg5[%dma_start3A_127] : memref<6400xi32, #tpu.memory_space<vmem>> -> memref<128xi32, #tpu.memory_space<vmem>>
    %dma_start3A_129 = tpu.memref_slice %arg2[%add3A_123] : memref<204800xi32, #tpu.memory_space<hbm>> -> memref<128xi32, #tpu.memory_space<hbm>>
    tpu.enqueue_dma source(%dma_start3A_129 : memref<128xi32, #tpu.memory_space<hbm>>) target(%dma_start3A_128 : memref<128xi32, #tpu.memory_space<vmem>>) target_semaphore(%arg10 : memref<!tpu.dma_semaphore, #tpu.memory_space<semaphore_mem>>)
    %add3A_130 = arith.constant 65536 : i32
    %add3A_131 = arith.addi %add3A_130, %mul3A_2 : i32
    %dma_start3A_132 = arith.constant 2048 : i32
    %dma_start3A_133 = tpu.memref_slice %arg5[%dma_start3A_132] : memref<6400xi32, #tpu.memory_space<vmem>> -> memref<128xi32, #tpu.memory_space<vmem>>
    %dma_start3A_134 = tpu.memref_slice %arg2[%add3A_131] : memref<204800xi32, #tpu.memory_space<hbm>> -> memref<128xi32, #tpu.memory_space<hbm>>
    %dma_start3A_135 = arith.constant 2048 : i32
    %dma_start3A_136 = tpu.memref_slice %arg5[%dma_start3A_135] : memref<6400xi32, #tpu.memory_space<vmem>> -> memref<128xi32, #tpu.memory_space<vmem>>
    %dma_start3A_137 = tpu.memref_slice %arg2[%add3A_131] : memref<204800xi32, #tpu.memory_space<hbm>> -> memref<128xi32, #tpu.memory_space<hbm>>
    tpu.enqueue_dma source(%dma_start3A_137 : memref<128xi32, #tpu.memory_space<hbm>>) target(%dma_start3A_136 : memref<128xi32, #tpu.memory_space<vmem>>) target_semaphore(%arg10 : memref<!tpu.dma_semaphore, #tpu.memory_space<semaphore_mem>>)
    %add3A_138 = arith.constant 69632 : i32
    %add3A_139 = arith.addi %add3A_138, %mul3A_2 : i32
    %dma_start3A_140 = arith.constant 2176 : i32
    %dma_start3A_141 = tpu.memref_slice %arg5[%dma_start3A_140] : memref<6400xi32, #tpu.memory_space<vmem>> -> memref<128xi32, #tpu.memory_space<vmem>>
    %dma_start3A_142 = tpu.memref_slice %arg2[%add3A_139] : memref<204800xi32, #tpu.memory_space<hbm>> -> memref<128xi32, #tpu.memory_space<hbm>>
    %dma_start3A_143 = arith.constant 2176 : i32
    %dma_start3A_144 = tpu.memref_slice %arg5[%dma_start3A_143] : memref<6400xi32, #tpu.memory_space<vmem>> -> memref<128xi32, #tpu.memory_space<vmem>>
    %dma_start3A_145 = tpu.memref_slice %arg2[%add3A_139] : memref<204800xi32, #tpu.memory_space<hbm>> -> memref<128xi32, #tpu.memory_space<hbm>>
    tpu.enqueue_dma source(%dma_start3A_145 : memref<128xi32, #tpu.memory_space<hbm>>) target(%dma_start3A_144 : memref<128xi32, #tpu.memory_space<vmem>>) target_semaphore(%arg10 : memref<!tpu.dma_semaphore, #tpu.memory_space<semaphore_mem>>)
    %add3A_146 = arith.constant 73728 : i32
    %add3A_147 = arith.addi %add3A_146, %mul3A_2 : i32
    %dma_start3A_148 = arith.constant 2304 : i32
    %dma_start3A_149 = tpu.memref_slice %arg5[%dma_start3A_148] : memref<6400xi32, #tpu.memory_space<vmem>> -> memref<128xi32, #tpu.memory_space<vmem>>
    %dma_start3A_150 = tpu.memref_slice %arg2[%add3A_147] : memref<204800xi32, #tpu.memory_space<hbm>> -> memref<128xi32, #tpu.memory_space<hbm>>
    %dma_start3A_151 = arith.constant 2304 : i32
    %dma_start3A_152 = tpu.memref_slice %arg5[%dma_start3A_151] : memref<6400xi32, #tpu.memory_space<vmem>> -> memref<128xi32, #tpu.memory_space<vmem>>
    %dma_start3A_153 = tpu.memref_slice %arg2[%add3A_147] : memref<204800xi32, #tpu.memory_space<hbm>> -> memref<128xi32, #tpu.memory_space<hbm>>
    tpu.enqueue_dma source(%dma_start3A_153 : memref<128xi32, #tpu.memory_space<hbm>>) target(%dma_start3A_152 : memref<128xi32, #tpu.memory_space<vmem>>) target_semaphore(%arg10 : memref<!tpu.dma_semaphore, #tpu.memory_space<semaphore_mem>>)
    %add3A_154 = arith.constant 77824 : i32
    %add3A_155 = arith.addi %add3A_154, %mul3A_2 : i32
    %dma_start3A_156 = arith.constant 2432 : i32
    %dma_start3A_157 = tpu.memref_slice %arg5[%dma_start3A_156] : memref<6400xi32, #tpu.memory_space<vmem>> -> memref<128xi32, #tpu.memory_space<vmem>>
    %dma_start3A_158 = tpu.memref_slice %arg2[%add3A_155] : memref<204800xi32, #tpu.memory_space<hbm>> -> memref<128xi32, #tpu.memory_space<hbm>>
    %dma_start3A_159 = arith.constant 2432 : i32
    %dma_start3A_160 = tpu.memref_slice %arg5[%dma_start3A_159] : memref<6400xi32, #tpu.memory_space<vmem>> -> memref<128xi32, #tpu.memory_space<vmem>>
    %dma_start3A_161 = tpu.memref_slice %arg2[%add3A_155] : memref<204800xi32, #tpu.memory_space<hbm>> -> memref<128xi32, #tpu.memory_space<hbm>>
    tpu.enqueue_dma source(%dma_start3A_161 : memref<128xi32, #tpu.memory_space<hbm>>) target(%dma_start3A_160 : memref<128xi32, #tpu.memory_space<vmem>>) target_semaphore(%arg10 : memref<!tpu.dma_semaphore, #tpu.memory_space<semaphore_mem>>)
    %add3A_162 = arith.constant 81920 : i32
    %add3A_163 = arith.addi %add3A_162, %mul3A_2 : i32
    %dma_start3A_164 = arith.constant 2560 : i32
    %dma_start3A_165 = tpu.memref_slice %arg5[%dma_start3A_164] : memref<6400xi32, #tpu.memory_space<vmem>> -> memref<128xi32, #tpu.memory_space<vmem>>
    %dma_start3A_166 = tpu.memref_slice %arg2[%add3A_163] : memref<204800xi32, #tpu.memory_space<hbm>> -> memref<128xi32, #tpu.memory_space<hbm>>
    %dma_start3A_167 = arith.constant 2560 : i32
    %dma_start3A_168 = tpu.memref_slice %arg5[%dma_start3A_167] : memref<6400xi32, #tpu.memory_space<vmem>> -> memref<128xi32, #tpu.memory_space<vmem>>
    %dma_start3A_169 = tpu.memref_slice %arg2[%add3A_163] : memref<204800xi32, #tpu.memory_space<hbm>> -> memref<128xi32, #tpu.memory_space<hbm>>
    tpu.enqueue_dma source(%dma_start3A_169 : memref<128xi32, #tpu.memory_space<hbm>>) target(%dma_start3A_168 : memref<128xi32, #tpu.memory_space<vmem>>) target_semaphore(%arg10 : memref<!tpu.dma_semaphore, #tpu.memory_space<semaphore_mem>>)
    %add3A_170 = arith.constant 86016 : i32
    %add3A_171 = arith.addi %add3A_170, %mul3A_2 : i32
    %dma_start3A_172 = arith.constant 2688 : i32
    %dma_start3A_173 = tpu.memref_slice %arg5[%dma_start3A_172] : memref<6400xi32, #tpu.memory_space<vmem>> -> memref<128xi32, #tpu.memory_space<vmem>>
    %dma_start3A_174 = tpu.memref_slice %arg2[%add3A_171] : memref<204800xi32, #tpu.memory_space<hbm>> -> memref<128xi32, #tpu.memory_space<hbm>>
    %dma_start3A_175 = arith.constant 2688 : i32
    %dma_start3A_176 = tpu.memref_slice %arg5[%dma_start3A_175] : memref<6400xi32, #tpu.memory_space<vmem>> -> memref<128xi32, #tpu.memory_space<vmem>>
    %dma_start3A_177 = tpu.memref_slice %arg2[%add3A_171] : memref<204800xi32, #tpu.memory_space<hbm>> -> memref<128xi32, #tpu.memory_space<hbm>>
    tpu.enqueue_dma source(%dma_start3A_177 : memref<128xi32, #tpu.memory_space<hbm>>) target(%dma_start3A_176 : memref<128xi32, #tpu.memory_space<vmem>>) target_semaphore(%arg10 : memref<!tpu.dma_semaphore, #tpu.memory_space<semaphore_mem>>)
    %add3A_178 = arith.constant 90112 : i32
    %add3A_179 = arith.addi %add3A_178, %mul3A_2 : i32
    %dma_start3A_180 = arith.constant 2816 : i32
    %dma_start3A_181 = tpu.memref_slice %arg5[%dma_start3A_180] : memref<6400xi32, #tpu.memory_space<vmem>> -> memref<128xi32, #tpu.memory_space<vmem>>
    %dma_start3A_182 = tpu.memref_slice %arg2[%add3A_179] : memref<204800xi32, #tpu.memory_space<hbm>> -> memref<128xi32, #tpu.memory_space<hbm>>
    %dma_start3A_183 = arith.constant 2816 : i32
    %dma_start3A_184 = tpu.memref_slice %arg5[%dma_start3A_183] : memref<6400xi32, #tpu.memory_space<vmem>> -> memref<128xi32, #tpu.memory_space<vmem>>
    %dma_start3A_185 = tpu.memref_slice %arg2[%add3A_179] : memref<204800xi32, #tpu.memory_space<hbm>> -> memref<128xi32, #tpu.memory_space<hbm>>
    tpu.enqueue_dma source(%dma_start3A_185 : memref<128xi32, #tpu.memory_space<hbm>>) target(%dma_start3A_184 : memref<128xi32, #tpu.memory_space<vmem>>) target_semaphore(%arg10 : memref<!tpu.dma_semaphore, #tpu.memory_space<semaphore_mem>>)
    %add3A_186 = arith.constant 94208 : i32
    %add3A_187 = arith.addi %add3A_186, %mul3A_2 : i32
    %dma_start3A_188 = arith.constant 2944 : i32
    %dma_start3A_189 = tpu.memref_slice %arg5[%dma_start3A_188] : memref<6400xi32, #tpu.memory_space<vmem>> -> memref<128xi32, #tpu.memory_space<vmem>>
    %dma_start3A_190 = tpu.memref_slice %arg2[%add3A_187] : memref<204800xi32, #tpu.memory_space<hbm>> -> memref<128xi32, #tpu.memory_space<hbm>>
    %dma_start3A_191 = arith.constant 2944 : i32
    %dma_start3A_192 = tpu.memref_slice %arg5[%dma_start3A_191] : memref<6400xi32, #tpu.memory_space<vmem>> -> memref<128xi32, #tpu.memory_space<vmem>>
    %dma_start3A_193 = tpu.memref_slice %arg2[%add3A_187] : memref<204800xi32, #tpu.memory_space<hbm>> -> memref<128xi32, #tpu.memory_space<hbm>>
    tpu.enqueue_dma source(%dma_start3A_193 : memref<128xi32, #tpu.memory_space<hbm>>) target(%dma_start3A_192 : memref<128xi32, #tpu.memory_space<vmem>>) target_semaphore(%arg10 : memref<!tpu.dma_semaphore, #tpu.memory_space<semaphore_mem>>)
    %add3A_194 = arith.constant 98304 : i32
    %add3A_195 = arith.addi %add3A_194, %mul3A_2 : i32
    %dma_start3A_196 = arith.constant 3072 : i32
    %dma_start3A_197 = tpu.memref_slice %arg5[%dma_start3A_196] : memref<6400xi32, #tpu.memory_space<vmem>> -> memref<128xi32, #tpu.memory_space<vmem>>
    %dma_start3A_198 = tpu.memref_slice %arg2[%add3A_195] : memref<204800xi32, #tpu.memory_space<hbm>> -> memref<128xi32, #tpu.memory_space<hbm>>
    %dma_start3A_199 = arith.constant 3072 : i32
    %dma_start3A_200 = tpu.memref_slice %arg5[%dma_start3A_199] : memref<6400xi32, #tpu.memory_space<vmem>> -> memref<128xi32, #tpu.memory_space<vmem>>
    %dma_start3A_201 = tpu.memref_slice %arg2[%add3A_195] : memref<204800xi32, #tpu.memory_space<hbm>> -> memref<128xi32, #tpu.memory_space<hbm>>
    tpu.enqueue_dma source(%dma_start3A_201 : memref<128xi32, #tpu.memory_space<hbm>>) target(%dma_start3A_200 : memref<128xi32, #tpu.memory_space<vmem>>) target_semaphore(%arg10 : memref<!tpu.dma_semaphore, #tpu.memory_space<semaphore_mem>>)
    %add3A_202 = arith.constant 102400 : i32
    %add3A_203 = arith.addi %add3A_202, %mul3A_2 : i32
    %dma_start3A_204 = arith.constant 3200 : i32
    %dma_start3A_205 = tpu.memref_slice %arg5[%dma_start3A_204] : memref<6400xi32, #tpu.memory_space<vmem>> -> memref<128xi32, #tpu.memory_space<vmem>>
    %dma_start3A_206 = tpu.memref_slice %arg2[%add3A_203] : memref<204800xi32, #tpu.memory_space<hbm>> -> memref<128xi32, #tpu.memory_space<hbm>>
    %dma_start3A_207 = arith.constant 3200 : i32
    %dma_start3A_208 = tpu.memref_slice %arg5[%dma_start3A_207] : memref<6400xi32, #tpu.memory_space<vmem>> -> memref<128xi32, #tpu.memory_space<vmem>>
    %dma_start3A_209 = tpu.memref_slice %arg2[%add3A_203] : memref<204800xi32, #tpu.memory_space<hbm>> -> memref<128xi32, #tpu.memory_space<hbm>>
    tpu.enqueue_dma source(%dma_start3A_209 : memref<128xi32, #tpu.memory_space<hbm>>) target(%dma_start3A_208 : memref<128xi32, #tpu.memory_space<vmem>>) target_semaphore(%arg10 : memref<!tpu.dma_semaphore, #tpu.memory_space<semaphore_mem>>)
    %add3A_210 = arith.constant 106496 : i32
    %add3A_211 = arith.addi %add3A_210, %mul3A_2 : i32
    %dma_start3A_212 = arith.constant 3328 : i32
    %dma_start3A_213 = tpu.memref_slice %arg5[%dma_start3A_212] : memref<6400xi32, #tpu.memory_space<vmem>> -> memref<128xi32, #tpu.memory_space<vmem>>
    %dma_start3A_214 = tpu.memref_slice %arg2[%add3A_211] : memref<204800xi32, #tpu.memory_space<hbm>> -> memref<128xi32, #tpu.memory_space<hbm>>
    %dma_start3A_215 = arith.constant 3328 : i32
    %dma_start3A_216 = tpu.memref_slice %arg5[%dma_start3A_215] : memref<6400xi32, #tpu.memory_space<vmem>> -> memref<128xi32, #tpu.memory_space<vmem>>
    %dma_start3A_217 = tpu.memref_slice %arg2[%add3A_211] : memref<204800xi32, #tpu.memory_space<hbm>> -> memref<128xi32, #tpu.memory_space<hbm>>
    tpu.enqueue_dma source(%dma_start3A_217 : memref<128xi32, #tpu.memory_space<hbm>>) target(%dma_start3A_216 : memref<128xi32, #tpu.memory_space<vmem>>) target_semaphore(%arg10 : memref<!tpu.dma_semaphore, #tpu.memory_space<semaphore_mem>>)
    %add3A_218 = arith.constant 110592 : i32
    %add3A_219 = arith.addi %add3A_218, %mul3A_2 : i32
    %dma_start3A_220 = arith.constant 3456 : i32
    %dma_start3A_221 = tpu.memref_slice %arg5[%dma_start3A_220] : memref<6400xi32, #tpu.memory_space<vmem>> -> memref<128xi32, #tpu.memory_space<vmem>>
    %dma_start3A_222 = tpu.memref_slice %arg2[%add3A_219] : memref<204800xi32, #tpu.memory_space<hbm>> -> memref<128xi32, #tpu.memory_space<hbm>>
    %dma_start3A_223 = arith.constant 3456 : i32
    %dma_start3A_224 = tpu.memref_slice %arg5[%dma_start3A_223] : memref<6400xi32, #tpu.memory_space<vmem>> -> memref<128xi32, #tpu.memory_space<vmem>>
    %dma_start3A_225 = tpu.memref_slice %arg2[%add3A_219] : memref<204800xi32, #tpu.memory_space<hbm>> -> memref<128xi32, #tpu.memory_space<hbm>>
    tpu.enqueue_dma source(%dma_start3A_225 : memref<128xi32, #tpu.memory_space<hbm>>) target(%dma_start3A_224 : memref<128xi32, #tpu.memory_space<vmem>>) target_semaphore(%arg10 : memref<!tpu.dma_semaphore, #tpu.memory_space<semaphore_mem>>)
    %add3A_226 = arith.constant 114688 : i32
    %add3A_227 = arith.addi %add3A_226, %mul3A_2 : i32
    %dma_start3A_228 = arith.constant 3584 : i32
    %dma_start3A_229 = tpu.memref_slice %arg5[%dma_start3A_228] : memref<6400xi32, #tpu.memory_space<vmem>> -> memref<128xi32, #tpu.memory_space<vmem>>
    %dma_start3A_230 = tpu.memref_slice %arg2[%add3A_227] : memref<204800xi32, #tpu.memory_space<hbm>> -> memref<128xi32, #tpu.memory_space<hbm>>
    %dma_start3A_231 = arith.constant 3584 : i32
    %dma_start3A_232 = tpu.memref_slice %arg5[%dma_start3A_231] : memref<6400xi32, #tpu.memory_space<vmem>> -> memref<128xi32, #tpu.memory_space<vmem>>
    %dma_start3A_233 = tpu.memref_slice %arg2[%add3A_227] : memref<204800xi32, #tpu.memory_space<hbm>> -> memref<128xi32, #tpu.memory_space<hbm>>
    tpu.enqueue_dma source(%dma_start3A_233 : memref<128xi32, #tpu.memory_space<hbm>>) target(%dma_start3A_232 : memref<128xi32, #tpu.memory_space<vmem>>) target_semaphore(%arg10 : memref<!tpu.dma_semaphore, #tpu.memory_space<semaphore_mem>>)
    %add3A_234 = arith.constant 118784 : i32
    %add3A_235 = arith.addi %add3A_234, %mul3A_2 : i32
    %dma_start3A_236 = arith.constant 3712 : i32
    %dma_start3A_237 = tpu.memref_slice %arg5[%dma_start3A_236] : memref<6400xi32, #tpu.memory_space<vmem>> -> memref<128xi32, #tpu.memory_space<vmem>>
    %dma_start3A_238 = tpu.memref_slice %arg2[%add3A_235] : memref<204800xi32, #tpu.memory_space<hbm>> -> memref<128xi32, #tpu.memory_space<hbm>>
    %dma_start3A_239 = arith.constant 3712 : i32
    %dma_start3A_240 = tpu.memref_slice %arg5[%dma_start3A_239] : memref<6400xi32, #tpu.memory_space<vmem>> -> memref<128xi32, #tpu.memory_space<vmem>>
    %dma_start3A_241 = tpu.memref_slice %arg2[%add3A_235] : memref<204800xi32, #tpu.memory_space<hbm>> -> memref<128xi32, #tpu.memory_space<hbm>>
    tpu.enqueue_dma source(%dma_start3A_241 : memref<128xi32, #tpu.memory_space<hbm>>) target(%dma_start3A_240 : memref<128xi32, #tpu.memory_space<vmem>>) target_semaphore(%arg10 : memref<!tpu.dma_semaphore, #tpu.memory_space<semaphore_mem>>)
    %add3A_242 = arith.constant 122880 : i32
    %add3A_243 = arith.addi %add3A_242, %mul3A_2 : i32
    %dma_start3A_244 = arith.constant 3840 : i32
    %dma_start3A_245 = tpu.memref_slice %arg5[%dma_start3A_244] : memref<6400xi32, #tpu.memory_space<vmem>> -> memref<128xi32, #tpu.memory_space<vmem>>
    %dma_start3A_246 = tpu.memref_slice %arg2[%add3A_243] : memref<204800xi32, #tpu.memory_space<hbm>> -> memref<128xi32, #tpu.memory_space<hbm>>
    %dma_start3A_247 = arith.constant 3840 : i32
    %dma_start3A_248 = tpu.memref_slice %arg5[%dma_start3A_247] : memref<6400xi32, #tpu.memory_space<vmem>> -> memref<128xi32, #tpu.memory_space<vmem>>
    %dma_start3A_249 = tpu.memref_slice %arg2[%add3A_243] : memref<204800xi32, #tpu.memory_space<hbm>> -> memref<128xi32, #tpu.memory_space<hbm>>
    tpu.enqueue_dma source(%dma_start3A_249 : memref<128xi32, #tpu.memory_space<hbm>>) target(%dma_start3A_248 : memref<128xi32, #tpu.memory_space<vmem>>) target_semaphore(%arg10 : memref<!tpu.dma_semaphore, #tpu.memory_space<semaphore_mem>>)
    %add3A_250 = arith.constant 126976 : i32
    %add3A_251 = arith.addi %add3A_250, %mul3A_2 : i32
    %dma_start3A_252 = arith.constant 3968 : i32
    %dma_start3A_253 = tpu.memref_slice %arg5[%dma_start3A_252] : memref<6400xi32, #tpu.memory_space<vmem>> -> memref<128xi32, #tpu.memory_space<vmem>>
    %dma_start3A_254 = tpu.memref_slice %arg2[%add3A_251] : memref<204800xi32, #tpu.memory_space<hbm>> -> memref<128xi32, #tpu.memory_space<hbm>>
    %dma_start3A_255 = arith.constant 3968 : i32
    %dma_start3A_256 = tpu.memref_slice %arg5[%dma_start3A_255] : memref<6400xi32, #tpu.memory_space<vmem>> -> memref<128xi32, #tpu.memory_space<vmem>>
    %dma_start3A_257 = tpu.memref_slice %arg2[%add3A_251] : memref<204800xi32, #tpu.memory_space<hbm>> -> memref<128xi32, #tpu.memory_space<hbm>>
    tpu.enqueue_dma source(%dma_start3A_257 : memref<128xi32, #tpu.memory_space<hbm>>) target(%dma_start3A_256 : memref<128xi32, #tpu.memory_space<vmem>>) target_semaphore(%arg10 : memref<!tpu.dma_semaphore, #tpu.memory_space<semaphore_mem>>)
    %add3A_258 = arith.constant 131072 : i32
    %add3A_259 = arith.addi %add3A_258, %mul3A_2 : i32
    %dma_start3A_260 = arith.constant 4096 : i32
    %dma_start3A_261 = tpu.memref_slice %arg5[%dma_start3A_260] : memref<6400xi32, #tpu.memory_space<vmem>> -> memref<128xi32, #tpu.memory_space<vmem>>
    %dma_start3A_262 = tpu.memref_slice %arg2[%add3A_259] : memref<204800xi32, #tpu.memory_space<hbm>> -> memref<128xi32, #tpu.memory_space<hbm>>
    %dma_start3A_263 = arith.constant 4096 : i32
    %dma_start3A_264 = tpu.memref_slice %arg5[%dma_start3A_263] : memref<6400xi32, #tpu.memory_space<vmem>> -> memref<128xi32, #tpu.memory_space<vmem>>
    %dma_start3A_265 = tpu.memref_slice %arg2[%add3A_259] : memref<204800xi32, #tpu.memory_space<hbm>> -> memref<128xi32, #tpu.memory_space<hbm>>
    tpu.enqueue_dma source(%dma_start3A_265 : memref<128xi32, #tpu.memory_space<hbm>>) target(%dma_start3A_264 : memref<128xi32, #tpu.memory_space<vmem>>) target_semaphore(%arg10 : memref<!tpu.dma_semaphore, #tpu.memory_space<semaphore_mem>>)
    %add3A_266 = arith.constant 135168 : i32
    %add3A_267 = arith.addi %add3A_266, %mul3A_2 : i32
    %dma_start3A_268 = arith.constant 4224 : i32
    %dma_start3A_269 = tpu.memref_slice %arg5[%dma_start3A_268] : memref<6400xi32, #tpu.memory_space<vmem>> -> memref<128xi32, #tpu.memory_space<vmem>>
    %dma_start3A_270 = tpu.memref_slice %arg2[%add3A_267] : memref<204800xi32, #tpu.memory_space<hbm>> -> memref<128xi32, #tpu.memory_space<hbm>>
    %dma_start3A_271 = arith.constant 4224 : i32
    %dma_start3A_272 = tpu.memref_slice %arg5[%dma_start3A_271] : memref<6400xi32, #tpu.memory_space<vmem>> -> memref<128xi32, #tpu.memory_space<vmem>>
    %dma_start3A_273 = tpu.memref_slice %arg2[%add3A_267] : memref<204800xi32, #tpu.memory_space<hbm>> -> memref<128xi32, #tpu.memory_space<hbm>>
    tpu.enqueue_dma source(%dma_start3A_273 : memref<128xi32, #tpu.memory_space<hbm>>) target(%dma_start3A_272 : memref<128xi32, #tpu.memory_space<vmem>>) target_semaphore(%arg10 : memref<!tpu.dma_semaphore, #tpu.memory_space<semaphore_mem>>)
    %add3A_274 = arith.constant 139264 : i32
    %add3A_275 = arith.addi %add3A_274, %mul3A_2 : i32
    %dma_start3A_276 = arith.constant 4352 : i32
    %dma_start3A_277 = tpu.memref_slice %arg5[%dma_start3A_276] : memref<6400xi32, #tpu.memory_space<vmem>> -> memref<128xi32, #tpu.memory_space<vmem>>
    %dma_start3A_278 = tpu.memref_slice %arg2[%add3A_275] : memref<204800xi32, #tpu.memory_space<hbm>> -> memref<128xi32, #tpu.memory_space<hbm>>
    %dma_start3A_279 = arith.constant 4352 : i32
    %dma_start3A_280 = tpu.memref_slice %arg5[%dma_start3A_279] : memref<6400xi32, #tpu.memory_space<vmem>> -> memref<128xi32, #tpu.memory_space<vmem>>
    %dma_start3A_281 = tpu.memref_slice %arg2[%add3A_275] : memref<204800xi32, #tpu.memory_space<hbm>> -> memref<128xi32, #tpu.memory_space<hbm>>
    tpu.enqueue_dma source(%dma_start3A_281 : memref<128xi32, #tpu.memory_space<hbm>>) target(%dma_start3A_280 : memref<128xi32, #tpu.memory_space<vmem>>) target_semaphore(%arg10 : memref<!tpu.dma_semaphore, #tpu.memory_space<semaphore_mem>>)
    %add3A_282 = arith.constant 143360 : i32
    %add3A_283 = arith.addi %add3A_282, %mul3A_2 : i32
    %dma_start3A_284 = arith.constant 4480 : i32
    %dma_start3A_285 = tpu.memref_slice %arg5[%dma_start3A_284] : memref<6400xi32, #tpu.memory_space<vmem>> -> memref<128xi32, #tpu.memory_space<vmem>>
    %dma_start3A_286 = tpu.memref_slice %arg2[%add3A_283] : memref<204800xi32, #tpu.memory_space<hbm>> -> memref<128xi32, #tpu.memory_space<hbm>>
    %dma_start3A_287 = arith.constant 4480 : i32
    %dma_start3A_288 = tpu.memref_slice %arg5[%dma_start3A_287] : memref<6400xi32, #tpu.memory_space<vmem>> -> memref<128xi32, #tpu.memory_space<vmem>>
    %dma_start3A_289 = tpu.memref_slice %arg2[%add3A_283] : memref<204800xi32, #tpu.memory_space<hbm>> -> memref<128xi32, #tpu.memory_space<hbm>>
    tpu.enqueue_dma source(%dma_start3A_289 : memref<128xi32, #tpu.memory_space<hbm>>) target(%dma_start3A_288 : memref<128xi32, #tpu.memory_space<vmem>>) target_semaphore(%arg10 : memref<!tpu.dma_semaphore, #tpu.memory_space<semaphore_mem>>)
    %add3A_290 = arith.constant 147456 : i32
    %add3A_291 = arith.addi %add3A_290, %mul3A_2 : i32
    %dma_start3A_292 = arith.constant 4608 : i32
    %dma_start3A_293 = tpu.memref_slice %arg5[%dma_start3A_292] : memref<6400xi32, #tpu.memory_space<vmem>> -> memref<128xi32, #tpu.memory_space<vmem>>
    %dma_start3A_294 = tpu.memref_slice %arg2[%add3A_291] : memref<204800xi32, #tpu.memory_space<hbm>> -> memref<128xi32, #tpu.memory_space<hbm>>
    %dma_start3A_295 = arith.constant 4608 : i32
    %dma_start3A_296 = tpu.memref_slice %arg5[%dma_start3A_295] : memref<6400xi32, #tpu.memory_space<vmem>> -> memref<128xi32, #tpu.memory_space<vmem>>
    %dma_start3A_297 = tpu.memref_slice %arg2[%add3A_291] : memref<204800xi32, #tpu.memory_space<hbm>> -> memref<128xi32, #tpu.memory_space<hbm>>
    tpu.enqueue_dma source(%dma_start3A_297 : memref<128xi32, #tpu.memory_space<hbm>>) target(%dma_start3A_296 : memref<128xi32, #tpu.memory_space<vmem>>) target_semaphore(%arg10 : memref<!tpu.dma_semaphore, #tpu.memory_space<semaphore_mem>>)
    %add3A_298 = arith.constant 151552 : i32
    %add3A_299 = arith.addi %add3A_298, %mul3A_2 : i32
    %dma_start3A_300 = arith.constant 4736 : i32
    %dma_start3A_301 = tpu.memref_slice %arg5[%dma_start3A_300] : memref<6400xi32, #tpu.memory_space<vmem>> -> memref<128xi32, #tpu.memory_space<vmem>>
    %dma_start3A_302 = tpu.memref_slice %arg2[%add3A_299] : memref<204800xi32, #tpu.memory_space<hbm>> -> memref<128xi32, #tpu.memory_space<hbm>>
    %dma_start3A_303 = arith.constant 4736 : i32
    %dma_start3A_304 = tpu.memref_slice %arg5[%dma_start3A_303] : memref<6400xi32, #tpu.memory_space<vmem>> -> memref<128xi32, #tpu.memory_space<vmem>>
    %dma_start3A_305 = tpu.memref_slice %arg2[%add3A_299] : memref<204800xi32, #tpu.memory_space<hbm>> -> memref<128xi32, #tpu.memory_space<hbm>>
    tpu.enqueue_dma source(%dma_start3A_305 : memref<128xi32, #tpu.memory_space<hbm>>) target(%dma_start3A_304 : memref<128xi32, #tpu.memory_space<vmem>>) target_semaphore(%arg10 : memref<!tpu.dma_semaphore, #tpu.memory_space<semaphore_mem>>)
    %add3A_306 = arith.constant 155648 : i32
    %add3A_307 = arith.addi %add3A_306, %mul3A_2 : i32
    %dma_start3A_308 = arith.constant 4864 : i32
    %dma_start3A_309 = tpu.memref_slice %arg5[%dma_start3A_308] : memref<6400xi32, #tpu.memory_space<vmem>> -> memref<128xi32, #tpu.memory_space<vmem>>
    %dma_start3A_310 = tpu.memref_slice %arg2[%add3A_307] : memref<204800xi32, #tpu.memory_space<hbm>> -> memref<128xi32, #tpu.memory_space<hbm>>
    %dma_start3A_311 = arith.constant 4864 : i32
    %dma_start3A_312 = tpu.memref_slice %arg5[%dma_start3A_311] : memref<6400xi32, #tpu.memory_space<vmem>> -> memref<128xi32, #tpu.memory_space<vmem>>
    %dma_start3A_313 = tpu.memref_slice %arg2[%add3A_307] : memref<204800xi32, #tpu.memory_space<hbm>> -> memref<128xi32, #tpu.memory_space<hbm>>
    tpu.enqueue_dma source(%dma_start3A_313 : memref<128xi32, #tpu.memory_space<hbm>>) target(%dma_start3A_312 : memref<128xi32, #tpu.memory_space<vmem>>) target_semaphore(%arg10 : memref<!tpu.dma_semaphore, #tpu.memory_space<semaphore_mem>>)
    %add3A_314 = arith.constant 159744 : i32
    %add3A_315 = arith.addi %add3A_314, %mul3A_2 : i32
    %dma_start3A_316 = arith.constant 4992 : i32
    %dma_start3A_317 = tpu.memref_slice %arg5[%dma_start3A_316] : memref<6400xi32, #tpu.memory_space<vmem>> -> memref<128xi32, #tpu.memory_space<vmem>>
    %dma_start3A_318 = tpu.memref_slice %arg2[%add3A_315] : memref<204800xi32, #tpu.memory_space<hbm>> -> memref<128xi32, #tpu.memory_space<hbm>>
    %dma_start3A_319 = arith.constant 4992 : i32
    %dma_start3A_320 = tpu.memref_slice %arg5[%dma_start3A_319] : memref<6400xi32, #tpu.memory_space<vmem>> -> memref<128xi32, #tpu.memory_space<vmem>>
    %dma_start3A_321 = tpu.memref_slice %arg2[%add3A_315] : memref<204800xi32, #tpu.memory_space<hbm>> -> memref<128xi32, #tpu.memory_space<hbm>>
    tpu.enqueue_dma source(%dma_start3A_321 : memref<128xi32, #tpu.memory_space<hbm>>) target(%dma_start3A_320 : memref<128xi32, #tpu.memory_space<vmem>>) target_semaphore(%arg10 : memref<!tpu.dma_semaphore, #tpu.memory_space<semaphore_mem>>)
    %add3A_322 = arith.constant 163840 : i32
    %add3A_323 = arith.addi %add3A_322, %mul3A_2 : i32
    %dma_start3A_324 = arith.constant 5120 : i32
    %dma_start3A_325 = tpu.memref_slice %arg5[%dma_start3A_324] : memref<6400xi32, #tpu.memory_space<vmem>> -> memref<128xi32, #tpu.memory_space<vmem>>
    %dma_start3A_326 = tpu.memref_slice %arg2[%add3A_323] : memref<204800xi32, #tpu.memory_space<hbm>> -> memref<128xi32, #tpu.memory_space<hbm>>
    %dma_start3A_327 = arith.constant 5120 : i32
    %dma_start3A_328 = tpu.memref_slice %arg5[%dma_start3A_327] : memref<6400xi32, #tpu.memory_space<vmem>> -> memref<128xi32, #tpu.memory_space<vmem>>
    %dma_start3A_329 = tpu.memref_slice %arg2[%add3A_323] : memref<204800xi32, #tpu.memory_space<hbm>> -> memref<128xi32, #tpu.memory_space<hbm>>
    tpu.enqueue_dma source(%dma_start3A_329 : memref<128xi32, #tpu.memory_space<hbm>>) target(%dma_start3A_328 : memref<128xi32, #tpu.memory_space<vmem>>) target_semaphore(%arg10 : memref<!tpu.dma_semaphore, #tpu.memory_space<semaphore_mem>>)
    %add3A_330 = arith.constant 167936 : i32
    %add3A_331 = arith.addi %add3A_330, %mul3A_2 : i32
    %dma_start3A_332 = arith.constant 5248 : i32
    %dma_start3A_333 = tpu.memref_slice %arg5[%dma_start3A_332] : memref<6400xi32, #tpu.memory_space<vmem>> -> memref<128xi32, #tpu.memory_space<vmem>>
    %dma_start3A_334 = tpu.memref_slice %arg2[%add3A_331] : memref<204800xi32, #tpu.memory_space<hbm>> -> memref<128xi32, #tpu.memory_space<hbm>>
    %dma_start3A_335 = arith.constant 5248 : i32
    %dma_start3A_336 = tpu.memref_slice %arg5[%dma_start3A_335] : memref<6400xi32, #tpu.memory_space<vmem>> -> memref<128xi32, #tpu.memory_space<vmem>>
    %dma_start3A_337 = tpu.memref_slice %arg2[%add3A_331] : memref<204800xi32, #tpu.memory_space<hbm>> -> memref<128xi32, #tpu.memory_space<hbm>>
    tpu.enqueue_dma source(%dma_start3A_337 : memref<128xi32, #tpu.memory_space<hbm>>) target(%dma_start3A_336 : memref<128xi32, #tpu.memory_space<vmem>>) target_semaphore(%arg10 : memref<!tpu.dma_semaphore, #tpu.memory_space<semaphore_mem>>)
    %add3A_338 = arith.constant 172032 : i32
    %add3A_339 = arith.addi %add3A_338, %mul3A_2 : i32
    %dma_start3A_340 = arith.constant 5376 : i32
    %dma_start3A_341 = tpu.memref_slice %arg5[%dma_start3A_340] : memref<6400xi32, #tpu.memory_space<vmem>> -> memref<128xi32, #tpu.memory_space<vmem>>
    %dma_start3A_342 = tpu.memref_slice %arg2[%add3A_339] : memref<204800xi32, #tpu.memory_space<hbm>> -> memref<128xi32, #tpu.memory_space<hbm>>
    %dma_start3A_343 = arith.constant 5376 : i32
    %dma_start3A_344 = tpu.memref_slice %arg5[%dma_start3A_343] : memref<6400xi32, #tpu.memory_space<vmem>> -> memref<128xi32, #tpu.memory_space<vmem>>
    %dma_start3A_345 = tpu.memref_slice %arg2[%add3A_339] : memref<204800xi32, #tpu.memory_space<hbm>> -> memref<128xi32, #tpu.memory_space<hbm>>
    tpu.enqueue_dma source(%dma_start3A_345 : memref<128xi32, #tpu.memory_space<hbm>>) target(%dma_start3A_344 : memref<128xi32, #tpu.memory_space<vmem>>) target_semaphore(%arg10 : memref<!tpu.dma_semaphore, #tpu.memory_space<semaphore_mem>>)
    %add3A_346 = arith.constant 176128 : i32
    %add3A_347 = arith.addi %add3A_346, %mul3A_2 : i32
    %dma_start3A_348 = arith.constant 5504 : i32
    %dma_start3A_349 = tpu.memref_slice %arg5[%dma_start3A_348] : memref<6400xi32, #tpu.memory_space<vmem>> -> memref<128xi32, #tpu.memory_space<vmem>>
    %dma_start3A_350 = tpu.memref_slice %arg2[%add3A_347] : memref<204800xi32, #tpu.memory_space<hbm>> -> memref<128xi32, #tpu.memory_space<hbm>>
    %dma_start3A_351 = arith.constant 5504 : i32
    %dma_start3A_352 = tpu.memref_slice %arg5[%dma_start3A_351] : memref<6400xi32, #tpu.memory_space<vmem>> -> memref<128xi32, #tpu.memory_space<vmem>>
    %dma_start3A_353 = tpu.memref_slice %arg2[%add3A_347] : memref<204800xi32, #tpu.memory_space<hbm>> -> memref<128xi32, #tpu.memory_space<hbm>>
    tpu.enqueue_dma source(%dma_start3A_353 : memref<128xi32, #tpu.memory_space<hbm>>) target(%dma_start3A_352 : memref<128xi32, #tpu.memory_space<vmem>>) target_semaphore(%arg10 : memref<!tpu.dma_semaphore, #tpu.memory_space<semaphore_mem>>)
    %add3A_354 = arith.constant 180224 : i32
    %add3A_355 = arith.addi %add3A_354, %mul3A_2 : i32
    %dma_start3A_356 = arith.constant 5632 : i32
    %dma_start3A_357 = tpu.memref_slice %arg5[%dma_start3A_356] : memref<6400xi32, #tpu.memory_space<vmem>> -> memref<128xi32, #tpu.memory_space<vmem>>
    %dma_start3A_358 = tpu.memref_slice %arg2[%add3A_355] : memref<204800xi32, #tpu.memory_space<hbm>> -> memref<128xi32, #tpu.memory_space<hbm>>
    %dma_start3A_359 = arith.constant 5632 : i32
    %dma_start3A_360 = tpu.memref_slice %arg5[%dma_start3A_359] : memref<6400xi32, #tpu.memory_space<vmem>> -> memref<128xi32, #tpu.memory_space<vmem>>
    %dma_start3A_361 = tpu.memref_slice %arg2[%add3A_355] : memref<204800xi32, #tpu.memory_space<hbm>> -> memref<128xi32, #tpu.memory_space<hbm>>
    tpu.enqueue_dma source(%dma_start3A_361 : memref<128xi32, #tpu.memory_space<hbm>>) target(%dma_start3A_360 : memref<128xi32, #tpu.memory_space<vmem>>) target_semaphore(%arg10 : memref<!tpu.dma_semaphore, #tpu.memory_space<semaphore_mem>>)
    %add3A_362 = arith.constant 184320 : i32
    %add3A_363 = arith.addi %add3A_362, %mul3A_2 : i32
    %dma_start3A_364 = arith.constant 5760 : i32
    %dma_start3A_365 = tpu.memref_slice %arg5[%dma_start3A_364] : memref<6400xi32, #tpu.memory_space<vmem>> -> memref<128xi32, #tpu.memory_space<vmem>>
    %dma_start3A_366 = tpu.memref_slice %arg2[%add3A_363] : memref<204800xi32, #tpu.memory_space<hbm>> -> memref<128xi32, #tpu.memory_space<hbm>>
    %dma_start3A_367 = arith.constant 5760 : i32
    %dma_start3A_368 = tpu.memref_slice %arg5[%dma_start3A_367] : memref<6400xi32, #tpu.memory_space<vmem>> -> memref<128xi32, #tpu.memory_space<vmem>>
    %dma_start3A_369 = tpu.memref_slice %arg2[%add3A_363] : memref<204800xi32, #tpu.memory_space<hbm>> -> memref<128xi32, #tpu.memory_space<hbm>>
    tpu.enqueue_dma source(%dma_start3A_369 : memref<128xi32, #tpu.memory_space<hbm>>) target(%dma_start3A_368 : memref<128xi32, #tpu.memory_space<vmem>>) target_semaphore(%arg10 : memref<!tpu.dma_semaphore, #tpu.memory_space<semaphore_mem>>)
    %add3A_370 = arith.constant 188416 : i32
    %add3A_371 = arith.addi %add3A_370, %mul3A_2 : i32
    %dma_start3A_372 = arith.constant 5888 : i32
    %dma_start3A_373 = tpu.memref_slice %arg5[%dma_start3A_372] : memref<6400xi32, #tpu.memory_space<vmem>> -> memref<128xi32, #tpu.memory_space<vmem>>
    %dma_start3A_374 = tpu.memref_slice %arg2[%add3A_371] : memref<204800xi32, #tpu.memory_space<hbm>> -> memref<128xi32, #tpu.memory_space<hbm>>
    %dma_start3A_375 = arith.constant 5888 : i32
    %dma_start3A_376 = tpu.memref_slice %arg5[%dma_start3A_375] : memref<6400xi32, #tpu.memory_space<vmem>> -> memref<128xi32, #tpu.memory_space<vmem>>
    %dma_start3A_377 = tpu.memref_slice %arg2[%add3A_371] : memref<204800xi32, #tpu.memory_space<hbm>> -> memref<128xi32, #tpu.memory_space<hbm>>
    tpu.enqueue_dma source(%dma_start3A_377 : memref<128xi32, #tpu.memory_space<hbm>>) target(%dma_start3A_376 : memref<128xi32, #tpu.memory_space<vmem>>) target_semaphore(%arg10 : memref<!tpu.dma_semaphore, #tpu.memory_space<semaphore_mem>>)
    %add3A_378 = arith.constant 192512 : i32
    %add3A_379 = arith.addi %add3A_378, %mul3A_2 : i32
    %dma_start3A_380 = arith.constant 6016 : i32
    %dma_start3A_381 = tpu.memref_slice %arg5[%dma_start3A_380] : memref<6400xi32, #tpu.memory_space<vmem>> -> memref<128xi32, #tpu.memory_space<vmem>>
    %dma_start3A_382 = tpu.memref_slice %arg2[%add3A_379] : memref<204800xi32, #tpu.memory_space<hbm>> -> memref<128xi32, #tpu.memory_space<hbm>>
    %dma_start3A_383 = arith.constant 6016 : i32
    %dma_start3A_384 = tpu.memref_slice %arg5[%dma_start3A_383] : memref<6400xi32, #tpu.memory_space<vmem>> -> memref<128xi32, #tpu.memory_space<vmem>>
    %dma_start3A_385 = tpu.memref_slice %arg2[%add3A_379] : memref<204800xi32, #tpu.memory_space<hbm>> -> memref<128xi32, #tpu.memory_space<hbm>>
    tpu.enqueue_dma source(%dma_start3A_385 : memref<128xi32, #tpu.memory_space<hbm>>) target(%dma_start3A_384 : memref<128xi32, #tpu.memory_space<vmem>>) target_semaphore(%arg10 : memref<!tpu.dma_semaphore, #tpu.memory_space<semaphore_mem>>)
    %add3A_386 = arith.constant 196608 : i32
    %add3A_387 = arith.addi %add3A_386, %mul3A_2 : i32
    %dma_start3A_388 = arith.constant 6144 : i32
    %dma_start3A_389 = tpu.memref_slice %arg5[%dma_start3A_388] : memref<6400xi32, #tpu.memory_space<vmem>> -> memref<128xi32, #tpu.memory_space<vmem>>
    %dma_start3A_390 = tpu.memref_slice %arg2[%add3A_387] : memref<204800xi32, #tpu.memory_space<hbm>> -> memref<128xi32, #tpu.memory_space<hbm>>
    %dma_start3A_391 = arith.constant 6144 : i32
    %dma_start3A_392 = tpu.memref_slice %arg5[%dma_start3A_391] : memref<6400xi32, #tpu.memory_space<vmem>> -> memref<128xi32, #tpu.memory_space<vmem>>
    %dma_start3A_393 = tpu.memref_slice %arg2[%add3A_387] : memref<204800xi32, #tpu.memory_space<hbm>> -> memref<128xi32, #tpu.memory_space<hbm>>
    tpu.enqueue_dma source(%dma_start3A_393 : memref<128xi32, #tpu.memory_space<hbm>>) target(%dma_start3A_392 : memref<128xi32, #tpu.memory_space<vmem>>) target_semaphore(%arg10 : memref<!tpu.dma_semaphore, #tpu.memory_space<semaphore_mem>>)
    %add3A_394 = arith.constant 200704 : i32
    %add3A_395 = arith.addi %add3A_394, %mul3A_2 : i32
    %dma_start3A_396 = arith.constant 6272 : i32
    %dma_start3A_397 = tpu.memref_slice %arg5[%dma_start3A_396] : memref<6400xi32, #tpu.memory_space<vmem>> -> memref<128xi32, #tpu.memory_space<vmem>>
    %dma_start3A_398 = tpu.memref_slice %arg2[%add3A_395] : memref<204800xi32, #tpu.memory_space<hbm>> -> memref<128xi32, #tpu.memory_space<hbm>>
    %dma_start3A_399 = arith.constant 6272 : i32
    %dma_start3A_400 = tpu.memref_slice %arg5[%dma_start3A_399] : memref<6400xi32, #tpu.memory_space<vmem>> -> memref<128xi32, #tpu.memory_space<vmem>>
    %dma_start3A_401 = tpu.memref_slice %arg2[%add3A_395] : memref<204800xi32, #tpu.memory_space<hbm>> -> memref<128xi32, #tpu.memory_space<hbm>>
    tpu.enqueue_dma source(%dma_start3A_401 : memref<128xi32, #tpu.memory_space<hbm>>) target(%dma_start3A_400 : memref<128xi32, #tpu.memory_space<vmem>>) target_semaphore(%arg10 : memref<!tpu.dma_semaphore, #tpu.memory_space<semaphore_mem>>)
    %dma_wait3A = arith.constant 0 : i32
    %dma_wait3A_402 = tpu.memref_slice %arg5[%dma_wait3A] : memref<6400xi32, #tpu.memory_space<vmem>> -> memref<128xi32, #tpu.memory_space<vmem>>
    %dma_wait3A_403 = arith.constant 0 : i32
    %dma_wait3A_404 = tpu.memref_slice %arg2[%dma_wait3A_403] : memref<204800xi32, #tpu.memory_space<hbm>> -> memref<128xi32, #tpu.memory_space<hbm>>
    %dma_wait3A_405 = arith.constant 0 : i32
    %dma_wait3A_406 = tpu.memref_slice %arg5[%dma_wait3A_405] : memref<6400xi32, #tpu.memory_space<vmem>> -> memref<128xi32, #tpu.memory_space<vmem>>
    %dma_wait3A_407 = arith.constant 0 : i32
    %dma_wait3A_408 = tpu.memref_slice %arg2[%dma_wait3A_407] : memref<204800xi32, #tpu.memory_space<hbm>> -> memref<128xi32, #tpu.memory_space<hbm>>
    tpu.wait_dma2 semaphore(%arg10 : memref<!tpu.dma_semaphore, #tpu.memory_space<semaphore_mem>>) src(%dma_wait3A_408 : memref<128xi32, #tpu.memory_space<hbm>>) dst(%dma_wait3A_406 : memref<128xi32, #tpu.memory_space<vmem>>)
    %dma_start3A_409 = arith.constant 0 : i32
    %dma_start3A_410 = tpu.memref_slice %arg5[%dma_start3A_409] : memref<6400xi32, #tpu.memory_space<vmem>> -> memref<32xi32, #tpu.memory_space<vmem>>
    %dma_start3A_411 = arith.constant 0 : i32
    %dma_start3A_412 = arith.constant 0 : i32
    %dma_start3A_413 = tpu.memref_slice %arg3[%dma_start3A_411, %dma_start3A_412] : memref<8192x768xf32, #tpu.memory_space<hbm>> -> memref<8192x768xf32, #tpu.memory_space<hbm>>
    tpu.enqueue_indirect_dma source(%dma_start3A_413 : memref<8192x768xf32, #tpu.memory_space<hbm>>) target(%arg6 : memref<32x768xf32, #tpu.memory_space<vmem>>) offsets(%dma_start3A_410 : memref<32xi32, #tpu.memory_space<vmem>>) semaphore(%arg11 : memref<!tpu.dma_semaphore, #tpu.memory_space<semaphore_mem>>)
    %dma_start3A_414 = arith.constant 32 : i32
    %dma_start3A_415 = tpu.memref_slice %arg5[%dma_start3A_414] : memref<6400xi32, #tpu.memory_space<vmem>> -> memref<32xi32, #tpu.memory_space<vmem>>
    %dma_start3A_416 = arith.constant 0 : i32
    %dma_start3A_417 = arith.constant 0 : i32
    %dma_start3A_418 = tpu.memref_slice %arg3[%dma_start3A_416, %dma_start3A_417] : memref<8192x768xf32, #tpu.memory_space<hbm>> -> memref<8192x768xf32, #tpu.memory_space<hbm>>
    tpu.enqueue_indirect_dma source(%dma_start3A_418 : memref<8192x768xf32, #tpu.memory_space<hbm>>) target(%arg7 : memref<32x768xf32, #tpu.memory_space<vmem>>) offsets(%dma_start3A_415 : memref<32xi32, #tpu.memory_space<vmem>>) semaphore(%arg12 : memref<!tpu.dma_semaphore, #tpu.memory_space<semaphore_mem>>)
    %dma_start3A_419 = arith.constant 64 : i32
    %dma_start3A_420 = tpu.memref_slice %arg5[%dma_start3A_419] : memref<6400xi32, #tpu.memory_space<vmem>> -> memref<32xi32, #tpu.memory_space<vmem>>
    %dma_start3A_421 = arith.constant 0 : i32
    %dma_start3A_422 = arith.constant 0 : i32
    %dma_start3A_423 = tpu.memref_slice %arg3[%dma_start3A_421, %dma_start3A_422] : memref<8192x768xf32, #tpu.memory_space<hbm>> -> memref<8192x768xf32, #tpu.memory_space<hbm>>
    tpu.enqueue_indirect_dma source(%dma_start3A_423 : memref<8192x768xf32, #tpu.memory_space<hbm>>) target(%arg8 : memref<32x768xf32, #tpu.memory_space<vmem>>) offsets(%dma_start3A_420 : memref<32xi32, #tpu.memory_space<vmem>>) semaphore(%arg13 : memref<!tpu.dma_semaphore, #tpu.memory_space<semaphore_mem>>)
    %dma_start3A_424 = arith.constant 96 : i32
    %dma_start3A_425 = tpu.memref_slice %arg5[%dma_start3A_424] : memref<6400xi32, #tpu.memory_space<vmem>> -> memref<32xi32, #tpu.memory_space<vmem>>
    %dma_start3A_426 = arith.constant 0 : i32
    %dma_start3A_427 = arith.constant 0 : i32
    %dma_start3A_428 = tpu.memref_slice %arg3[%dma_start3A_426, %dma_start3A_427] : memref<8192x768xf32, #tpu.memory_space<hbm>> -> memref<8192x768xf32, #tpu.memory_space<hbm>>
    tpu.enqueue_indirect_dma source(%dma_start3A_428 : memref<8192x768xf32, #tpu.memory_space<hbm>>) target(%arg9 : memref<32x768xf32, #tpu.memory_space<vmem>>) offsets(%dma_start3A_425 : memref<32xi32, #tpu.memory_space<vmem>>) semaphore(%arg14 : memref<!tpu.dma_semaphore, #tpu.memory_space<semaphore_mem>>)
    %dma_wait3A_429 = arith.constant 0 : i32
    %dma_wait3A_430 = tpu.memref_slice %arg5[%dma_wait3A_429] : memref<6400xi32, #tpu.memory_space<vmem>> -> memref<128xi32, #tpu.memory_space<vmem>>
    %dma_wait3A_431 = arith.constant 0 : i32
    %dma_wait3A_432 = tpu.memref_slice %arg2[%dma_wait3A_431] : memref<204800xi32, #tpu.memory_space<hbm>> -> memref<128xi32, #tpu.memory_space<hbm>>
    %dma_wait3A_433 = arith.constant 0 : i32
    %dma_wait3A_434 = tpu.memref_slice %arg5[%dma_wait3A_433] : memref<6400xi32, #tpu.memory_space<vmem>> -> memref<128xi32, #tpu.memory_space<vmem>>
    %dma_wait3A_435 = arith.constant 0 : i32
    %dma_wait3A_436 = tpu.memref_slice %arg2[%dma_wait3A_435] : memref<204800xi32, #tpu.memory_space<hbm>> -> memref<128xi32, #tpu.memory_space<hbm>>
    tpu.wait_dma2 semaphore(%arg10 : memref<!tpu.dma_semaphore, #tpu.memory_space<semaphore_mem>>) src(%dma_wait3A_436 : memref<128xi32, #tpu.memory_space<hbm>>) dst(%dma_wait3A_434 : memref<128xi32, #tpu.memory_space<vmem>>)
    %dma_wait3A_437 = arith.constant 0 : i32
    %dma_wait3A_438 = tpu.memref_slice %arg5[%dma_wait3A_437] : memref<6400xi32, #tpu.memory_space<vmem>> -> memref<128xi32, #tpu.memory_space<vmem>>
    %dma_wait3A_439 = arith.constant 0 : i32
    %dma_wait3A_440 = tpu.memref_slice %arg2[%dma_wait3A_439] : memref<204800xi32, #tpu.memory_space<hbm>> -> memref<128xi32, #tpu.memory_space<hbm>>
    %dma_wait3A_441 = arith.constant 0 : i32
    %dma_wait3A_442 = tpu.memref_slice %arg5[%dma_wait3A_441] : memref<6400xi32, #tpu.memory_space<vmem>> -> memref<128xi32, #tpu.memory_space<vmem>>
    %dma_wait3A_443 = arith.constant 0 : i32
    %dma_wait3A_444 = tpu.memref_slice %arg2[%dma_wait3A_443] : memref<204800xi32, #tpu.memory_space<hbm>> -> memref<128xi32, #tpu.memory_space<hbm>>
    tpu.wait_dma2 semaphore(%arg10 : memref<!tpu.dma_semaphore, #tpu.memory_space<semaphore_mem>>) src(%dma_wait3A_444 : memref<128xi32, #tpu.memory_space<hbm>>) dst(%dma_wait3A_442 : memref<128xi32, #tpu.memory_space<vmem>>)
    %dma_wait3A_445 = arith.constant 0 : i32
    %dma_wait3A_446 = tpu.memref_slice %arg5[%dma_wait3A_445] : memref<6400xi32, #tpu.memory_space<vmem>> -> memref<128xi32, #tpu.memory_space<vmem>>
    %dma_wait3A_447 = arith.constant 0 : i32
    %dma_wait3A_448 = tpu.memref_slice %arg2[%dma_wait3A_447] : memref<204800xi32, #tpu.memory_space<hbm>> -> memref<128xi32, #tpu.memory_space<hbm>>
    %dma_wait3A_449 = arith.constant 0 : i32
    %dma_wait3A_450 = tpu.memref_slice %arg5[%dma_wait3A_449] : memref<6400xi32, #tpu.memory_space<vmem>> -> memref<128xi32, #tpu.memory_space<vmem>>
    %dma_wait3A_451 = arith.constant 0 : i32
    %dma_wait3A_452 = tpu.memref_slice %arg2[%dma_wait3A_451] : memref<204800xi32, #tpu.memory_space<hbm>> -> memref<128xi32, #tpu.memory_space<hbm>>
    tpu.wait_dma2 semaphore(%arg10 : memref<!tpu.dma_semaphore, #tpu.memory_space<semaphore_mem>>) src(%dma_wait3A_452 : memref<128xi32, #tpu.memory_space<hbm>>) dst(%dma_wait3A_450 : memref<128xi32, #tpu.memory_space<vmem>>)
    %dma_wait3A_453 = arith.constant 0 : i32
    %dma_wait3A_454 = tpu.memref_slice %arg5[%dma_wait3A_453] : memref<6400xi32, #tpu.memory_space<vmem>> -> memref<128xi32, #tpu.memory_space<vmem>>
    %dma_wait3A_455 = arith.constant 0 : i32
    %dma_wait3A_456 = tpu.memref_slice %arg2[%dma_wait3A_455] : memref<204800xi32, #tpu.memory_space<hbm>> -> memref<128xi32, #tpu.memory_space<hbm>>
    %dma_wait3A_457 = arith.constant 0 : i32
    %dma_wait3A_458 = tpu.memref_slice %arg5[%dma_wait3A_457] : memref<6400xi32, #tpu.memory_space<vmem>> -> memref<128xi32, #tpu.memory_space<vmem>>
    %dma_wait3A_459 = arith.constant 0 : i32
    %dma_wait3A_460 = tpu.memref_slice %arg2[%dma_wait3A_459] : memref<204800xi32, #tpu.memory_space<hbm>> -> memref<128xi32, #tpu.memory_space<hbm>>
    tpu.wait_dma2 semaphore(%arg10 : memref<!tpu.dma_semaphore, #tpu.memory_space<semaphore_mem>>) src(%dma_wait3A_460 : memref<128xi32, #tpu.memory_space<hbm>>) dst(%dma_wait3A_458 : memref<128xi32, #tpu.memory_space<vmem>>)
    %dma_wait3A_461 = arith.constant 0 : i32
    %dma_wait3A_462 = tpu.memref_slice %arg5[%dma_wait3A_461] : memref<6400xi32, #tpu.memory_space<vmem>> -> memref<128xi32, #tpu.memory_space<vmem>>
    %dma_wait3A_463 = arith.constant 0 : i32
    %dma_wait3A_464 = tpu.memref_slice %arg2[%dma_wait3A_463] : memref<204800xi32, #tpu.memory_space<hbm>> -> memref<128xi32, #tpu.memory_space<hbm>>
    %dma_wait3A_465 = arith.constant 0 : i32
    %dma_wait3A_466 = tpu.memref_slice %arg5[%dma_wait3A_465] : memref<6400xi32, #tpu.memory_space<vmem>> -> memref<128xi32, #tpu.memory_space<vmem>>
    %dma_wait3A_467 = arith.constant 0 : i32
    %dma_wait3A_468 = tpu.memref_slice %arg2[%dma_wait3A_467] : memref<204800xi32, #tpu.memory_space<hbm>> -> memref<128xi32, #tpu.memory_space<hbm>>
    tpu.wait_dma2 semaphore(%arg10 : memref<!tpu.dma_semaphore, #tpu.memory_space<semaphore_mem>>) src(%dma_wait3A_468 : memref<128xi32, #tpu.memory_space<hbm>>) dst(%dma_wait3A_466 : memref<128xi32, #tpu.memory_space<vmem>>)
    %dma_wait3A_469 = arith.constant 0 : i32
    %dma_wait3A_470 = tpu.memref_slice %arg5[%dma_wait3A_469] : memref<6400xi32, #tpu.memory_space<vmem>> -> memref<128xi32, #tpu.memory_space<vmem>>
    %dma_wait3A_471 = arith.constant 0 : i32
    %dma_wait3A_472 = tpu.memref_slice %arg2[%dma_wait3A_471] : memref<204800xi32, #tpu.memory_space<hbm>> -> memref<128xi32, #tpu.memory_space<hbm>>
    %dma_wait3A_473 = arith.constant 0 : i32
    %dma_wait3A_474 = tpu.memref_slice %arg5[%dma_wait3A_473] : memref<6400xi32, #tpu.memory_space<vmem>> -> memref<128xi32, #tpu.memory_space<vmem>>
    %dma_wait3A_475 = arith.constant 0 : i32
    %dma_wait3A_476 = tpu.memref_slice %arg2[%dma_wait3A_475] : memref<204800xi32, #tpu.memory_space<hbm>> -> memref<128xi32, #tpu.memory_space<hbm>>
    tpu.wait_dma2 semaphore(%arg10 : memref<!tpu.dma_semaphore, #tpu.memory_space<semaphore_mem>>) src(%dma_wait3A_476 : memref<128xi32, #tpu.memory_space<hbm>>) dst(%dma_wait3A_474 : memref<128xi32, #tpu.memory_space<vmem>>)
    %dma_wait3A_477 = arith.constant 0 : i32
    %dma_wait3A_478 = tpu.memref_slice %arg5[%dma_wait3A_477] : memref<6400xi32, #tpu.memory_space<vmem>> -> memref<128xi32, #tpu.memory_space<vmem>>
    %dma_wait3A_479 = arith.constant 0 : i32
    %dma_wait3A_480 = tpu.memref_slice %arg2[%dma_wait3A_479] : memref<204800xi32, #tpu.memory_space<hbm>> -> memref<128xi32, #tpu.memory_space<hbm>>
    %dma_wait3A_481 = arith.constant 0 : i32
    %dma_wait3A_482 = tpu.memref_slice %arg5[%dma_wait3A_481] : memref<6400xi32, #tpu.memory_space<vmem>> -> memref<128xi32, #tpu.memory_space<vmem>>
    %dma_wait3A_483 = arith.constant 0 : i32
    %dma_wait3A_484 = tpu.memref_slice %arg2[%dma_wait3A_483] : memref<204800xi32, #tpu.memory_space<hbm>> -> memref<128xi32, #tpu.memory_space<hbm>>
    tpu.wait_dma2 semaphore(%arg10 : memref<!tpu.dma_semaphore, #tpu.memory_space<semaphore_mem>>) src(%dma_wait3A_484 : memref<128xi32, #tpu.memory_space<hbm>>) dst(%dma_wait3A_482 : memref<128xi32, #tpu.memory_space<vmem>>)
    %dma_wait3A_485 = arith.constant 0 : i32
    %dma_wait3A_486 = tpu.memref_slice %arg5[%dma_wait3A_485] : memref<6400xi32, #tpu.memory_space<vmem>> -> memref<128xi32, #tpu.memory_space<vmem>>
    %dma_wait3A_487 = arith.constant 0 : i32
    %dma_wait3A_488 = tpu.memref_slice %arg2[%dma_wait3A_487] : memref<204800xi32, #tpu.memory_space<hbm>> -> memref<128xi32, #tpu.memory_space<hbm>>
    %dma_wait3A_489 = arith.constant 0 : i32
    %dma_wait3A_490 = tpu.memref_slice %arg5[%dma_wait3A_489] : memref<6400xi32, #tpu.memory_space<vmem>> -> memref<128xi32, #tpu.memory_space<vmem>>
    %dma_wait3A_491 = arith.constant 0 : i32
    %dma_wait3A_492 = tpu.memref_slice %arg2[%dma_wait3A_491] : memref<204800xi32, #tpu.memory_space<hbm>> -> memref<128xi32, #tpu.memory_space<hbm>>
    tpu.wait_dma2 semaphore(%arg10 : memref<!tpu.dma_semaphore, #tpu.memory_space<semaphore_mem>>) src(%dma_wait3A_492 : memref<128xi32, #tpu.memory_space<hbm>>) dst(%dma_wait3A_490 : memref<128xi32, #tpu.memory_space<vmem>>)
    %dma_wait3A_493 = arith.constant 0 : i32
    %dma_wait3A_494 = tpu.memref_slice %arg5[%dma_wait3A_493] : memref<6400xi32, #tpu.memory_space<vmem>> -> memref<128xi32, #tpu.memory_space<vmem>>
    %dma_wait3A_495 = arith.constant 0 : i32
    %dma_wait3A_496 = tpu.memref_slice %arg2[%dma_wait3A_495] : memref<204800xi32, #tpu.memory_space<hbm>> -> memref<128xi32, #tpu.memory_space<hbm>>
    %dma_wait3A_497 = arith.constant 0 : i32
    %dma_wait3A_498 = tpu.memref_slice %arg5[%dma_wait3A_497] : memref<6400xi32, #tpu.memory_space<vmem>> -> memref<128xi32, #tpu.memory_space<vmem>>
    %dma_wait3A_499 = arith.constant 0 : i32
    %dma_wait3A_500 = tpu.memref_slice %arg2[%dma_wait3A_499] : memref<204800xi32, #tpu.memory_space<hbm>> -> memref<128xi32, #tpu.memory_space<hbm>>
    tpu.wait_dma2 semaphore(%arg10 : memref<!tpu.dma_semaphore, #tpu.memory_space<semaphore_mem>>) src(%dma_wait3A_500 : memref<128xi32, #tpu.memory_space<hbm>>) dst(%dma_wait3A_498 : memref<128xi32, #tpu.memory_space<vmem>>)
    %dma_wait3A_501 = arith.constant 0 : i32
    %dma_wait3A_502 = tpu.memref_slice %arg5[%dma_wait3A_501] : memref<6400xi32, #tpu.memory_space<vmem>> -> memref<128xi32, #tpu.memory_space<vmem>>
    %dma_wait3A_503 = arith.constant 0 : i32
    %dma_wait3A_504 = tpu.memref_slice %arg2[%dma_wait3A_503] : memref<204800xi32, #tpu.memory_space<hbm>> -> memref<128xi32, #tpu.memory_space<hbm>>
    %dma_wait3A_505 = arith.constant 0 : i32
    %dma_wait3A_506 = tpu.memref_slice %arg5[%dma_wait3A_505] : memref<6400xi32, #tpu.memory_space<vmem>> -> memref<128xi32, #tpu.memory_space<vmem>>
    %dma_wait3A_507 = arith.constant 0 : i32
    %dma_wait3A_508 = tpu.memref_slice %arg2[%dma_wait3A_507] : memref<204800xi32, #tpu.memory_space<hbm>> -> memref<128xi32, #tpu.memory_space<hbm>>
    tpu.wait_dma2 semaphore(%arg10 : memref<!tpu.dma_semaphore, #tpu.memory_space<semaphore_mem>>) src(%dma_wait3A_508 : memref<128xi32, #tpu.memory_space<hbm>>) dst(%dma_wait3A_506 : memref<128xi32, #tpu.memory_space<vmem>>)
    %dma_wait3A_509 = arith.constant 0 : i32
    %dma_wait3A_510 = tpu.memref_slice %arg5[%dma_wait3A_509] : memref<6400xi32, #tpu.memory_space<vmem>> -> memref<128xi32, #tpu.memory_space<vmem>>
    %dma_wait3A_511 = arith.constant 0 : i32
    %dma_wait3A_512 = tpu.memref_slice %arg2[%dma_wait3A_511] : memref<204800xi32, #tpu.memory_space<hbm>> -> memref<128xi32, #tpu.memory_space<hbm>>
    %dma_wait3A_513 = arith.constant 0 : i32
    %dma_wait3A_514 = tpu.memref_slice %arg5[%dma_wait3A_513] : memref<6400xi32, #tpu.memory_space<vmem>> -> memref<128xi32, #tpu.memory_space<vmem>>
    %dma_wait3A_515 = arith.constant 0 : i32
    %dma_wait3A_516 = tpu.memref_slice %arg2[%dma_wait3A_515] : memref<204800xi32, #tpu.memory_space<hbm>> -> memref<128xi32, #tpu.memory_space<hbm>>
    tpu.wait_dma2 semaphore(%arg10 : memref<!tpu.dma_semaphore, #tpu.memory_space<semaphore_mem>>) src(%dma_wait3A_516 : memref<128xi32, #tpu.memory_space<hbm>>) dst(%dma_wait3A_514 : memref<128xi32, #tpu.memory_space<vmem>>)
    %dma_wait3A_517 = arith.constant 0 : i32
    %dma_wait3A_518 = tpu.memref_slice %arg5[%dma_wait3A_517] : memref<6400xi32, #tpu.memory_space<vmem>> -> memref<128xi32, #tpu.memory_space<vmem>>
    %dma_wait3A_519 = arith.constant 0 : i32
    %dma_wait3A_520 = tpu.memref_slice %arg2[%dma_wait3A_519] : memref<204800xi32, #tpu.memory_space<hbm>> -> memref<128xi32, #tpu.memory_space<hbm>>
    %dma_wait3A_521 = arith.constant 0 : i32
    %dma_wait3A_522 = tpu.memref_slice %arg5[%dma_wait3A_521] : memref<6400xi32, #tpu.memory_space<vmem>> -> memref<128xi32, #tpu.memory_space<vmem>>
    %dma_wait3A_523 = arith.constant 0 : i32
    %dma_wait3A_524 = tpu.memref_slice %arg2[%dma_wait3A_523] : memref<204800xi32, #tpu.memory_space<hbm>> -> memref<128xi32, #tpu.memory_space<hbm>>
    tpu.wait_dma2 semaphore(%arg10 : memref<!tpu.dma_semaphore, #tpu.memory_space<semaphore_mem>>) src(%dma_wait3A_524 : memref<128xi32, #tpu.memory_space<hbm>>) dst(%dma_wait3A_522 : memref<128xi32, #tpu.memory_space<vmem>>)
    %dma_wait3A_525 = arith.constant 0 : i32
    %dma_wait3A_526 = tpu.memref_slice %arg5[%dma_wait3A_525] : memref<6400xi32, #tpu.memory_space<vmem>> -> memref<128xi32, #tpu.memory_space<vmem>>
    %dma_wait3A_527 = arith.constant 0 : i32
    %dma_wait3A_528 = tpu.memref_slice %arg2[%dma_wait3A_527] : memref<204800xi32, #tpu.memory_space<hbm>> -> memref<128xi32, #tpu.memory_space<hbm>>
    %dma_wait3A_529 = arith.constant 0 : i32
    %dma_wait3A_530 = tpu.memref_slice %arg5[%dma_wait3A_529] : memref<6400xi32, #tpu.memory_space<vmem>> -> memref<128xi32, #tpu.memory_space<vmem>>
    %dma_wait3A_531 = arith.constant 0 : i32
    %dma_wait3A_532 = tpu.memref_slice %arg2[%dma_wait3A_531] : memref<204800xi32, #tpu.memory_space<hbm>> -> memref<128xi32, #tpu.memory_space<hbm>>
    tpu.wait_dma2 semaphore(%arg10 : memref<!tpu.dma_semaphore, #tpu.memory_space<semaphore_mem>>) src(%dma_wait3A_532 : memref<128xi32, #tpu.memory_space<hbm>>) dst(%dma_wait3A_530 : memref<128xi32, #tpu.memory_space<vmem>>)
    %dma_wait3A_533 = arith.constant 0 : i32
    %dma_wait3A_534 = tpu.memref_slice %arg5[%dma_wait3A_533] : memref<6400xi32, #tpu.memory_space<vmem>> -> memref<128xi32, #tpu.memory_space<vmem>>
    %dma_wait3A_535 = arith.constant 0 : i32
    %dma_wait3A_536 = tpu.memref_slice %arg2[%dma_wait3A_535] : memref<204800xi32, #tpu.memory_space<hbm>> -> memref<128xi32, #tpu.memory_space<hbm>>
    %dma_wait3A_537 = arith.constant 0 : i32
    %dma_wait3A_538 = tpu.memref_slice %arg5[%dma_wait3A_537] : memref<6400xi32, #tpu.memory_space<vmem>> -> memref<128xi32, #tpu.memory_space<vmem>>
    %dma_wait3A_539 = arith.constant 0 : i32
    %dma_wait3A_540 = tpu.memref_slice %arg2[%dma_wait3A_539] : memref<204800xi32, #tpu.memory_space<hbm>> -> memref<128xi32, #tpu.memory_space<hbm>>
    tpu.wait_dma2 semaphore(%arg10 : memref<!tpu.dma_semaphore, #tpu.memory_space<semaphore_mem>>) src(%dma_wait3A_540 : memref<128xi32, #tpu.memory_space<hbm>>) dst(%dma_wait3A_538 : memref<128xi32, #tpu.memory_space<vmem>>)
    %dma_wait3A_541 = arith.constant 0 : i32
    %dma_wait3A_542 = tpu.memref_slice %arg5[%dma_wait3A_541] : memref<6400xi32, #tpu.memory_space<vmem>> -> memref<128xi32, #tpu.memory_space<vmem>>
    %dma_wait3A_543 = arith.constant 0 : i32
    %dma_wait3A_544 = tpu.memref_slice %arg2[%dma_wait3A_543] : memref<204800xi32, #tpu.memory_space<hbm>> -> memref<128xi32, #tpu.memory_space<hbm>>
    %dma_wait3A_545 = arith.constant 0 : i32
    %dma_wait3A_546 = tpu.memref_slice %arg5[%dma_wait3A_545] : memref<6400xi32, #tpu.memory_space<vmem>> -> memref<128xi32, #tpu.memory_space<vmem>>
    %dma_wait3A_547 = arith.constant 0 : i32
    %dma_wait3A_548 = tpu.memref_slice %arg2[%dma_wait3A_547] : memref<204800xi32, #tpu.memory_space<hbm>> -> memref<128xi32, #tpu.memory_space<hbm>>
    tpu.wait_dma2 semaphore(%arg10 : memref<!tpu.dma_semaphore, #tpu.memory_space<semaphore_mem>>) src(%dma_wait3A_548 : memref<128xi32, #tpu.memory_space<hbm>>) dst(%dma_wait3A_546 : memref<128xi32, #tpu.memory_space<vmem>>)
    %dma_wait3A_549 = arith.constant 0 : i32
    %dma_wait3A_550 = tpu.memref_slice %arg5[%dma_wait3A_549] : memref<6400xi32, #tpu.memory_space<vmem>> -> memref<128xi32, #tpu.memory_space<vmem>>
    %dma_wait3A_551 = arith.constant 0 : i32
    %dma_wait3A_552 = tpu.memref_slice %arg2[%dma_wait3A_551] : memref<204800xi32, #tpu.memory_space<hbm>> -> memref<128xi32, #tpu.memory_space<hbm>>
    %dma_wait3A_553 = arith.constant 0 : i32
    %dma_wait3A_554 = tpu.memref_slice %arg5[%dma_wait3A_553] : memref<6400xi32, #tpu.memory_space<vmem>> -> memref<128xi32, #tpu.memory_space<vmem>>
    %dma_wait3A_555 = arith.constant 0 : i32
    %dma_wait3A_556 = tpu.memref_slice %arg2[%dma_wait3A_555] : memref<204800xi32, #tpu.memory_space<hbm>> -> memref<128xi32, #tpu.memory_space<hbm>>
    tpu.wait_dma2 semaphore(%arg10 : memref<!tpu.dma_semaphore, #tpu.memory_space<semaphore_mem>>) src(%dma_wait3A_556 : memref<128xi32, #tpu.memory_space<hbm>>) dst(%dma_wait3A_554 : memref<128xi32, #tpu.memory_space<vmem>>)
    %dma_wait3A_557 = arith.constant 0 : i32
    %dma_wait3A_558 = tpu.memref_slice %arg5[%dma_wait3A_557] : memref<6400xi32, #tpu.memory_space<vmem>> -> memref<128xi32, #tpu.memory_space<vmem>>
    %dma_wait3A_559 = arith.constant 0 : i32
    %dma_wait3A_560 = tpu.memref_slice %arg2[%dma_wait3A_559] : memref<204800xi32, #tpu.memory_space<hbm>> -> memref<128xi32, #tpu.memory_space<hbm>>
    %dma_wait3A_561 = arith.constant 0 : i32
    %dma_wait3A_562 = tpu.memref_slice %arg5[%dma_wait3A_561] : memref<6400xi32, #tpu.memory_space<vmem>> -> memref<128xi32, #tpu.memory_space<vmem>>
    %dma_wait3A_563 = arith.constant 0 : i32
    %dma_wait3A_564 = tpu.memref_slice %arg2[%dma_wait3A_563] : memref<204800xi32, #tpu.memory_space<hbm>> -> memref<128xi32, #tpu.memory_space<hbm>>
    tpu.wait_dma2 semaphore(%arg10 : memref<!tpu.dma_semaphore, #tpu.memory_space<semaphore_mem>>) src(%dma_wait3A_564 : memref<128xi32, #tpu.memory_space<hbm>>) dst(%dma_wait3A_562 : memref<128xi32, #tpu.memory_space<vmem>>)
    %dma_wait3A_565 = arith.constant 0 : i32
    %dma_wait3A_566 = tpu.memref_slice %arg5[%dma_wait3A_565] : memref<6400xi32, #tpu.memory_space<vmem>> -> memref<128xi32, #tpu.memory_space<vmem>>
    %dma_wait3A_567 = arith.constant 0 : i32
    %dma_wait3A_568 = tpu.memref_slice %arg2[%dma_wait3A_567] : memref<204800xi32, #tpu.memory_space<hbm>> -> memref<128xi32, #tpu.memory_space<hbm>>
    %dma_wait3A_569 = arith.constant 0 : i32
    %dma_wait3A_570 = tpu.memref_slice %arg5[%dma_wait3A_569] : memref<6400xi32, #tpu.memory_space<vmem>> -> memref<128xi32, #tpu.memory_space<vmem>>
    %dma_wait3A_571 = arith.constant 0 : i32
    %dma_wait3A_572 = tpu.memref_slice %arg2[%dma_wait3A_571] : memref<204800xi32, #tpu.memory_space<hbm>> -> memref<128xi32, #tpu.memory_space<hbm>>
    tpu.wait_dma2 semaphore(%arg10 : memref<!tpu.dma_semaphore, #tpu.memory_space<semaphore_mem>>) src(%dma_wait3A_572 : memref<128xi32, #tpu.memory_space<hbm>>) dst(%dma_wait3A_570 : memref<128xi32, #tpu.memory_space<vmem>>)
    %dma_wait3A_573 = arith.constant 0 : i32
    %dma_wait3A_574 = tpu.memref_slice %arg5[%dma_wait3A_573] : memref<6400xi32, #tpu.memory_space<vmem>> -> memref<128xi32, #tpu.memory_space<vmem>>
    %dma_wait3A_575 = arith.constant 0 : i32
    %dma_wait3A_576 = tpu.memref_slice %arg2[%dma_wait3A_575] : memref<204800xi32, #tpu.memory_space<hbm>> -> memref<128xi32, #tpu.memory_space<hbm>>
    %dma_wait3A_577 = arith.constant 0 : i32
    %dma_wait3A_578 = tpu.memref_slice %arg5[%dma_wait3A_577] : memref<6400xi32, #tpu.memory_space<vmem>> -> memref<128xi32, #tpu.memory_space<vmem>>
    %dma_wait3A_579 = arith.constant 0 : i32
    %dma_wait3A_580 = tpu.memref_slice %arg2[%dma_wait3A_579] : memref<204800xi32, #tpu.memory_space<hbm>> -> memref<128xi32, #tpu.memory_space<hbm>>
    tpu.wait_dma2 semaphore(%arg10 : memref<!tpu.dma_semaphore, #tpu.memory_space<semaphore_mem>>) src(%dma_wait3A_580 : memref<128xi32, #tpu.memory_space<hbm>>) dst(%dma_wait3A_578 : memref<128xi32, #tpu.memory_space<vmem>>)
    %dma_wait3A_581 = arith.constant 0 : i32
    %dma_wait3A_582 = tpu.memref_slice %arg5[%dma_wait3A_581] : memref<6400xi32, #tpu.memory_space<vmem>> -> memref<128xi32, #tpu.memory_space<vmem>>
    %dma_wait3A_583 = arith.constant 0 : i32
    %dma_wait3A_584 = tpu.memref_slice %arg2[%dma_wait3A_583] : memref<204800xi32, #tpu.memory_space<hbm>> -> memref<128xi32, #tpu.memory_space<hbm>>
    %dma_wait3A_585 = arith.constant 0 : i32
    %dma_wait3A_586 = tpu.memref_slice %arg5[%dma_wait3A_585] : memref<6400xi32, #tpu.memory_space<vmem>> -> memref<128xi32, #tpu.memory_space<vmem>>
    %dma_wait3A_587 = arith.constant 0 : i32
    %dma_wait3A_588 = tpu.memref_slice %arg2[%dma_wait3A_587] : memref<204800xi32, #tpu.memory_space<hbm>> -> memref<128xi32, #tpu.memory_space<hbm>>
    tpu.wait_dma2 semaphore(%arg10 : memref<!tpu.dma_semaphore, #tpu.memory_space<semaphore_mem>>) src(%dma_wait3A_588 : memref<128xi32, #tpu.memory_space<hbm>>) dst(%dma_wait3A_586 : memref<128xi32, #tpu.memory_space<vmem>>)
    %dma_wait3A_589 = arith.constant 0 : i32
    %dma_wait3A_590 = tpu.memref_slice %arg5[%dma_wait3A_589] : memref<6400xi32, #tpu.memory_space<vmem>> -> memref<128xi32, #tpu.memory_space<vmem>>
    %dma_wait3A_591 = arith.constant 0 : i32
    %dma_wait3A_592 = tpu.memref_slice %arg2[%dma_wait3A_591] : memref<204800xi32, #tpu.memory_space<hbm>> -> memref<128xi32, #tpu.memory_space<hbm>>
    %dma_wait3A_593 = arith.constant 0 : i32
    %dma_wait3A_594 = tpu.memref_slice %arg5[%dma_wait3A_593] : memref<6400xi32, #tpu.memory_space<vmem>> -> memref<128xi32, #tpu.memory_space<vmem>>
    %dma_wait3A_595 = arith.constant 0 : i32
    %dma_wait3A_596 = tpu.memref_slice %arg2[%dma_wait3A_595] : memref<204800xi32, #tpu.memory_space<hbm>> -> memref<128xi32, #tpu.memory_space<hbm>>
    tpu.wait_dma2 semaphore(%arg10 : memref<!tpu.dma_semaphore, #tpu.memory_space<semaphore_mem>>) src(%dma_wait3A_596 : memref<128xi32, #tpu.memory_space<hbm>>) dst(%dma_wait3A_594 : memref<128xi32, #tpu.memory_space<vmem>>)
    %dma_wait3A_597 = arith.constant 0 : i32
    %dma_wait3A_598 = tpu.memref_slice %arg5[%dma_wait3A_597] : memref<6400xi32, #tpu.memory_space<vmem>> -> memref<128xi32, #tpu.memory_space<vmem>>
    %dma_wait3A_599 = arith.constant 0 : i32
    %dma_wait3A_600 = tpu.memref_slice %arg2[%dma_wait3A_599] : memref<204800xi32, #tpu.memory_space<hbm>> -> memref<128xi32, #tpu.memory_space<hbm>>
    %dma_wait3A_601 = arith.constant 0 : i32
    %dma_wait3A_602 = tpu.memref_slice %arg5[%dma_wait3A_601] : memref<6400xi32, #tpu.memory_space<vmem>> -> memref<128xi32, #tpu.memory_space<vmem>>
    %dma_wait3A_603 = arith.constant 0 : i32
    %dma_wait3A_604 = tpu.memref_slice %arg2[%dma_wait3A_603] : memref<204800xi32, #tpu.memory_space<hbm>> -> memref<128xi32, #tpu.memory_space<hbm>>
    tpu.wait_dma2 semaphore(%arg10 : memref<!tpu.dma_semaphore, #tpu.memory_space<semaphore_mem>>) src(%dma_wait3A_604 : memref<128xi32, #tpu.memory_space<hbm>>) dst(%dma_wait3A_602 : memref<128xi32, #tpu.memory_space<vmem>>)
    %dma_wait3A_605 = arith.constant 0 : i32
    %dma_wait3A_606 = tpu.memref_slice %arg5[%dma_wait3A_605] : memref<6400xi32, #tpu.memory_space<vmem>> -> memref<128xi32, #tpu.memory_space<vmem>>
    %dma_wait3A_607 = arith.constant 0 : i32
    %dma_wait3A_608 = tpu.memref_slice %arg2[%dma_wait3A_607] : memref<204800xi32, #tpu.memory_space<hbm>> -> memref<128xi32, #tpu.memory_space<hbm>>
    %dma_wait3A_609 = arith.constant 0 : i32
    %dma_wait3A_610 = tpu.memref_slice %arg5[%dma_wait3A_609] : memref<6400xi32, #tpu.memory_space<vmem>> -> memref<128xi32, #tpu.memory_space<vmem>>
    %dma_wait3A_611 = arith.constant 0 : i32
    %dma_wait3A_612 = tpu.memref_slice %arg2[%dma_wait3A_611] : memref<204800xi32, #tpu.memory_space<hbm>> -> memref<128xi32, #tpu.memory_space<hbm>>
    tpu.wait_dma2 semaphore(%arg10 : memref<!tpu.dma_semaphore, #tpu.memory_space<semaphore_mem>>) src(%dma_wait3A_612 : memref<128xi32, #tpu.memory_space<hbm>>) dst(%dma_wait3A_610 : memref<128xi32, #tpu.memory_space<vmem>>)
    %dma_wait3A_613 = arith.constant 0 : i32
    %dma_wait3A_614 = tpu.memref_slice %arg5[%dma_wait3A_613] : memref<6400xi32, #tpu.memory_space<vmem>> -> memref<128xi32, #tpu.memory_space<vmem>>
    %dma_wait3A_615 = arith.constant 0 : i32
    %dma_wait3A_616 = tpu.memref_slice %arg2[%dma_wait3A_615] : memref<204800xi32, #tpu.memory_space<hbm>> -> memref<128xi32, #tpu.memory_space<hbm>>
    %dma_wait3A_617 = arith.constant 0 : i32
    %dma_wait3A_618 = tpu.memref_slice %arg5[%dma_wait3A_617] : memref<6400xi32, #tpu.memory_space<vmem>> -> memref<128xi32, #tpu.memory_space<vmem>>
    %dma_wait3A_619 = arith.constant 0 : i32
    %dma_wait3A_620 = tpu.memref_slice %arg2[%dma_wait3A_619] : memref<204800xi32, #tpu.memory_space<hbm>> -> memref<128xi32, #tpu.memory_space<hbm>>
    tpu.wait_dma2 semaphore(%arg10 : memref<!tpu.dma_semaphore, #tpu.memory_space<semaphore_mem>>) src(%dma_wait3A_620 : memref<128xi32, #tpu.memory_space<hbm>>) dst(%dma_wait3A_618 : memref<128xi32, #tpu.memory_space<vmem>>)
    %dma_wait3A_621 = arith.constant 0 : i32
    %dma_wait3A_622 = tpu.memref_slice %arg5[%dma_wait3A_621] : memref<6400xi32, #tpu.memory_space<vmem>> -> memref<128xi32, #tpu.memory_space<vmem>>
    %dma_wait3A_623 = arith.constant 0 : i32
    %dma_wait3A_624 = tpu.memref_slice %arg2[%dma_wait3A_623] : memref<204800xi32, #tpu.memory_space<hbm>> -> memref<128xi32, #tpu.memory_space<hbm>>
    %dma_wait3A_625 = arith.constant 0 : i32
    %dma_wait3A_626 = tpu.memref_slice %arg5[%dma_wait3A_625] : memref<6400xi32, #tpu.memory_space<vmem>> -> memref<128xi32, #tpu.memory_space<vmem>>
    %dma_wait3A_627 = arith.constant 0 : i32
    %dma_wait3A_628 = tpu.memref_slice %arg2[%dma_wait3A_627] : memref<204800xi32, #tpu.memory_space<hbm>> -> memref<128xi32, #tpu.memory_space<hbm>>
    tpu.wait_dma2 semaphore(%arg10 : memref<!tpu.dma_semaphore, #tpu.memory_space<semaphore_mem>>) src(%dma_wait3A_628 : memref<128xi32, #tpu.memory_space<hbm>>) dst(%dma_wait3A_626 : memref<128xi32, #tpu.memory_space<vmem>>)
    %dma_wait3A_629 = arith.constant 0 : i32
    %dma_wait3A_630 = tpu.memref_slice %arg5[%dma_wait3A_629] : memref<6400xi32, #tpu.memory_space<vmem>> -> memref<128xi32, #tpu.memory_space<vmem>>
    %dma_wait3A_631 = arith.constant 0 : i32
    %dma_wait3A_632 = tpu.memref_slice %arg2[%dma_wait3A_631] : memref<204800xi32, #tpu.memory_space<hbm>> -> memref<128xi32, #tpu.memory_space<hbm>>
    %dma_wait3A_633 = arith.constant 0 : i32
    %dma_wait3A_634 = tpu.memref_slice %arg5[%dma_wait3A_633] : memref<6400xi32, #tpu.memory_space<vmem>> -> memref<128xi32, #tpu.memory_space<vmem>>
    %dma_wait3A_635 = arith.constant 0 : i32
    %dma_wait3A_636 = tpu.memref_slice %arg2[%dma_wait3A_635] : memref<204800xi32, #tpu.memory_space<hbm>> -> memref<128xi32, #tpu.memory_space<hbm>>
    tpu.wait_dma2 semaphore(%arg10 : memref<!tpu.dma_semaphore, #tpu.memory_space<semaphore_mem>>) src(%dma_wait3A_636 : memref<128xi32, #tpu.memory_space<hbm>>) dst(%dma_wait3A_634 : memref<128xi32, #tpu.memory_space<vmem>>)
    %dma_wait3A_637 = arith.constant 0 : i32
    %dma_wait3A_638 = tpu.memref_slice %arg5[%dma_wait3A_637] : memref<6400xi32, #tpu.memory_space<vmem>> -> memref<128xi32, #tpu.memory_space<vmem>>
    %dma_wait3A_639 = arith.constant 0 : i32
    %dma_wait3A_640 = tpu.memref_slice %arg2[%dma_wait3A_639] : memref<204800xi32, #tpu.memory_space<hbm>> -> memref<128xi32, #tpu.memory_space<hbm>>
    %dma_wait3A_641 = arith.constant 0 : i32
    %dma_wait3A_642 = tpu.memref_slice %arg5[%dma_wait3A_641] : memref<6400xi32, #tpu.memory_space<vmem>> -> memref<128xi32, #tpu.memory_space<vmem>>
    %dma_wait3A_643 = arith.constant 0 : i32
    %dma_wait3A_644 = tpu.memref_slice %arg2[%dma_wait3A_643] : memref<204800xi32, #tpu.memory_space<hbm>> -> memref<128xi32, #tpu.memory_space<hbm>>
    tpu.wait_dma2 semaphore(%arg10 : memref<!tpu.dma_semaphore, #tpu.memory_space<semaphore_mem>>) src(%dma_wait3A_644 : memref<128xi32, #tpu.memory_space<hbm>>) dst(%dma_wait3A_642 : memref<128xi32, #tpu.memory_space<vmem>>)
    %dma_wait3A_645 = arith.constant 0 : i32
    %dma_wait3A_646 = tpu.memref_slice %arg5[%dma_wait3A_645] : memref<6400xi32, #tpu.memory_space<vmem>> -> memref<128xi32, #tpu.memory_space<vmem>>
    %dma_wait3A_647 = arith.constant 0 : i32
    %dma_wait3A_648 = tpu.memref_slice %arg2[%dma_wait3A_647] : memref<204800xi32, #tpu.memory_space<hbm>> -> memref<128xi32, #tpu.memory_space<hbm>>
    %dma_wait3A_649 = arith.constant 0 : i32
    %dma_wait3A_650 = tpu.memref_slice %arg5[%dma_wait3A_649] : memref<6400xi32, #tpu.memory_space<vmem>> -> memref<128xi32, #tpu.memory_space<vmem>>
    %dma_wait3A_651 = arith.constant 0 : i32
    %dma_wait3A_652 = tpu.memref_slice %arg2[%dma_wait3A_651] : memref<204800xi32, #tpu.memory_space<hbm>> -> memref<128xi32, #tpu.memory_space<hbm>>
    tpu.wait_dma2 semaphore(%arg10 : memref<!tpu.dma_semaphore, #tpu.memory_space<semaphore_mem>>) src(%dma_wait3A_652 : memref<128xi32, #tpu.memory_space<hbm>>) dst(%dma_wait3A_650 : memref<128xi32, #tpu.memory_space<vmem>>)
    %dma_wait3A_653 = arith.constant 0 : i32
    %dma_wait3A_654 = tpu.memref_slice %arg5[%dma_wait3A_653] : memref<6400xi32, #tpu.memory_space<vmem>> -> memref<128xi32, #tpu.memory_space<vmem>>
    %dma_wait3A_655 = arith.constant 0 : i32
    %dma_wait3A_656 = tpu.memref_slice %arg2[%dma_wait3A_655] : memref<204800xi32, #tpu.memory_space<hbm>> -> memref<128xi32, #tpu.memory_space<hbm>>
    %dma_wait3A_657 = arith.constant 0 : i32
    %dma_wait3A_658 = tpu.memref_slice %arg5[%dma_wait3A_657] : memref<6400xi32, #tpu.memory_space<vmem>> -> memref<128xi32, #tpu.memory_space<vmem>>
    %dma_wait3A_659 = arith.constant 0 : i32
    %dma_wait3A_660 = tpu.memref_slice %arg2[%dma_wait3A_659] : memref<204800xi32, #tpu.memory_space<hbm>> -> memref<128xi32, #tpu.memory_space<hbm>>
    tpu.wait_dma2 semaphore(%arg10 : memref<!tpu.dma_semaphore, #tpu.memory_space<semaphore_mem>>) src(%dma_wait3A_660 : memref<128xi32, #tpu.memory_space<hbm>>) dst(%dma_wait3A_658 : memref<128xi32, #tpu.memory_space<vmem>>)
    %dma_wait3A_661 = arith.constant 0 : i32
    %dma_wait3A_662 = tpu.memref_slice %arg5[%dma_wait3A_661] : memref<6400xi32, #tpu.memory_space<vmem>> -> memref<128xi32, #tpu.memory_space<vmem>>
    %dma_wait3A_663 = arith.constant 0 : i32
    %dma_wait3A_664 = tpu.memref_slice %arg2[%dma_wait3A_663] : memref<204800xi32, #tpu.memory_space<hbm>> -> memref<128xi32, #tpu.memory_space<hbm>>
    %dma_wait3A_665 = arith.constant 0 : i32
    %dma_wait3A_666 = tpu.memref_slice %arg5[%dma_wait3A_665] : memref<6400xi32, #tpu.memory_space<vmem>> -> memref<128xi32, #tpu.memory_space<vmem>>
    %dma_wait3A_667 = arith.constant 0 : i32
    %dma_wait3A_668 = tpu.memref_slice %arg2[%dma_wait3A_667] : memref<204800xi32, #tpu.memory_space<hbm>> -> memref<128xi32, #tpu.memory_space<hbm>>
    tpu.wait_dma2 semaphore(%arg10 : memref<!tpu.dma_semaphore, #tpu.memory_space<semaphore_mem>>) src(%dma_wait3A_668 : memref<128xi32, #tpu.memory_space<hbm>>) dst(%dma_wait3A_666 : memref<128xi32, #tpu.memory_space<vmem>>)
    %dma_wait3A_669 = arith.constant 0 : i32
    %dma_wait3A_670 = tpu.memref_slice %arg5[%dma_wait3A_669] : memref<6400xi32, #tpu.memory_space<vmem>> -> memref<128xi32, #tpu.memory_space<vmem>>
    %dma_wait3A_671 = arith.constant 0 : i32
    %dma_wait3A_672 = tpu.memref_slice %arg2[%dma_wait3A_671] : memref<204800xi32, #tpu.memory_space<hbm>> -> memref<128xi32, #tpu.memory_space<hbm>>
    %dma_wait3A_673 = arith.constant 0 : i32
    %dma_wait3A_674 = tpu.memref_slice %arg5[%dma_wait3A_673] : memref<6400xi32, #tpu.memory_space<vmem>> -> memref<128xi32, #tpu.memory_space<vmem>>
    %dma_wait3A_675 = arith.constant 0 : i32
    %dma_wait3A_676 = tpu.memref_slice %arg2[%dma_wait3A_675] : memref<204800xi32, #tpu.memory_space<hbm>> -> memref<128xi32, #tpu.memory_space<hbm>>
    tpu.wait_dma2 semaphore(%arg10 : memref<!tpu.dma_semaphore, #tpu.memory_space<semaphore_mem>>) src(%dma_wait3A_676 : memref<128xi32, #tpu.memory_space<hbm>>) dst(%dma_wait3A_674 : memref<128xi32, #tpu.memory_space<vmem>>)
    %dma_wait3A_677 = arith.constant 0 : i32
    %dma_wait3A_678 = tpu.memref_slice %arg5[%dma_wait3A_677] : memref<6400xi32, #tpu.memory_space<vmem>> -> memref<128xi32, #tpu.memory_space<vmem>>
    %dma_wait3A_679 = arith.constant 0 : i32
    %dma_wait3A_680 = tpu.memref_slice %arg2[%dma_wait3A_679] : memref<204800xi32, #tpu.memory_space<hbm>> -> memref<128xi32, #tpu.memory_space<hbm>>
    %dma_wait3A_681 = arith.constant 0 : i32
    %dma_wait3A_682 = tpu.memref_slice %arg5[%dma_wait3A_681] : memref<6400xi32, #tpu.memory_space<vmem>> -> memref<128xi32, #tpu.memory_space<vmem>>
    %dma_wait3A_683 = arith.constant 0 : i32
    %dma_wait3A_684 = tpu.memref_slice %arg2[%dma_wait3A_683] : memref<204800xi32, #tpu.memory_space<hbm>> -> memref<128xi32, #tpu.memory_space<hbm>>
    tpu.wait_dma2 semaphore(%arg10 : memref<!tpu.dma_semaphore, #tpu.memory_space<semaphore_mem>>) src(%dma_wait3A_684 : memref<128xi32, #tpu.memory_space<hbm>>) dst(%dma_wait3A_682 : memref<128xi32, #tpu.memory_space<vmem>>)
    %dma_wait3A_685 = arith.constant 0 : i32
    %dma_wait3A_686 = tpu.memref_slice %arg5[%dma_wait3A_685] : memref<6400xi32, #tpu.memory_space<vmem>> -> memref<128xi32, #tpu.memory_space<vmem>>
    %dma_wait3A_687 = arith.constant 0 : i32
    %dma_wait3A_688 = tpu.memref_slice %arg2[%dma_wait3A_687] : memref<204800xi32, #tpu.memory_space<hbm>> -> memref<128xi32, #tpu.memory_space<hbm>>
    %dma_wait3A_689 = arith.constant 0 : i32
    %dma_wait3A_690 = tpu.memref_slice %arg5[%dma_wait3A_689] : memref<6400xi32, #tpu.memory_space<vmem>> -> memref<128xi32, #tpu.memory_space<vmem>>
    %dma_wait3A_691 = arith.constant 0 : i32
    %dma_wait3A_692 = tpu.memref_slice %arg2[%dma_wait3A_691] : memref<204800xi32, #tpu.memory_space<hbm>> -> memref<128xi32, #tpu.memory_space<hbm>>
    tpu.wait_dma2 semaphore(%arg10 : memref<!tpu.dma_semaphore, #tpu.memory_space<semaphore_mem>>) src(%dma_wait3A_692 : memref<128xi32, #tpu.memory_space<hbm>>) dst(%dma_wait3A_690 : memref<128xi32, #tpu.memory_space<vmem>>)
    %dma_wait3A_693 = arith.constant 0 : i32
    %dma_wait3A_694 = tpu.memref_slice %arg5[%dma_wait3A_693] : memref<6400xi32, #tpu.memory_space<vmem>> -> memref<128xi32, #tpu.memory_space<vmem>>
    %dma_wait3A_695 = arith.constant 0 : i32
    %dma_wait3A_696 = tpu.memref_slice %arg2[%dma_wait3A_695] : memref<204800xi32, #tpu.memory_space<hbm>> -> memref<128xi32, #tpu.memory_space<hbm>>
    %dma_wait3A_697 = arith.constant 0 : i32
    %dma_wait3A_698 = tpu.memref_slice %arg5[%dma_wait3A_697] : memref<6400xi32, #tpu.memory_space<vmem>> -> memref<128xi32, #tpu.memory_space<vmem>>
    %dma_wait3A_699 = arith.constant 0 : i32
    %dma_wait3A_700 = tpu.memref_slice %arg2[%dma_wait3A_699] : memref<204800xi32, #tpu.memory_space<hbm>> -> memref<128xi32, #tpu.memory_space<hbm>>
    tpu.wait_dma2 semaphore(%arg10 : memref<!tpu.dma_semaphore, #tpu.memory_space<semaphore_mem>>) src(%dma_wait3A_700 : memref<128xi32, #tpu.memory_space<hbm>>) dst(%dma_wait3A_698 : memref<128xi32, #tpu.memory_space<vmem>>)
    %dma_wait3A_701 = arith.constant 0 : i32
    %dma_wait3A_702 = tpu.memref_slice %arg5[%dma_wait3A_701] : memref<6400xi32, #tpu.memory_space<vmem>> -> memref<128xi32, #tpu.memory_space<vmem>>
    %dma_wait3A_703 = arith.constant 0 : i32
    %dma_wait3A_704 = tpu.memref_slice %arg2[%dma_wait3A_703] : memref<204800xi32, #tpu.memory_space<hbm>> -> memref<128xi32, #tpu.memory_space<hbm>>
    %dma_wait3A_705 = arith.constant 0 : i32
    %dma_wait3A_706 = tpu.memref_slice %arg5[%dma_wait3A_705] : memref<6400xi32, #tpu.memory_space<vmem>> -> memref<128xi32, #tpu.memory_space<vmem>>
    %dma_wait3A_707 = arith.constant 0 : i32
    %dma_wait3A_708 = tpu.memref_slice %arg2[%dma_wait3A_707] : memref<204800xi32, #tpu.memory_space<hbm>> -> memref<128xi32, #tpu.memory_space<hbm>>
    tpu.wait_dma2 semaphore(%arg10 : memref<!tpu.dma_semaphore, #tpu.memory_space<semaphore_mem>>) src(%dma_wait3A_708 : memref<128xi32, #tpu.memory_space<hbm>>) dst(%dma_wait3A_706 : memref<128xi32, #tpu.memory_space<vmem>>)
    %dma_wait3A_709 = arith.constant 0 : i32
    %dma_wait3A_710 = tpu.memref_slice %arg5[%dma_wait3A_709] : memref<6400xi32, #tpu.memory_space<vmem>> -> memref<128xi32, #tpu.memory_space<vmem>>
    %dma_wait3A_711 = arith.constant 0 : i32
    %dma_wait3A_712 = tpu.memref_slice %arg2[%dma_wait3A_711] : memref<204800xi32, #tpu.memory_space<hbm>> -> memref<128xi32, #tpu.memory_space<hbm>>
    %dma_wait3A_713 = arith.constant 0 : i32
    %dma_wait3A_714 = tpu.memref_slice %arg5[%dma_wait3A_713] : memref<6400xi32, #tpu.memory_space<vmem>> -> memref<128xi32, #tpu.memory_space<vmem>>
    %dma_wait3A_715 = arith.constant 0 : i32
    %dma_wait3A_716 = tpu.memref_slice %arg2[%dma_wait3A_715] : memref<204800xi32, #tpu.memory_space<hbm>> -> memref<128xi32, #tpu.memory_space<hbm>>
    tpu.wait_dma2 semaphore(%arg10 : memref<!tpu.dma_semaphore, #tpu.memory_space<semaphore_mem>>) src(%dma_wait3A_716 : memref<128xi32, #tpu.memory_space<hbm>>) dst(%dma_wait3A_714 : memref<128xi32, #tpu.memory_space<vmem>>)
    %dma_wait3A_717 = arith.constant 0 : i32
    %dma_wait3A_718 = tpu.memref_slice %arg5[%dma_wait3A_717] : memref<6400xi32, #tpu.memory_space<vmem>> -> memref<128xi32, #tpu.memory_space<vmem>>
    %dma_wait3A_719 = arith.constant 0 : i32
    %dma_wait3A_720 = tpu.memref_slice %arg2[%dma_wait3A_719] : memref<204800xi32, #tpu.memory_space<hbm>> -> memref<128xi32, #tpu.memory_space<hbm>>
    %dma_wait3A_721 = arith.constant 0 : i32
    %dma_wait3A_722 = tpu.memref_slice %arg5[%dma_wait3A_721] : memref<6400xi32, #tpu.memory_space<vmem>> -> memref<128xi32, #tpu.memory_space<vmem>>
    %dma_wait3A_723 = arith.constant 0 : i32
    %dma_wait3A_724 = tpu.memref_slice %arg2[%dma_wait3A_723] : memref<204800xi32, #tpu.memory_space<hbm>> -> memref<128xi32, #tpu.memory_space<hbm>>
    tpu.wait_dma2 semaphore(%arg10 : memref<!tpu.dma_semaphore, #tpu.memory_space<semaphore_mem>>) src(%dma_wait3A_724 : memref<128xi32, #tpu.memory_space<hbm>>) dst(%dma_wait3A_722 : memref<128xi32, #tpu.memory_space<vmem>>)
    %dma_wait3A_725 = arith.constant 0 : i32
    %dma_wait3A_726 = tpu.memref_slice %arg5[%dma_wait3A_725] : memref<6400xi32, #tpu.memory_space<vmem>> -> memref<128xi32, #tpu.memory_space<vmem>>
    %dma_wait3A_727 = arith.constant 0 : i32
    %dma_wait3A_728 = tpu.memref_slice %arg2[%dma_wait3A_727] : memref<204800xi32, #tpu.memory_space<hbm>> -> memref<128xi32, #tpu.memory_space<hbm>>
    %dma_wait3A_729 = arith.constant 0 : i32
    %dma_wait3A_730 = tpu.memref_slice %arg5[%dma_wait3A_729] : memref<6400xi32, #tpu.memory_space<vmem>> -> memref<128xi32, #tpu.memory_space<vmem>>
    %dma_wait3A_731 = arith.constant 0 : i32
    %dma_wait3A_732 = tpu.memref_slice %arg2[%dma_wait3A_731] : memref<204800xi32, #tpu.memory_space<hbm>> -> memref<128xi32, #tpu.memory_space<hbm>>
    tpu.wait_dma2 semaphore(%arg10 : memref<!tpu.dma_semaphore, #tpu.memory_space<semaphore_mem>>) src(%dma_wait3A_732 : memref<128xi32, #tpu.memory_space<hbm>>) dst(%dma_wait3A_730 : memref<128xi32, #tpu.memory_space<vmem>>)
    %dma_wait3A_733 = arith.constant 0 : i32
    %dma_wait3A_734 = tpu.memref_slice %arg5[%dma_wait3A_733] : memref<6400xi32, #tpu.memory_space<vmem>> -> memref<128xi32, #tpu.memory_space<vmem>>
    %dma_wait3A_735 = arith.constant 0 : i32
    %dma_wait3A_736 = tpu.memref_slice %arg2[%dma_wait3A_735] : memref<204800xi32, #tpu.memory_space<hbm>> -> memref<128xi32, #tpu.memory_space<hbm>>
    %dma_wait3A_737 = arith.constant 0 : i32
    %dma_wait3A_738 = tpu.memref_slice %arg5[%dma_wait3A_737] : memref<6400xi32, #tpu.memory_space<vmem>> -> memref<128xi32, #tpu.memory_space<vmem>>
    %dma_wait3A_739 = arith.constant 0 : i32
    %dma_wait3A_740 = tpu.memref_slice %arg2[%dma_wait3A_739] : memref<204800xi32, #tpu.memory_space<hbm>> -> memref<128xi32, #tpu.memory_space<hbm>>
    tpu.wait_dma2 semaphore(%arg10 : memref<!tpu.dma_semaphore, #tpu.memory_space<semaphore_mem>>) src(%dma_wait3A_740 : memref<128xi32, #tpu.memory_space<hbm>>) dst(%dma_wait3A_738 : memref<128xi32, #tpu.memory_space<vmem>>)
    %dma_wait3A_741 = arith.constant 0 : i32
    %dma_wait3A_742 = tpu.memref_slice %arg5[%dma_wait3A_741] : memref<6400xi32, #tpu.memory_space<vmem>> -> memref<128xi32, #tpu.memory_space<vmem>>
    %dma_wait3A_743 = arith.constant 0 : i32
    %dma_wait3A_744 = tpu.memref_slice %arg2[%dma_wait3A_743] : memref<204800xi32, #tpu.memory_space<hbm>> -> memref<128xi32, #tpu.memory_space<hbm>>
    %dma_wait3A_745 = arith.constant 0 : i32
    %dma_wait3A_746 = tpu.memref_slice %arg5[%dma_wait3A_745] : memref<6400xi32, #tpu.memory_space<vmem>> -> memref<128xi32, #tpu.memory_space<vmem>>
    %dma_wait3A_747 = arith.constant 0 : i32
    %dma_wait3A_748 = tpu.memref_slice %arg2[%dma_wait3A_747] : memref<204800xi32, #tpu.memory_space<hbm>> -> memref<128xi32, #tpu.memory_space<hbm>>
    tpu.wait_dma2 semaphore(%arg10 : memref<!tpu.dma_semaphore, #tpu.memory_space<semaphore_mem>>) src(%dma_wait3A_748 : memref<128xi32, #tpu.memory_space<hbm>>) dst(%dma_wait3A_746 : memref<128xi32, #tpu.memory_space<vmem>>)
    %dma_wait3A_749 = arith.constant 0 : i32
    %dma_wait3A_750 = tpu.memref_slice %arg5[%dma_wait3A_749] : memref<6400xi32, #tpu.memory_space<vmem>> -> memref<128xi32, #tpu.memory_space<vmem>>
    %dma_wait3A_751 = arith.constant 0 : i32
    %dma_wait3A_752 = tpu.memref_slice %arg2[%dma_wait3A_751] : memref<204800xi32, #tpu.memory_space<hbm>> -> memref<128xi32, #tpu.memory_space<hbm>>
    %dma_wait3A_753 = arith.constant 0 : i32
    %dma_wait3A_754 = tpu.memref_slice %arg5[%dma_wait3A_753] : memref<6400xi32, #tpu.memory_space<vmem>> -> memref<128xi32, #tpu.memory_space<vmem>>
    %dma_wait3A_755 = arith.constant 0 : i32
    %dma_wait3A_756 = tpu.memref_slice %arg2[%dma_wait3A_755] : memref<204800xi32, #tpu.memory_space<hbm>> -> memref<128xi32, #tpu.memory_space<hbm>>
    tpu.wait_dma2 semaphore(%arg10 : memref<!tpu.dma_semaphore, #tpu.memory_space<semaphore_mem>>) src(%dma_wait3A_756 : memref<128xi32, #tpu.memory_space<hbm>>) dst(%dma_wait3A_754 : memref<128xi32, #tpu.memory_space<vmem>>)
    %dma_wait3A_757 = arith.constant 0 : i32
    %dma_wait3A_758 = tpu.memref_slice %arg5[%dma_wait3A_757] : memref<6400xi32, #tpu.memory_space<vmem>> -> memref<128xi32, #tpu.memory_space<vmem>>
    %dma_wait3A_759 = arith.constant 0 : i32
    %dma_wait3A_760 = tpu.memref_slice %arg2[%dma_wait3A_759] : memref<204800xi32, #tpu.memory_space<hbm>> -> memref<128xi32, #tpu.memory_space<hbm>>
    %dma_wait3A_761 = arith.constant 0 : i32
    %dma_wait3A_762 = tpu.memref_slice %arg5[%dma_wait3A_761] : memref<6400xi32, #tpu.memory_space<vmem>> -> memref<128xi32, #tpu.memory_space<vmem>>
    %dma_wait3A_763 = arith.constant 0 : i32
    %dma_wait3A_764 = tpu.memref_slice %arg2[%dma_wait3A_763] : memref<204800xi32, #tpu.memory_space<hbm>> -> memref<128xi32, #tpu.memory_space<hbm>>
    tpu.wait_dma2 semaphore(%arg10 : memref<!tpu.dma_semaphore, #tpu.memory_space<semaphore_mem>>) src(%dma_wait3A_764 : memref<128xi32, #tpu.memory_space<hbm>>) dst(%dma_wait3A_762 : memref<128xi32, #tpu.memory_space<vmem>>)
    %dma_wait3A_765 = arith.constant 0 : i32
    %dma_wait3A_766 = tpu.memref_slice %arg5[%dma_wait3A_765] : memref<6400xi32, #tpu.memory_space<vmem>> -> memref<128xi32, #tpu.memory_space<vmem>>
    %dma_wait3A_767 = arith.constant 0 : i32
    %dma_wait3A_768 = tpu.memref_slice %arg2[%dma_wait3A_767] : memref<204800xi32, #tpu.memory_space<hbm>> -> memref<128xi32, #tpu.memory_space<hbm>>
    %dma_wait3A_769 = arith.constant 0 : i32
    %dma_wait3A_770 = tpu.memref_slice %arg5[%dma_wait3A_769] : memref<6400xi32, #tpu.memory_space<vmem>> -> memref<128xi32, #tpu.memory_space<vmem>>
    %dma_wait3A_771 = arith.constant 0 : i32
    %dma_wait3A_772 = tpu.memref_slice %arg2[%dma_wait3A_771] : memref<204800xi32, #tpu.memory_space<hbm>> -> memref<128xi32, #tpu.memory_space<hbm>>
    tpu.wait_dma2 semaphore(%arg10 : memref<!tpu.dma_semaphore, #tpu.memory_space<semaphore_mem>>) src(%dma_wait3A_772 : memref<128xi32, #tpu.memory_space<hbm>>) dst(%dma_wait3A_770 : memref<128xi32, #tpu.memory_space<vmem>>)
    %dma_wait3A_773 = arith.constant 0 : i32
    %dma_wait3A_774 = tpu.memref_slice %arg5[%dma_wait3A_773] : memref<6400xi32, #tpu.memory_space<vmem>> -> memref<128xi32, #tpu.memory_space<vmem>>
    %dma_wait3A_775 = arith.constant 0 : i32
    %dma_wait3A_776 = tpu.memref_slice %arg2[%dma_wait3A_775] : memref<204800xi32, #tpu.memory_space<hbm>> -> memref<128xi32, #tpu.memory_space<hbm>>
    %dma_wait3A_777 = arith.constant 0 : i32
    %dma_wait3A_778 = tpu.memref_slice %arg5[%dma_wait3A_777] : memref<6400xi32, #tpu.memory_space<vmem>> -> memref<128xi32, #tpu.memory_space<vmem>>
    %dma_wait3A_779 = arith.constant 0 : i32
    %dma_wait3A_780 = tpu.memref_slice %arg2[%dma_wait3A_779] : memref<204800xi32, #tpu.memory_space<hbm>> -> memref<128xi32, #tpu.memory_space<hbm>>
    tpu.wait_dma2 semaphore(%arg10 : memref<!tpu.dma_semaphore, #tpu.memory_space<semaphore_mem>>) src(%dma_wait3A_780 : memref<128xi32, #tpu.memory_space<hbm>>) dst(%dma_wait3A_778 : memref<128xi32, #tpu.memory_space<vmem>>)
    %dma_wait3A_781 = arith.constant 0 : i32
    %dma_wait3A_782 = tpu.memref_slice %arg5[%dma_wait3A_781] : memref<6400xi32, #tpu.memory_space<vmem>> -> memref<128xi32, #tpu.memory_space<vmem>>
    %dma_wait3A_783 = arith.constant 0 : i32
    %dma_wait3A_784 = tpu.memref_slice %arg2[%dma_wait3A_783] : memref<204800xi32, #tpu.memory_space<hbm>> -> memref<128xi32, #tpu.memory_space<hbm>>
    %dma_wait3A_785 = arith.constant 0 : i32
    %dma_wait3A_786 = tpu.memref_slice %arg5[%dma_wait3A_785] : memref<6400xi32, #tpu.memory_space<vmem>> -> memref<128xi32, #tpu.memory_space<vmem>>
    %dma_wait3A_787 = arith.constant 0 : i32
    %dma_wait3A_788 = tpu.memref_slice %arg2[%dma_wait3A_787] : memref<204800xi32, #tpu.memory_space<hbm>> -> memref<128xi32, #tpu.memory_space<hbm>>
    tpu.wait_dma2 semaphore(%arg10 : memref<!tpu.dma_semaphore, #tpu.memory_space<semaphore_mem>>) src(%dma_wait3A_788 : memref<128xi32, #tpu.memory_space<hbm>>) dst(%dma_wait3A_786 : memref<128xi32, #tpu.memory_space<vmem>>)
    %dma_wait3A_789 = arith.constant 0 : i32
    %dma_wait3A_790 = tpu.memref_slice %arg5[%dma_wait3A_789] : memref<6400xi32, #tpu.memory_space<vmem>> -> memref<128xi32, #tpu.memory_space<vmem>>
    %dma_wait3A_791 = arith.constant 0 : i32
    %dma_wait3A_792 = tpu.memref_slice %arg2[%dma_wait3A_791] : memref<204800xi32, #tpu.memory_space<hbm>> -> memref<128xi32, #tpu.memory_space<hbm>>
    %dma_wait3A_793 = arith.constant 0 : i32
    %dma_wait3A_794 = tpu.memref_slice %arg5[%dma_wait3A_793] : memref<6400xi32, #tpu.memory_space<vmem>> -> memref<128xi32, #tpu.memory_space<vmem>>
    %dma_wait3A_795 = arith.constant 0 : i32
    %dma_wait3A_796 = tpu.memref_slice %arg2[%dma_wait3A_795] : memref<204800xi32, #tpu.memory_space<hbm>> -> memref<128xi32, #tpu.memory_space<hbm>>
    tpu.wait_dma2 semaphore(%arg10 : memref<!tpu.dma_semaphore, #tpu.memory_space<semaphore_mem>>) src(%dma_wait3A_796 : memref<128xi32, #tpu.memory_space<hbm>>) dst(%dma_wait3A_794 : memref<128xi32, #tpu.memory_space<vmem>>)
    %dma_wait3A_797 = arith.constant 0 : i32
    %dma_wait3A_798 = tpu.memref_slice %arg5[%dma_wait3A_797] : memref<6400xi32, #tpu.memory_space<vmem>> -> memref<128xi32, #tpu.memory_space<vmem>>
    %dma_wait3A_799 = arith.constant 0 : i32
    %dma_wait3A_800 = tpu.memref_slice %arg2[%dma_wait3A_799] : memref<204800xi32, #tpu.memory_space<hbm>> -> memref<128xi32, #tpu.memory_space<hbm>>
    %dma_wait3A_801 = arith.constant 0 : i32
    %dma_wait3A_802 = tpu.memref_slice %arg5[%dma_wait3A_801] : memref<6400xi32, #tpu.memory_space<vmem>> -> memref<128xi32, #tpu.memory_space<vmem>>
    %dma_wait3A_803 = arith.constant 0 : i32
    %dma_wait3A_804 = tpu.memref_slice %arg2[%dma_wait3A_803] : memref<204800xi32, #tpu.memory_space<hbm>> -> memref<128xi32, #tpu.memory_space<hbm>>
    tpu.wait_dma2 semaphore(%arg10 : memref<!tpu.dma_semaphore, #tpu.memory_space<semaphore_mem>>) src(%dma_wait3A_804 : memref<128xi32, #tpu.memory_space<hbm>>) dst(%dma_wait3A_802 : memref<128xi32, #tpu.memory_space<vmem>>)
    %dma_wait3A_805 = arith.constant 0 : i32
    %dma_wait3A_806 = tpu.memref_slice %arg5[%dma_wait3A_805] : memref<6400xi32, #tpu.memory_space<vmem>> -> memref<128xi32, #tpu.memory_space<vmem>>
    %dma_wait3A_807 = arith.constant 0 : i32
    %dma_wait3A_808 = tpu.memref_slice %arg2[%dma_wait3A_807] : memref<204800xi32, #tpu.memory_space<hbm>> -> memref<128xi32, #tpu.memory_space<hbm>>
    %dma_wait3A_809 = arith.constant 0 : i32
    %dma_wait3A_810 = tpu.memref_slice %arg5[%dma_wait3A_809] : memref<6400xi32, #tpu.memory_space<vmem>> -> memref<128xi32, #tpu.memory_space<vmem>>
    %dma_wait3A_811 = arith.constant 0 : i32
    %dma_wait3A_812 = tpu.memref_slice %arg2[%dma_wait3A_811] : memref<204800xi32, #tpu.memory_space<hbm>> -> memref<128xi32, #tpu.memory_space<hbm>>
    tpu.wait_dma2 semaphore(%arg10 : memref<!tpu.dma_semaphore, #tpu.memory_space<semaphore_mem>>) src(%dma_wait3A_812 : memref<128xi32, #tpu.memory_space<hbm>>) dst(%dma_wait3A_810 : memref<128xi32, #tpu.memory_space<vmem>>)
    %dma_wait3A_813 = arith.constant 0 : i32
    %dma_wait3A_814 = tpu.memref_slice %arg5[%dma_wait3A_813] : memref<6400xi32, #tpu.memory_space<vmem>> -> memref<128xi32, #tpu.memory_space<vmem>>
    %dma_wait3A_815 = arith.constant 0 : i32
    %dma_wait3A_816 = tpu.memref_slice %arg2[%dma_wait3A_815] : memref<204800xi32, #tpu.memory_space<hbm>> -> memref<128xi32, #tpu.memory_space<hbm>>
    %dma_wait3A_817 = arith.constant 0 : i32
    %dma_wait3A_818 = tpu.memref_slice %arg5[%dma_wait3A_817] : memref<6400xi32, #tpu.memory_space<vmem>> -> memref<128xi32, #tpu.memory_space<vmem>>
    %dma_wait3A_819 = arith.constant 0 : i32
    %dma_wait3A_820 = tpu.memref_slice %arg2[%dma_wait3A_819] : memref<204800xi32, #tpu.memory_space<hbm>> -> memref<128xi32, #tpu.memory_space<hbm>>
    tpu.wait_dma2 semaphore(%arg10 : memref<!tpu.dma_semaphore, #tpu.memory_space<semaphore_mem>>) src(%dma_wait3A_820 : memref<128xi32, #tpu.memory_space<hbm>>) dst(%dma_wait3A_818 : memref<128xi32, #tpu.memory_space<vmem>>)
    %scan3A = arith.constant 0 : i32
    %scan3A_821 = arith.constant 49 : i32
    %scan3A_822 = arith.addi %scan3A, %scan3A_821 : i32
    %scan3A_823 = arith.constant 1 : i32
    scf.for %scan3A_969 = %scan3A to %scan3A_822 step %scan3A_823  : i32 {
      %mul3A_970 = arith.constant 4 : i32
      %mul3A_971 = arith.muli %scan3A_969, %mul3A_970 : i32
      %add3A_972 = arith.constant 0 : i32
      %add3A_973 = arith.addi %add3A_972, %mul3A_971 : i32
      %dma_wait3A_974 = arith.constant 0 : i32
      %dma_wait3A_975 = arith.constant 0 : i32
      %dma_wait3A_976 = tpu.memref_slice %arg3[%dma_wait3A_974, %dma_wait3A_975] : memref<8192x768xf32, #tpu.memory_space<hbm>> -> memref<32x768xf32, #tpu.memory_space<hbm>>
      %dma_wait3A_977 = arith.constant 0 : i32
      %dma_wait3A_978 = arith.constant 0 : i32
      %dma_wait3A_979 = tpu.memref_slice %arg3[%dma_wait3A_977, %dma_wait3A_978] : memref<8192x768xf32, #tpu.memory_space<hbm>> -> memref<32x768xf32, #tpu.memory_space<hbm>>
      tpu.wait_dma2 semaphore(%arg11 : memref<!tpu.dma_semaphore, #tpu.memory_space<semaphore_mem>>) src(%dma_wait3A_979 : memref<32x768xf32, #tpu.memory_space<hbm>>) dst(%arg6 : memref<32x768xf32, #tpu.memory_space<vmem>>)
      %add3A_980 = arith.constant 0 : i32
      %add3A_981 = arith.addi %add3A_973, %add3A_980 : i32
      %jit3A = arith.constant 4 : i32
      %div3A = arith.divsi %add3A_981, %jit3A : i32
      %sign3A = arith.constant 0 : i32
      %sign3A_982 = arith.cmpi sgt, %add3A_981, %sign3A : i32
      %sign3A_983 = arith.extui %sign3A_982 : i1 to i32
      %sign3A_984 = arith.constant 0 : i32
      %sign3A_985 = arith.cmpi slt, %add3A_981, %sign3A_984 : i32
      %sign3A_986 = arith.extui %sign3A_985 : i1 to i32
      %sign3A_987 = arith.subi %sign3A_983, %sign3A_986 : i32
      %sign3A_988 = arith.constant 0 : i32
      %sign3A_989 = arith.cmpi sgt, %jit3A, %sign3A_988 : i32
      %sign3A_990 = arith.extui %sign3A_989 : i1 to i32
      %sign3A_991 = arith.constant 0 : i32
      %sign3A_992 = arith.cmpi slt, %jit3A, %sign3A_991 : i32
      %sign3A_993 = arith.extui %sign3A_992 : i1 to i32
      %sign3A_994 = arith.subi %sign3A_990, %sign3A_993 : i32
      %ne3A = arith.cmpi ne, %sign3A_987, %sign3A_994 : i32
      %rem3A = arith.remsi %add3A_981, %jit3A : i32
      %ne3A_995 = arith.constant 0 : i32
      %ne3A_996 = arith.cmpi ne, %rem3A, %ne3A_995 : i32
      %and3A = arith.andi %ne3A, %ne3A_996 : i1
      %sub3A = arith.constant 1 : i32
      %sub3A_997 = arith.subi %div3A, %sub3A : i32
      %select_n3A = arith.select %and3A, %sub3A_997, %div3A : i32
      %jit3A_998 = arith.constant 4 : i32
      %eq3A = arith.constant 0 : i32
      %eq3A_999 = arith.cmpi eq, %jit3A_998, %eq3A : i32
      %jit3A_1000 = arith.constant 1 : i32
      %select_n3A_1001 = arith.select %eq3A_999, %jit3A_1000, %jit3A_998 : i32
      %rem3A_1002 = arith.remsi %add3A_981, %select_n3A_1001 : i32
      %ne3A_1003 = arith.constant 0 : i32
      %ne3A_1004 = arith.cmpi ne, %rem3A_1002, %ne3A_1003 : i32
      %lt3A = arith.constant 0 : i32
      %lt3A_1005 = arith.cmpi slt, %rem3A_1002, %lt3A : i32
      %lt3A_1006 = arith.constant 0 : i32
      %lt3A_1007 = arith.cmpi slt, %select_n3A_1001, %lt3A_1006 : i32
      %ne3A_1008 = arith.xori %lt3A_1005, %lt3A_1007 : i1
      %and3A_1009 = arith.andi %ne3A_1008, %ne3A_1004 : i1
      %add3A_1010 = arith.addi %rem3A_1002, %select_n3A_1001 : i32
      %select_n3A_1011 = arith.select %and3A_1009, %add3A_1010, %rem3A_1002 : i32
      %mul3A_1012 = arith.constant 32 : i32
      %mul3A_1013 = arith.muli %select_n3A_1011, %mul3A_1012 : i32
      %add3A_1014 = arith.addi %mul3A_2, %mul3A_1013 : i32
      %dma_start3A_1015 = arith.constant 0 : i32
      %dma_start3A_1016 = arith.constant 0 : i32
      %dma_start3A_1017 = tpu.memref_slice %arg4[%select_n3A, %dma_start3A_1015, %dma_start3A_1016] : memref<50x4096x768xf32, #tpu.memory_space<hbm>> -> memref<1x4096x768xf32, #tpu.memory_space<hbm>>
      %dma_start3A_1018 = tpu.memref_squeeze %dma_start3A_1017 : memref<1x4096x768xf32, #tpu.memory_space<hbm>> -> memref<4096x768xf32, #tpu.memory_space<hbm>>
      %dma_start3A_1019 = arith.constant 0 : i32
      %dma_start3A_1020 = tpu.memref_slice %dma_start3A_1018[%add3A_1014, %dma_start3A_1019] : memref<4096x768xf32, #tpu.memory_space<hbm>> -> memref<32x768xf32, #tpu.memory_space<hbm>>
      %dma_start3A_1021 = arith.constant 0 : i32
      %dma_start3A_1022 = arith.constant 0 : i32
      %dma_start3A_1023 = tpu.memref_slice %arg4[%select_n3A, %dma_start3A_1021, %dma_start3A_1022] : memref<50x4096x768xf32, #tpu.memory_space<hbm>> -> memref<1x4096x768xf32, #tpu.memory_space<hbm>>
      %dma_start3A_1024 = tpu.memref_squeeze %dma_start3A_1023 : memref<1x4096x768xf32, #tpu.memory_space<hbm>> -> memref<4096x768xf32, #tpu.memory_space<hbm>>
      %dma_start3A_1025 = arith.constant 0 : i32
      %dma_start3A_1026 = tpu.memref_slice %dma_start3A_1024[%add3A_1014, %dma_start3A_1025] : memref<4096x768xf32, #tpu.memory_space<hbm>> -> memref<32x768xf32, #tpu.memory_space<hbm>>
      tpu.enqueue_dma source(%arg6 : memref<32x768xf32, #tpu.memory_space<vmem>>) target(%dma_start3A_1026 : memref<32x768xf32, #tpu.memory_space<hbm>>) target_semaphore(%arg15 : memref<!tpu.dma_semaphore, #tpu.memory_space<semaphore_mem>>)
      %dma_wait3A_1027 = arith.constant 0 : i32
      %dma_wait3A_1028 = arith.constant 0 : i32
      %dma_wait3A_1029 = tpu.memref_slice %arg3[%dma_wait3A_1027, %dma_wait3A_1028] : memref<8192x768xf32, #tpu.memory_space<hbm>> -> memref<32x768xf32, #tpu.memory_space<hbm>>
      %dma_wait3A_1030 = arith.constant 0 : i32
      %dma_wait3A_1031 = arith.constant 0 : i32
      %dma_wait3A_1032 = tpu.memref_slice %arg3[%dma_wait3A_1030, %dma_wait3A_1031] : memref<8192x768xf32, #tpu.memory_space<hbm>> -> memref<32x768xf32, #tpu.memory_space<hbm>>
      tpu.wait_dma2 semaphore(%arg12 : memref<!tpu.dma_semaphore, #tpu.memory_space<semaphore_mem>>) src(%dma_wait3A_1032 : memref<32x768xf32, #tpu.memory_space<hbm>>) dst(%arg7 : memref<32x768xf32, #tpu.memory_space<vmem>>)
      %add3A_1033 = arith.constant 1 : i32
      %add3A_1034 = arith.addi %add3A_973, %add3A_1033 : i32
      %jit3A_1035 = arith.constant 4 : i32
      %div3A_1036 = arith.divsi %add3A_1034, %jit3A_1035 : i32
      %sign3A_1037 = arith.constant 0 : i32
      %sign3A_1038 = arith.cmpi sgt, %add3A_1034, %sign3A_1037 : i32
      %sign3A_1039 = arith.extui %sign3A_1038 : i1 to i32
      %sign3A_1040 = arith.constant 0 : i32
      %sign3A_1041 = arith.cmpi slt, %add3A_1034, %sign3A_1040 : i32
      %sign3A_1042 = arith.extui %sign3A_1041 : i1 to i32
      %sign3A_1043 = arith.subi %sign3A_1039, %sign3A_1042 : i32
      %sign3A_1044 = arith.constant 0 : i32
      %sign3A_1045 = arith.cmpi sgt, %jit3A_1035, %sign3A_1044 : i32
      %sign3A_1046 = arith.extui %sign3A_1045 : i1 to i32
      %sign3A_1047 = arith.constant 0 : i32
      %sign3A_1048 = arith.cmpi slt, %jit3A_1035, %sign3A_1047 : i32
      %sign3A_1049 = arith.extui %sign3A_1048 : i1 to i32
      %sign3A_1050 = arith.subi %sign3A_1046, %sign3A_1049 : i32
      %ne3A_1051 = arith.cmpi ne, %sign3A_1043, %sign3A_1050 : i32
      %rem3A_1052 = arith.remsi %add3A_1034, %jit3A_1035 : i32
      %ne3A_1053 = arith.constant 0 : i32
      %ne3A_1054 = arith.cmpi ne, %rem3A_1052, %ne3A_1053 : i32
      %and3A_1055 = arith.andi %ne3A_1051, %ne3A_1054 : i1
      %sub3A_1056 = arith.constant 1 : i32
      %sub3A_1057 = arith.subi %div3A_1036, %sub3A_1056 : i32
      %select_n3A_1058 = arith.select %and3A_1055, %sub3A_1057, %div3A_1036 : i32
      %jit3A_1059 = arith.constant 4 : i32
      %eq3A_1060 = arith.constant 0 : i32
      %eq3A_1061 = arith.cmpi eq, %jit3A_1059, %eq3A_1060 : i32
      %jit3A_1062 = arith.constant 1 : i32
      %select_n3A_1063 = arith.select %eq3A_1061, %jit3A_1062, %jit3A_1059 : i32
      %rem3A_1064 = arith.remsi %add3A_1034, %select_n3A_1063 : i32
      %ne3A_1065 = arith.constant 0 : i32
      %ne3A_1066 = arith.cmpi ne, %rem3A_1064, %ne3A_1065 : i32
      %lt3A_1067 = arith.constant 0 : i32
      %lt3A_1068 = arith.cmpi slt, %rem3A_1064, %lt3A_1067 : i32
      %lt3A_1069 = arith.constant 0 : i32
      %lt3A_1070 = arith.cmpi slt, %select_n3A_1063, %lt3A_1069 : i32
      %ne3A_1071 = arith.xori %lt3A_1068, %lt3A_1070 : i1
      %and3A_1072 = arith.andi %ne3A_1071, %ne3A_1066 : i1
      %add3A_1073 = arith.addi %rem3A_1064, %select_n3A_1063 : i32
      %select_n3A_1074 = arith.select %and3A_1072, %add3A_1073, %rem3A_1064 : i32
      %mul3A_1075 = arith.constant 32 : i32
      %mul3A_1076 = arith.muli %select_n3A_1074, %mul3A_1075 : i32
      %add3A_1077 = arith.addi %mul3A_2, %mul3A_1076 : i32
      %dma_start3A_1078 = arith.constant 0 : i32
      %dma_start3A_1079 = arith.constant 0 : i32
      %dma_start3A_1080 = tpu.memref_slice %arg4[%select_n3A_1058, %dma_start3A_1078, %dma_start3A_1079] : memref<50x4096x768xf32, #tpu.memory_space<hbm>> -> memref<1x4096x768xf32, #tpu.memory_space<hbm>>
      %dma_start3A_1081 = tpu.memref_squeeze %dma_start3A_1080 : memref<1x4096x768xf32, #tpu.memory_space<hbm>> -> memref<4096x768xf32, #tpu.memory_space<hbm>>
      %dma_start3A_1082 = arith.constant 0 : i32
      %dma_start3A_1083 = tpu.memref_slice %dma_start3A_1081[%add3A_1077, %dma_start3A_1082] : memref<4096x768xf32, #tpu.memory_space<hbm>> -> memref<32x768xf32, #tpu.memory_space<hbm>>
      %dma_start3A_1084 = arith.constant 0 : i32
      %dma_start3A_1085 = arith.constant 0 : i32
      %dma_start3A_1086 = tpu.memref_slice %arg4[%select_n3A_1058, %dma_start3A_1084, %dma_start3A_1085] : memref<50x4096x768xf32, #tpu.memory_space<hbm>> -> memref<1x4096x768xf32, #tpu.memory_space<hbm>>
      %dma_start3A_1087 = tpu.memref_squeeze %dma_start3A_1086 : memref<1x4096x768xf32, #tpu.memory_space<hbm>> -> memref<4096x768xf32, #tpu.memory_space<hbm>>
      %dma_start3A_1088 = arith.constant 0 : i32
      %dma_start3A_1089 = tpu.memref_slice %dma_start3A_1087[%add3A_1077, %dma_start3A_1088] : memref<4096x768xf32, #tpu.memory_space<hbm>> -> memref<32x768xf32, #tpu.memory_space<hbm>>
      tpu.enqueue_dma source(%arg7 : memref<32x768xf32, #tpu.memory_space<vmem>>) target(%dma_start3A_1089 : memref<32x768xf32, #tpu.memory_space<hbm>>) target_semaphore(%arg16 : memref<!tpu.dma_semaphore, #tpu.memory_space<semaphore_mem>>)
      %dma_wait3A_1090 = arith.constant 0 : i32
      %dma_wait3A_1091 = arith.constant 0 : i32
      %dma_wait3A_1092 = tpu.memref_slice %arg3[%dma_wait3A_1090, %dma_wait3A_1091] : memref<8192x768xf32, #tpu.memory_space<hbm>> -> memref<32x768xf32, #tpu.memory_space<hbm>>
      %dma_wait3A_1093 = arith.constant 0 : i32
      %dma_wait3A_1094 = arith.constant 0 : i32
      %dma_wait3A_1095 = tpu.memref_slice %arg3[%dma_wait3A_1093, %dma_wait3A_1094] : memref<8192x768xf32, #tpu.memory_space<hbm>> -> memref<32x768xf32, #tpu.memory_space<hbm>>
      tpu.wait_dma2 semaphore(%arg13 : memref<!tpu.dma_semaphore, #tpu.memory_space<semaphore_mem>>) src(%dma_wait3A_1095 : memref<32x768xf32, #tpu.memory_space<hbm>>) dst(%arg8 : memref<32x768xf32, #tpu.memory_space<vmem>>)
      %add3A_1096 = arith.constant 2 : i32
      %add3A_1097 = arith.addi %add3A_973, %add3A_1096 : i32
      %jit3A_1098 = arith.constant 4 : i32
      %div3A_1099 = arith.divsi %add3A_1097, %jit3A_1098 : i32
      %sign3A_1100 = arith.constant 0 : i32
      %sign3A_1101 = arith.cmpi sgt, %add3A_1097, %sign3A_1100 : i32
      %sign3A_1102 = arith.extui %sign3A_1101 : i1 to i32
      %sign3A_1103 = arith.constant 0 : i32
      %sign3A_1104 = arith.cmpi slt, %add3A_1097, %sign3A_1103 : i32
      %sign3A_1105 = arith.extui %sign3A_1104 : i1 to i32
      %sign3A_1106 = arith.subi %sign3A_1102, %sign3A_1105 : i32
      %sign3A_1107 = arith.constant 0 : i32
      %sign3A_1108 = arith.cmpi sgt, %jit3A_1098, %sign3A_1107 : i32
      %sign3A_1109 = arith.extui %sign3A_1108 : i1 to i32
      %sign3A_1110 = arith.constant 0 : i32
      %sign3A_1111 = arith.cmpi slt, %jit3A_1098, %sign3A_1110 : i32
      %sign3A_1112 = arith.extui %sign3A_1111 : i1 to i32
      %sign3A_1113 = arith.subi %sign3A_1109, %sign3A_1112 : i32
      %ne3A_1114 = arith.cmpi ne, %sign3A_1106, %sign3A_1113 : i32
      %rem3A_1115 = arith.remsi %add3A_1097, %jit3A_1098 : i32
      %ne3A_1116 = arith.constant 0 : i32
      %ne3A_1117 = arith.cmpi ne, %rem3A_1115, %ne3A_1116 : i32
      %and3A_1118 = arith.andi %ne3A_1114, %ne3A_1117 : i1
      %sub3A_1119 = arith.constant 1 : i32
      %sub3A_1120 = arith.subi %div3A_1099, %sub3A_1119 : i32
      %select_n3A_1121 = arith.select %and3A_1118, %sub3A_1120, %div3A_1099 : i32
      %jit3A_1122 = arith.constant 4 : i32
      %eq3A_1123 = arith.constant 0 : i32
      %eq3A_1124 = arith.cmpi eq, %jit3A_1122, %eq3A_1123 : i32
      %jit3A_1125 = arith.constant 1 : i32
      %select_n3A_1126 = arith.select %eq3A_1124, %jit3A_1125, %jit3A_1122 : i32
      %rem3A_1127 = arith.remsi %add3A_1097, %select_n3A_1126 : i32
      %ne3A_1128 = arith.constant 0 : i32
      %ne3A_1129 = arith.cmpi ne, %rem3A_1127, %ne3A_1128 : i32
      %lt3A_1130 = arith.constant 0 : i32
      %lt3A_1131 = arith.cmpi slt, %rem3A_1127, %lt3A_1130 : i32
      %lt3A_1132 = arith.constant 0 : i32
      %lt3A_1133 = arith.cmpi slt, %select_n3A_1126, %lt3A_1132 : i32
      %ne3A_1134 = arith.xori %lt3A_1131, %lt3A_1133 : i1
      %and3A_1135 = arith.andi %ne3A_1134, %ne3A_1129 : i1
      %add3A_1136 = arith.addi %rem3A_1127, %select_n3A_1126 : i32
      %select_n3A_1137 = arith.select %and3A_1135, %add3A_1136, %rem3A_1127 : i32
      %mul3A_1138 = arith.constant 32 : i32
      %mul3A_1139 = arith.muli %select_n3A_1137, %mul3A_1138 : i32
      %add3A_1140 = arith.addi %mul3A_2, %mul3A_1139 : i32
      %dma_start3A_1141 = arith.constant 0 : i32
      %dma_start3A_1142 = arith.constant 0 : i32
      %dma_start3A_1143 = tpu.memref_slice %arg4[%select_n3A_1121, %dma_start3A_1141, %dma_start3A_1142] : memref<50x4096x768xf32, #tpu.memory_space<hbm>> -> memref<1x4096x768xf32, #tpu.memory_space<hbm>>
      %dma_start3A_1144 = tpu.memref_squeeze %dma_start3A_1143 : memref<1x4096x768xf32, #tpu.memory_space<hbm>> -> memref<4096x768xf32, #tpu.memory_space<hbm>>
      %dma_start3A_1145 = arith.constant 0 : i32
      %dma_start3A_1146 = tpu.memref_slice %dma_start3A_1144[%add3A_1140, %dma_start3A_1145] : memref<4096x768xf32, #tpu.memory_space<hbm>> -> memref<32x768xf32, #tpu.memory_space<hbm>>
      %dma_start3A_1147 = arith.constant 0 : i32
      %dma_start3A_1148 = arith.constant 0 : i32
      %dma_start3A_1149 = tpu.memref_slice %arg4[%select_n3A_1121, %dma_start3A_1147, %dma_start3A_1148] : memref<50x4096x768xf32, #tpu.memory_space<hbm>> -> memref<1x4096x768xf32, #tpu.memory_space<hbm>>
      %dma_start3A_1150 = tpu.memref_squeeze %dma_start3A_1149 : memref<1x4096x768xf32, #tpu.memory_space<hbm>> -> memref<4096x768xf32, #tpu.memory_space<hbm>>
      %dma_start3A_1151 = arith.constant 0 : i32
      %dma_start3A_1152 = tpu.memref_slice %dma_start3A_1150[%add3A_1140, %dma_start3A_1151] : memref<4096x768xf32, #tpu.memory_space<hbm>> -> memref<32x768xf32, #tpu.memory_space<hbm>>
      tpu.enqueue_dma source(%arg8 : memref<32x768xf32, #tpu.memory_space<vmem>>) target(%dma_start3A_1152 : memref<32x768xf32, #tpu.memory_space<hbm>>) target_semaphore(%arg17 : memref<!tpu.dma_semaphore, #tpu.memory_space<semaphore_mem>>)
      %dma_wait3A_1153 = arith.constant 0 : i32
      %dma_wait3A_1154 = arith.constant 0 : i32
      %dma_wait3A_1155 = tpu.memref_slice %arg3[%dma_wait3A_1153, %dma_wait3A_1154] : memref<8192x768xf32, #tpu.memory_space<hbm>> -> memref<32x768xf32, #tpu.memory_space<hbm>>
      %dma_wait3A_1156 = arith.constant 0 : i32
      %dma_wait3A_1157 = arith.constant 0 : i32
      %dma_wait3A_1158 = tpu.memref_slice %arg3[%dma_wait3A_1156, %dma_wait3A_1157] : memref<8192x768xf32, #tpu.memory_space<hbm>> -> memref<32x768xf32, #tpu.memory_space<hbm>>
      tpu.wait_dma2 semaphore(%arg14 : memref<!tpu.dma_semaphore, #tpu.memory_space<semaphore_mem>>) src(%dma_wait3A_1158 : memref<32x768xf32, #tpu.memory_space<hbm>>) dst(%arg9 : memref<32x768xf32, #tpu.memory_space<vmem>>)
      %add3A_1159 = arith.constant 3 : i32
      %add3A_1160 = arith.addi %add3A_973, %add3A_1159 : i32
      %jit3A_1161 = arith.constant 4 : i32
      %div3A_1162 = arith.divsi %add3A_1160, %jit3A_1161 : i32
      %sign3A_1163 = arith.constant 0 : i32
      %sign3A_1164 = arith.cmpi sgt, %add3A_1160, %sign3A_1163 : i32
      %sign3A_1165 = arith.extui %sign3A_1164 : i1 to i32
      %sign3A_1166 = arith.constant 0 : i32
      %sign3A_1167 = arith.cmpi slt, %add3A_1160, %sign3A_1166 : i32
      %sign3A_1168 = arith.extui %sign3A_1167 : i1 to i32
      %sign3A_1169 = arith.subi %sign3A_1165, %sign3A_1168 : i32
      %sign3A_1170 = arith.constant 0 : i32
      %sign3A_1171 = arith.cmpi sgt, %jit3A_1161, %sign3A_1170 : i32
      %sign3A_1172 = arith.extui %sign3A_1171 : i1 to i32
      %sign3A_1173 = arith.constant 0 : i32
      %sign3A_1174 = arith.cmpi slt, %jit3A_1161, %sign3A_1173 : i32
      %sign3A_1175 = arith.extui %sign3A_1174 : i1 to i32
      %sign3A_1176 = arith.subi %sign3A_1172, %sign3A_1175 : i32
      %ne3A_1177 = arith.cmpi ne, %sign3A_1169, %sign3A_1176 : i32
      %rem3A_1178 = arith.remsi %add3A_1160, %jit3A_1161 : i32
      %ne3A_1179 = arith.constant 0 : i32
      %ne3A_1180 = arith.cmpi ne, %rem3A_1178, %ne3A_1179 : i32
      %and3A_1181 = arith.andi %ne3A_1177, %ne3A_1180 : i1
      %sub3A_1182 = arith.constant 1 : i32
      %sub3A_1183 = arith.subi %div3A_1162, %sub3A_1182 : i32
      %select_n3A_1184 = arith.select %and3A_1181, %sub3A_1183, %div3A_1162 : i32
      %jit3A_1185 = arith.constant 4 : i32
      %eq3A_1186 = arith.constant 0 : i32
      %eq3A_1187 = arith.cmpi eq, %jit3A_1185, %eq3A_1186 : i32
      %jit3A_1188 = arith.constant 1 : i32
      %select_n3A_1189 = arith.select %eq3A_1187, %jit3A_1188, %jit3A_1185 : i32
      %rem3A_1190 = arith.remsi %add3A_1160, %select_n3A_1189 : i32
      %ne3A_1191 = arith.constant 0 : i32
      %ne3A_1192 = arith.cmpi ne, %rem3A_1190, %ne3A_1191 : i32
      %lt3A_1193 = arith.constant 0 : i32
      %lt3A_1194 = arith.cmpi slt, %rem3A_1190, %lt3A_1193 : i32
      %lt3A_1195 = arith.constant 0 : i32
      %lt3A_1196 = arith.cmpi slt, %select_n3A_1189, %lt3A_1195 : i32
      %ne3A_1197 = arith.xori %lt3A_1194, %lt3A_1196 : i1
      %and3A_1198 = arith.andi %ne3A_1197, %ne3A_1192 : i1
      %add3A_1199 = arith.addi %rem3A_1190, %select_n3A_1189 : i32
      %select_n3A_1200 = arith.select %and3A_1198, %add3A_1199, %rem3A_1190 : i32
      %mul3A_1201 = arith.constant 32 : i32
      %mul3A_1202 = arith.muli %select_n3A_1200, %mul3A_1201 : i32
      %add3A_1203 = arith.addi %mul3A_2, %mul3A_1202 : i32
      %dma_start3A_1204 = arith.constant 0 : i32
      %dma_start3A_1205 = arith.constant 0 : i32
      %dma_start3A_1206 = tpu.memref_slice %arg4[%select_n3A_1184, %dma_start3A_1204, %dma_start3A_1205] : memref<50x4096x768xf32, #tpu.memory_space<hbm>> -> memref<1x4096x768xf32, #tpu.memory_space<hbm>>
      %dma_start3A_1207 = tpu.memref_squeeze %dma_start3A_1206 : memref<1x4096x768xf32, #tpu.memory_space<hbm>> -> memref<4096x768xf32, #tpu.memory_space<hbm>>
      %dma_start3A_1208 = arith.constant 0 : i32
      %dma_start3A_1209 = tpu.memref_slice %dma_start3A_1207[%add3A_1203, %dma_start3A_1208] : memref<4096x768xf32, #tpu.memory_space<hbm>> -> memref<32x768xf32, #tpu.memory_space<hbm>>
      %dma_start3A_1210 = arith.constant 0 : i32
      %dma_start3A_1211 = arith.constant 0 : i32
      %dma_start3A_1212 = tpu.memref_slice %arg4[%select_n3A_1184, %dma_start3A_1210, %dma_start3A_1211] : memref<50x4096x768xf32, #tpu.memory_space<hbm>> -> memref<1x4096x768xf32, #tpu.memory_space<hbm>>
      %dma_start3A_1213 = tpu.memref_squeeze %dma_start3A_1212 : memref<1x4096x768xf32, #tpu.memory_space<hbm>> -> memref<4096x768xf32, #tpu.memory_space<hbm>>
      %dma_start3A_1214 = arith.constant 0 : i32
      %dma_start3A_1215 = tpu.memref_slice %dma_start3A_1213[%add3A_1203, %dma_start3A_1214] : memref<4096x768xf32, #tpu.memory_space<hbm>> -> memref<32x768xf32, #tpu.memory_space<hbm>>
      tpu.enqueue_dma source(%arg9 : memref<32x768xf32, #tpu.memory_space<vmem>>) target(%dma_start3A_1215 : memref<32x768xf32, #tpu.memory_space<hbm>>) target_semaphore(%arg18 : memref<!tpu.dma_semaphore, #tpu.memory_space<semaphore_mem>>)
      %dma_wait3A_1216 = arith.constant 0 : i32
      %dma_wait3A_1217 = arith.constant 0 : i32
      %dma_wait3A_1218 = arith.constant 0 : i32
      %dma_wait3A_1219 = tpu.memref_slice %arg4[%dma_wait3A_1216, %dma_wait3A_1217, %dma_wait3A_1218] : memref<50x4096x768xf32, #tpu.memory_space<hbm>> -> memref<1x4096x768xf32, #tpu.memory_space<hbm>>
      %dma_wait3A_1220 = tpu.memref_squeeze %dma_wait3A_1219 : memref<1x4096x768xf32, #tpu.memory_space<hbm>> -> memref<4096x768xf32, #tpu.memory_space<hbm>>
      %dma_wait3A_1221 = arith.constant 0 : i32
      %dma_wait3A_1222 = arith.constant 0 : i32
      %dma_wait3A_1223 = tpu.memref_slice %dma_wait3A_1220[%dma_wait3A_1221, %dma_wait3A_1222] : memref<4096x768xf32, #tpu.memory_space<hbm>> -> memref<32x768xf32, #tpu.memory_space<hbm>>
      %dma_wait3A_1224 = arith.constant 0 : i32
      %dma_wait3A_1225 = arith.constant 0 : i32
      %dma_wait3A_1226 = tpu.memref_slice %arg4[%dma_wait3A_1216, %dma_wait3A_1224, %dma_wait3A_1225] : memref<50x4096x768xf32, #tpu.memory_space<hbm>> -> memref<1x4096x768xf32, #tpu.memory_space<hbm>>
      %dma_wait3A_1227 = tpu.memref_squeeze %dma_wait3A_1226 : memref<1x4096x768xf32, #tpu.memory_space<hbm>> -> memref<4096x768xf32, #tpu.memory_space<hbm>>
      %dma_wait3A_1228 = arith.constant 0 : i32
      %dma_wait3A_1229 = arith.constant 0 : i32
      %dma_wait3A_1230 = tpu.memref_slice %dma_wait3A_1227[%dma_wait3A_1228, %dma_wait3A_1229] : memref<4096x768xf32, #tpu.memory_space<hbm>> -> memref<32x768xf32, #tpu.memory_space<hbm>>
      tpu.wait_dma2 semaphore(%arg15 : memref<!tpu.dma_semaphore, #tpu.memory_space<semaphore_mem>>) src(%arg6 : memref<32x768xf32, #tpu.memory_space<vmem>>) dst(%dma_wait3A_1230 : memref<32x768xf32, #tpu.memory_space<hbm>>)
      %add3A_1231 = arith.constant 4 : i32
      %add3A_1232 = arith.addi %add3A_973, %add3A_1231 : i32
      %add3A_1233 = arith.constant 0 : i32
      %add3A_1234 = arith.addi %add3A_1232, %add3A_1233 : i32
      %mul3A_1235 = arith.constant 32 : i32
      %mul3A_1236 = arith.muli %add3A_1234, %mul3A_1235 : i32
      %dma_start3A_1237 = tpu.memref_slice %arg5[%mul3A_1236] : memref<6400xi32, #tpu.memory_space<vmem>> -> memref<32xi32, #tpu.memory_space<vmem>>
      %dma_start3A_1238 = arith.constant 0 : i32
      %dma_start3A_1239 = arith.constant 0 : i32
      %dma_start3A_1240 = tpu.memref_slice %arg3[%dma_start3A_1238, %dma_start3A_1239] : memref<8192x768xf32, #tpu.memory_space<hbm>> -> memref<8192x768xf32, #tpu.memory_space<hbm>>
      tpu.enqueue_indirect_dma source(%dma_start3A_1240 : memref<8192x768xf32, #tpu.memory_space<hbm>>) target(%arg6 : memref<32x768xf32, #tpu.memory_space<vmem>>) offsets(%dma_start3A_1237 : memref<32xi32, #tpu.memory_space<vmem>>) semaphore(%arg11 : memref<!tpu.dma_semaphore, #tpu.memory_space<semaphore_mem>>)
      %dma_wait3A_1241 = arith.constant 0 : i32
      %dma_wait3A_1242 = arith.constant 0 : i32
      %dma_wait3A_1243 = arith.constant 0 : i32
      %dma_wait3A_1244 = tpu.memref_slice %arg4[%dma_wait3A_1241, %dma_wait3A_1242, %dma_wait3A_1243] : memref<50x4096x768xf32, #tpu.memory_space<hbm>> -> memref<1x4096x768xf32, #tpu.memory_space<hbm>>
      %dma_wait3A_1245 = tpu.memref_squeeze %dma_wait3A_1244 : memref<1x4096x768xf32, #tpu.memory_space<hbm>> -> memref<4096x768xf32, #tpu.memory_space<hbm>>
      %dma_wait3A_1246 = arith.constant 0 : i32
      %dma_wait3A_1247 = arith.constant 0 : i32
      %dma_wait3A_1248 = tpu.memref_slice %dma_wait3A_1245[%dma_wait3A_1246, %dma_wait3A_1247] : memref<4096x768xf32, #tpu.memory_space<hbm>> -> memref<32x768xf32, #tpu.memory_space<hbm>>
      %dma_wait3A_1249 = arith.constant 0 : i32
      %dma_wait3A_1250 = arith.constant 0 : i32
      %dma_wait3A_1251 = tpu.memref_slice %arg4[%dma_wait3A_1241, %dma_wait3A_1249, %dma_wait3A_1250] : memref<50x4096x768xf32, #tpu.memory_space<hbm>> -> memref<1x4096x768xf32, #tpu.memory_space<hbm>>
      %dma_wait3A_1252 = tpu.memref_squeeze %dma_wait3A_1251 : memref<1x4096x768xf32, #tpu.memory_space<hbm>> -> memref<4096x768xf32, #tpu.memory_space<hbm>>
      %dma_wait3A_1253 = arith.constant 0 : i32
      %dma_wait3A_1254 = arith.constant 0 : i32
      %dma_wait3A_1255 = tpu.memref_slice %dma_wait3A_1252[%dma_wait3A_1253, %dma_wait3A_1254] : memref<4096x768xf32, #tpu.memory_space<hbm>> -> memref<32x768xf32, #tpu.memory_space<hbm>>
      tpu.wait_dma2 semaphore(%arg16 : memref<!tpu.dma_semaphore, #tpu.memory_space<semaphore_mem>>) src(%arg7 : memref<32x768xf32, #tpu.memory_space<vmem>>) dst(%dma_wait3A_1255 : memref<32x768xf32, #tpu.memory_space<hbm>>)
      %add3A_1256 = arith.constant 4 : i32
      %add3A_1257 = arith.addi %add3A_973, %add3A_1256 : i32
      %add3A_1258 = arith.constant 1 : i32
      %add3A_1259 = arith.addi %add3A_1257, %add3A_1258 : i32
      %mul3A_1260 = arith.constant 32 : i32
      %mul3A_1261 = arith.muli %add3A_1259, %mul3A_1260 : i32
      %dma_start3A_1262 = tpu.memref_slice %arg5[%mul3A_1261] : memref<6400xi32, #tpu.memory_space<vmem>> -> memref<32xi32, #tpu.memory_space<vmem>>
      %dma_start3A_1263 = arith.constant 0 : i32
      %dma_start3A_1264 = arith.constant 0 : i32
      %dma_start3A_1265 = tpu.memref_slice %arg3[%dma_start3A_1263, %dma_start3A_1264] : memref<8192x768xf32, #tpu.memory_space<hbm>> -> memref<8192x768xf32, #tpu.memory_space<hbm>>
      tpu.enqueue_indirect_dma source(%dma_start3A_1265 : memref<8192x768xf32, #tpu.memory_space<hbm>>) target(%arg7 : memref<32x768xf32, #tpu.memory_space<vmem>>) offsets(%dma_start3A_1262 : memref<32xi32, #tpu.memory_space<vmem>>) semaphore(%arg12 : memref<!tpu.dma_semaphore, #tpu.memory_space<semaphore_mem>>)
      %dma_wait3A_1266 = arith.constant 0 : i32
      %dma_wait3A_1267 = arith.constant 0 : i32
      %dma_wait3A_1268 = arith.constant 0 : i32
      %dma_wait3A_1269 = tpu.memref_slice %arg4[%dma_wait3A_1266, %dma_wait3A_1267, %dma_wait3A_1268] : memref<50x4096x768xf32, #tpu.memory_space<hbm>> -> memref<1x4096x768xf32, #tpu.memory_space<hbm>>
      %dma_wait3A_1270 = tpu.memref_squeeze %dma_wait3A_1269 : memref<1x4096x768xf32, #tpu.memory_space<hbm>> -> memref<4096x768xf32, #tpu.memory_space<hbm>>
      %dma_wait3A_1271 = arith.constant 0 : i32
      %dma_wait3A_1272 = arith.constant 0 : i32
      %dma_wait3A_1273 = tpu.memref_slice %dma_wait3A_1270[%dma_wait3A_1271, %dma_wait3A_1272] : memref<4096x768xf32, #tpu.memory_space<hbm>> -> memref<32x768xf32, #tpu.memory_space<hbm>>
      %dma_wait3A_1274 = arith.constant 0 : i32
      %dma_wait3A_1275 = arith.constant 0 : i32
      %dma_wait3A_1276 = tpu.memref_slice %arg4[%dma_wait3A_1266, %dma_wait3A_1274, %dma_wait3A_1275] : memref<50x4096x768xf32, #tpu.memory_space<hbm>> -> memref<1x4096x768xf32, #tpu.memory_space<hbm>>
      %dma_wait3A_1277 = tpu.memref_squeeze %dma_wait3A_1276 : memref<1x4096x768xf32, #tpu.memory_space<hbm>> -> memref<4096x768xf32, #tpu.memory_space<hbm>>
      %dma_wait3A_1278 = arith.constant 0 : i32
      %dma_wait3A_1279 = arith.constant 0 : i32
      %dma_wait3A_1280 = tpu.memref_slice %dma_wait3A_1277[%dma_wait3A_1278, %dma_wait3A_1279] : memref<4096x768xf32, #tpu.memory_space<hbm>> -> memref<32x768xf32, #tpu.memory_space<hbm>>
      tpu.wait_dma2 semaphore(%arg17 : memref<!tpu.dma_semaphore, #tpu.memory_space<semaphore_mem>>) src(%arg8 : memref<32x768xf32, #tpu.memory_space<vmem>>) dst(%dma_wait3A_1280 : memref<32x768xf32, #tpu.memory_space<hbm>>)
      %add3A_1281 = arith.constant 4 : i32
      %add3A_1282 = arith.addi %add3A_973, %add3A_1281 : i32
      %add3A_1283 = arith.constant 2 : i32
      %add3A_1284 = arith.addi %add3A_1282, %add3A_1283 : i32
      %mul3A_1285 = arith.constant 32 : i32
      %mul3A_1286 = arith.muli %add3A_1284, %mul3A_1285 : i32
      %dma_start3A_1287 = tpu.memref_slice %arg5[%mul3A_1286] : memref<6400xi32, #tpu.memory_space<vmem>> -> memref<32xi32, #tpu.memory_space<vmem>>
      %dma_start3A_1288 = arith.constant 0 : i32
      %dma_start3A_1289 = arith.constant 0 : i32
      %dma_start3A_1290 = tpu.memref_slice %arg3[%dma_start3A_1288, %dma_start3A_1289] : memref<8192x768xf32, #tpu.memory_space<hbm>> -> memref<8192x768xf32, #tpu.memory_space<hbm>>
      tpu.enqueue_indirect_dma source(%dma_start3A_1290 : memref<8192x768xf32, #tpu.memory_space<hbm>>) target(%arg8 : memref<32x768xf32, #tpu.memory_space<vmem>>) offsets(%dma_start3A_1287 : memref<32xi32, #tpu.memory_space<vmem>>) semaphore(%arg13 : memref<!tpu.dma_semaphore, #tpu.memory_space<semaphore_mem>>)
      %dma_wait3A_1291 = arith.constant 0 : i32
      %dma_wait3A_1292 = arith.constant 0 : i32
      %dma_wait3A_1293 = arith.constant 0 : i32
      %dma_wait3A_1294 = tpu.memref_slice %arg4[%dma_wait3A_1291, %dma_wait3A_1292, %dma_wait3A_1293] : memref<50x4096x768xf32, #tpu.memory_space<hbm>> -> memref<1x4096x768xf32, #tpu.memory_space<hbm>>
      %dma_wait3A_1295 = tpu.memref_squeeze %dma_wait3A_1294 : memref<1x4096x768xf32, #tpu.memory_space<hbm>> -> memref<4096x768xf32, #tpu.memory_space<hbm>>
      %dma_wait3A_1296 = arith.constant 0 : i32
      %dma_wait3A_1297 = arith.constant 0 : i32
      %dma_wait3A_1298 = tpu.memref_slice %dma_wait3A_1295[%dma_wait3A_1296, %dma_wait3A_1297] : memref<4096x768xf32, #tpu.memory_space<hbm>> -> memref<32x768xf32, #tpu.memory_space<hbm>>
      %dma_wait3A_1299 = arith.constant 0 : i32
      %dma_wait3A_1300 = arith.constant 0 : i32
      %dma_wait3A_1301 = tpu.memref_slice %arg4[%dma_wait3A_1291, %dma_wait3A_1299, %dma_wait3A_1300] : memref<50x4096x768xf32, #tpu.memory_space<hbm>> -> memref<1x4096x768xf32, #tpu.memory_space<hbm>>
      %dma_wait3A_1302 = tpu.memref_squeeze %dma_wait3A_1301 : memref<1x4096x768xf32, #tpu.memory_space<hbm>> -> memref<4096x768xf32, #tpu.memory_space<hbm>>
      %dma_wait3A_1303 = arith.constant 0 : i32
      %dma_wait3A_1304 = arith.constant 0 : i32
      %dma_wait3A_1305 = tpu.memref_slice %dma_wait3A_1302[%dma_wait3A_1303, %dma_wait3A_1304] : memref<4096x768xf32, #tpu.memory_space<hbm>> -> memref<32x768xf32, #tpu.memory_space<hbm>>
      tpu.wait_dma2 semaphore(%arg18 : memref<!tpu.dma_semaphore, #tpu.memory_space<semaphore_mem>>) src(%arg9 : memref<32x768xf32, #tpu.memory_space<vmem>>) dst(%dma_wait3A_1305 : memref<32x768xf32, #tpu.memory_space<hbm>>)
      %add3A_1306 = arith.constant 4 : i32
      %add3A_1307 = arith.addi %add3A_973, %add3A_1306 : i32
      %add3A_1308 = arith.constant 3 : i32
      %add3A_1309 = arith.addi %add3A_1307, %add3A_1308 : i32
      %mul3A_1310 = arith.constant 32 : i32
      %mul3A_1311 = arith.muli %add3A_1309, %mul3A_1310 : i32
      %dma_start3A_1312 = tpu.memref_slice %arg5[%mul3A_1311] : memref<6400xi32, #tpu.memory_space<vmem>> -> memref<32xi32, #tpu.memory_space<vmem>>
      %dma_start3A_1313 = arith.constant 0 : i32
      %dma_start3A_1314 = arith.constant 0 : i32
      %dma_start3A_1315 = tpu.memref_slice %arg3[%dma_start3A_1313, %dma_start3A_1314] : memref<8192x768xf32, #tpu.memory_space<hbm>> -> memref<8192x768xf32, #tpu.memory_space<hbm>>
      tpu.enqueue_indirect_dma source(%dma_start3A_1315 : memref<8192x768xf32, #tpu.memory_space<hbm>>) target(%arg9 : memref<32x768xf32, #tpu.memory_space<vmem>>) offsets(%dma_start3A_1312 : memref<32xi32, #tpu.memory_space<vmem>>) semaphore(%arg14 : memref<!tpu.dma_semaphore, #tpu.memory_space<semaphore_mem>>)
    }
    %scan3A_824 = arith.constant 49 : i32
    %dma_wait3A_825 = arith.constant 0 : i32
    %dma_wait3A_826 = arith.constant 0 : i32
    %dma_wait3A_827 = tpu.memref_slice %arg3[%dma_wait3A_825, %dma_wait3A_826] : memref<8192x768xf32, #tpu.memory_space<hbm>> -> memref<32x768xf32, #tpu.memory_space<hbm>>
    %dma_wait3A_828 = arith.constant 0 : i32
    %dma_wait3A_829 = arith.constant 0 : i32
    %dma_wait3A_830 = tpu.memref_slice %arg3[%dma_wait3A_828, %dma_wait3A_829] : memref<8192x768xf32, #tpu.memory_space<hbm>> -> memref<32x768xf32, #tpu.memory_space<hbm>>
    tpu.wait_dma2 semaphore(%arg11 : memref<!tpu.dma_semaphore, #tpu.memory_space<semaphore_mem>>) src(%dma_wait3A_830 : memref<32x768xf32, #tpu.memory_space<hbm>>) dst(%arg6 : memref<32x768xf32, #tpu.memory_space<vmem>>)
    %add3A_831 = arith.constant 0 : i32
    %add3A_832 = arith.addi %mul3A_2, %add3A_831 : i32
    %dma_start3A_833 = arith.constant 49 : i32
    %dma_start3A_834 = arith.constant 0 : i32
    %dma_start3A_835 = arith.constant 0 : i32
    %dma_start3A_836 = tpu.memref_slice %arg4[%dma_start3A_833, %dma_start3A_834, %dma_start3A_835] : memref<50x4096x768xf32, #tpu.memory_space<hbm>> -> memref<1x4096x768xf32, #tpu.memory_space<hbm>>
    %dma_start3A_837 = tpu.memref_squeeze %dma_start3A_836 : memref<1x4096x768xf32, #tpu.memory_space<hbm>> -> memref<4096x768xf32, #tpu.memory_space<hbm>>
    %dma_start3A_838 = arith.constant 0 : i32
    %dma_start3A_839 = tpu.memref_slice %dma_start3A_837[%add3A_832, %dma_start3A_838] : memref<4096x768xf32, #tpu.memory_space<hbm>> -> memref<32x768xf32, #tpu.memory_space<hbm>>
    %dma_start3A_840 = arith.constant 0 : i32
    %dma_start3A_841 = arith.constant 0 : i32
    %dma_start3A_842 = tpu.memref_slice %arg4[%dma_start3A_833, %dma_start3A_840, %dma_start3A_841] : memref<50x4096x768xf32, #tpu.memory_space<hbm>> -> memref<1x4096x768xf32, #tpu.memory_space<hbm>>
    %dma_start3A_843 = tpu.memref_squeeze %dma_start3A_842 : memref<1x4096x768xf32, #tpu.memory_space<hbm>> -> memref<4096x768xf32, #tpu.memory_space<hbm>>
    %dma_start3A_844 = arith.constant 0 : i32
    %dma_start3A_845 = tpu.memref_slice %dma_start3A_843[%add3A_832, %dma_start3A_844] : memref<4096x768xf32, #tpu.memory_space<hbm>> -> memref<32x768xf32, #tpu.memory_space<hbm>>
    tpu.enqueue_dma source(%arg6 : memref<32x768xf32, #tpu.memory_space<vmem>>) target(%dma_start3A_845 : memref<32x768xf32, #tpu.memory_space<hbm>>) target_semaphore(%arg15 : memref<!tpu.dma_semaphore, #tpu.memory_space<semaphore_mem>>)
    %dma_wait3A_846 = arith.constant 0 : i32
    %dma_wait3A_847 = arith.constant 0 : i32
    %dma_wait3A_848 = tpu.memref_slice %arg3[%dma_wait3A_846, %dma_wait3A_847] : memref<8192x768xf32, #tpu.memory_space<hbm>> -> memref<32x768xf32, #tpu.memory_space<hbm>>
    %dma_wait3A_849 = arith.constant 0 : i32
    %dma_wait3A_850 = arith.constant 0 : i32
    %dma_wait3A_851 = tpu.memref_slice %arg3[%dma_wait3A_849, %dma_wait3A_850] : memref<8192x768xf32, #tpu.memory_space<hbm>> -> memref<32x768xf32, #tpu.memory_space<hbm>>
    tpu.wait_dma2 semaphore(%arg12 : memref<!tpu.dma_semaphore, #tpu.memory_space<semaphore_mem>>) src(%dma_wait3A_851 : memref<32x768xf32, #tpu.memory_space<hbm>>) dst(%arg7 : memref<32x768xf32, #tpu.memory_space<vmem>>)
    %add3A_852 = arith.constant 32 : i32
    %add3A_853 = arith.addi %mul3A_2, %add3A_852 : i32
    %dma_start3A_854 = arith.constant 49 : i32
    %dma_start3A_855 = arith.constant 0 : i32
    %dma_start3A_856 = arith.constant 0 : i32
    %dma_start3A_857 = tpu.memref_slice %arg4[%dma_start3A_854, %dma_start3A_855, %dma_start3A_856] : memref<50x4096x768xf32, #tpu.memory_space<hbm>> -> memref<1x4096x768xf32, #tpu.memory_space<hbm>>
    %dma_start3A_858 = tpu.memref_squeeze %dma_start3A_857 : memref<1x4096x768xf32, #tpu.memory_space<hbm>> -> memref<4096x768xf32, #tpu.memory_space<hbm>>
    %dma_start3A_859 = arith.constant 0 : i32
    %dma_start3A_860 = tpu.memref_slice %dma_start3A_858[%add3A_853, %dma_start3A_859] : memref<4096x768xf32, #tpu.memory_space<hbm>> -> memref<32x768xf32, #tpu.memory_space<hbm>>
    %dma_start3A_861 = arith.constant 0 : i32
    %dma_start3A_862 = arith.constant 0 : i32
    %dma_start3A_863 = tpu.memref_slice %arg4[%dma_start3A_854, %dma_start3A_861, %dma_start3A_862] : memref<50x4096x768xf32, #tpu.memory_space<hbm>> -> memref<1x4096x768xf32, #tpu.memory_space<hbm>>
    %dma_start3A_864 = tpu.memref_squeeze %dma_start3A_863 : memref<1x4096x768xf32, #tpu.memory_space<hbm>> -> memref<4096x768xf32, #tpu.memory_space<hbm>>
    %dma_start3A_865 = arith.constant 0 : i32
    %dma_start3A_866 = tpu.memref_slice %dma_start3A_864[%add3A_853, %dma_start3A_865] : memref<4096x768xf32, #tpu.memory_space<hbm>> -> memref<32x768xf32, #tpu.memory_space<hbm>>
    tpu.enqueue_dma source(%arg7 : memref<32x768xf32, #tpu.memory_space<vmem>>) target(%dma_start3A_866 : memref<32x768xf32, #tpu.memory_space<hbm>>) target_semaphore(%arg16 : memref<!tpu.dma_semaphore, #tpu.memory_space<semaphore_mem>>)
    %dma_wait3A_867 = arith.constant 0 : i32
    %dma_wait3A_868 = arith.constant 0 : i32
    %dma_wait3A_869 = tpu.memref_slice %arg3[%dma_wait3A_867, %dma_wait3A_868] : memref<8192x768xf32, #tpu.memory_space<hbm>> -> memref<32x768xf32, #tpu.memory_space<hbm>>
    %dma_wait3A_870 = arith.constant 0 : i32
    %dma_wait3A_871 = arith.constant 0 : i32
    %dma_wait3A_872 = tpu.memref_slice %arg3[%dma_wait3A_870, %dma_wait3A_871] : memref<8192x768xf32, #tpu.memory_space<hbm>> -> memref<32x768xf32, #tpu.memory_space<hbm>>
    tpu.wait_dma2 semaphore(%arg13 : memref<!tpu.dma_semaphore, #tpu.memory_space<semaphore_mem>>) src(%dma_wait3A_872 : memref<32x768xf32, #tpu.memory_space<hbm>>) dst(%arg8 : memref<32x768xf32, #tpu.memory_space<vmem>>)
    %add3A_873 = arith.constant 64 : i32
    %add3A_874 = arith.addi %mul3A_2, %add3A_873 : i32
    %dma_start3A_875 = arith.constant 49 : i32
    %dma_start3A_876 = arith.constant 0 : i32
    %dma_start3A_877 = arith.constant 0 : i32
    %dma_start3A_878 = tpu.memref_slice %arg4[%dma_start3A_875, %dma_start3A_876, %dma_start3A_877] : memref<50x4096x768xf32, #tpu.memory_space<hbm>> -> memref<1x4096x768xf32, #tpu.memory_space<hbm>>
    %dma_start3A_879 = tpu.memref_squeeze %dma_start3A_878 : memref<1x4096x768xf32, #tpu.memory_space<hbm>> -> memref<4096x768xf32, #tpu.memory_space<hbm>>
    %dma_start3A_880 = arith.constant 0 : i32
    %dma_start3A_881 = tpu.memref_slice %dma_start3A_879[%add3A_874, %dma_start3A_880] : memref<4096x768xf32, #tpu.memory_space<hbm>> -> memref<32x768xf32, #tpu.memory_space<hbm>>
    %dma_start3A_882 = arith.constant 0 : i32
    %dma_start3A_883 = arith.constant 0 : i32
    %dma_start3A_884 = tpu.memref_slice %arg4[%dma_start3A_875, %dma_start3A_882, %dma_start3A_883] : memref<50x4096x768xf32, #tpu.memory_space<hbm>> -> memref<1x4096x768xf32, #tpu.memory_space<hbm>>
    %dma_start3A_885 = tpu.memref_squeeze %dma_start3A_884 : memref<1x4096x768xf32, #tpu.memory_space<hbm>> -> memref<4096x768xf32, #tpu.memory_space<hbm>>
    %dma_start3A_886 = arith.constant 0 : i32
    %dma_start3A_887 = tpu.memref_slice %dma_start3A_885[%add3A_874, %dma_start3A_886] : memref<4096x768xf32, #tpu.memory_space<hbm>> -> memref<32x768xf32, #tpu.memory_space<hbm>>
    tpu.enqueue_dma source(%arg8 : memref<32x768xf32, #tpu.memory_space<vmem>>) target(%dma_start3A_887 : memref<32x768xf32, #tpu.memory_space<hbm>>) target_semaphore(%arg17 : memref<!tpu.dma_semaphore, #tpu.memory_space<semaphore_mem>>)
    %dma_wait3A_888 = arith.constant 0 : i32
    %dma_wait3A_889 = arith.constant 0 : i32
    %dma_wait3A_890 = tpu.memref_slice %arg3[%dma_wait3A_888, %dma_wait3A_889] : memref<8192x768xf32, #tpu.memory_space<hbm>> -> memref<32x768xf32, #tpu.memory_space<hbm>>
    %dma_wait3A_891 = arith.constant 0 : i32
    %dma_wait3A_892 = arith.constant 0 : i32
    %dma_wait3A_893 = tpu.memref_slice %arg3[%dma_wait3A_891, %dma_wait3A_892] : memref<8192x768xf32, #tpu.memory_space<hbm>> -> memref<32x768xf32, #tpu.memory_space<hbm>>
    tpu.wait_dma2 semaphore(%arg14 : memref<!tpu.dma_semaphore, #tpu.memory_space<semaphore_mem>>) src(%dma_wait3A_893 : memref<32x768xf32, #tpu.memory_space<hbm>>) dst(%arg9 : memref<32x768xf32, #tpu.memory_space<vmem>>)
    %add3A_894 = arith.constant 96 : i32
    %add3A_895 = arith.addi %mul3A_2, %add3A_894 : i32
    %dma_start3A_896 = arith.constant 49 : i32
    %dma_start3A_897 = arith.constant 0 : i32
    %dma_start3A_898 = arith.constant 0 : i32
    %dma_start3A_899 = tpu.memref_slice %arg4[%dma_start3A_896, %dma_start3A_897, %dma_start3A_898] : memref<50x4096x768xf32, #tpu.memory_space<hbm>> -> memref<1x4096x768xf32, #tpu.memory_space<hbm>>
    %dma_start3A_900 = tpu.memref_squeeze %dma_start3A_899 : memref<1x4096x768xf32, #tpu.memory_space<hbm>> -> memref<4096x768xf32, #tpu.memory_space<hbm>>
    %dma_start3A_901 = arith.constant 0 : i32
    %dma_start3A_902 = tpu.memref_slice %dma_start3A_900[%add3A_895, %dma_start3A_901] : memref<4096x768xf32, #tpu.memory_space<hbm>> -> memref<32x768xf32, #tpu.memory_space<hbm>>
    %dma_start3A_903 = arith.constant 0 : i32
    %dma_start3A_904 = arith.constant 0 : i32
    %dma_start3A_905 = tpu.memref_slice %arg4[%dma_start3A_896, %dma_start3A_903, %dma_start3A_904] : memref<50x4096x768xf32, #tpu.memory_space<hbm>> -> memref<1x4096x768xf32, #tpu.memory_space<hbm>>
    %dma_start3A_906 = tpu.memref_squeeze %dma_start3A_905 : memref<1x4096x768xf32, #tpu.memory_space<hbm>> -> memref<4096x768xf32, #tpu.memory_space<hbm>>
    %dma_start3A_907 = arith.constant 0 : i32
    %dma_start3A_908 = tpu.memref_slice %dma_start3A_906[%add3A_895, %dma_start3A_907] : memref<4096x768xf32, #tpu.memory_space<hbm>> -> memref<32x768xf32, #tpu.memory_space<hbm>>
    tpu.enqueue_dma source(%arg9 : memref<32x768xf32, #tpu.memory_space<vmem>>) target(%dma_start3A_908 : memref<32x768xf32, #tpu.memory_space<hbm>>) target_semaphore(%arg18 : memref<!tpu.dma_semaphore, #tpu.memory_space<semaphore_mem>>)
    %dma_wait3A_909 = arith.constant 0 : i32
    %dma_wait3A_910 = arith.constant 0 : i32
    %dma_wait3A_911 = arith.constant 0 : i32
    %dma_wait3A_912 = tpu.memref_slice %arg4[%dma_wait3A_909, %dma_wait3A_910, %dma_wait3A_911] : memref<50x4096x768xf32, #tpu.memory_space<hbm>> -> memref<1x4096x768xf32, #tpu.memory_space<hbm>>
    %dma_wait3A_913 = tpu.memref_squeeze %dma_wait3A_912 : memref<1x4096x768xf32, #tpu.memory_space<hbm>> -> memref<4096x768xf32, #tpu.memory_space<hbm>>
    %dma_wait3A_914 = arith.constant 0 : i32
    %dma_wait3A_915 = arith.constant 0 : i32
    %dma_wait3A_916 = tpu.memref_slice %dma_wait3A_913[%dma_wait3A_914, %dma_wait3A_915] : memref<4096x768xf32, #tpu.memory_space<hbm>> -> memref<32x768xf32, #tpu.memory_space<hbm>>
    %dma_wait3A_917 = arith.constant 0 : i32
    %dma_wait3A_918 = arith.constant 0 : i32
    %dma_wait3A_919 = tpu.memref_slice %arg4[%dma_wait3A_909, %dma_wait3A_917, %dma_wait3A_918] : memref<50x4096x768xf32, #tpu.memory_space<hbm>> -> memref<1x4096x768xf32, #tpu.memory_space<hbm>>
    %dma_wait3A_920 = tpu.memref_squeeze %dma_wait3A_919 : memref<1x4096x768xf32, #tpu.memory_space<hbm>> -> memref<4096x768xf32, #tpu.memory_space<hbm>>
    %dma_wait3A_921 = arith.constant 0 : i32
    %dma_wait3A_922 = arith.constant 0 : i32
    %dma_wait3A_923 = tpu.memref_slice %dma_wait3A_920[%dma_wait3A_921, %dma_wait3A_922] : memref<4096x768xf32, #tpu.memory_space<hbm>> -> memref<32x768xf32, #tpu.memory_space<hbm>>
    tpu.wait_dma2 semaphore(%arg15 : memref<!tpu.dma_semaphore, #tpu.memory_space<semaphore_mem>>) src(%arg6 : memref<32x768xf32, #tpu.memory_space<vmem>>) dst(%dma_wait3A_923 : memref<32x768xf32, #tpu.memory_space<hbm>>)
    %dma_wait3A_924 = arith.constant 0 : i32
    %dma_wait3A_925 = arith.constant 0 : i32
    %dma_wait3A_926 = arith.constant 0 : i32
    %dma_wait3A_927 = tpu.memref_slice %arg4[%dma_wait3A_924, %dma_wait3A_925, %dma_wait3A_926] : memref<50x4096x768xf32, #tpu.memory_space<hbm>> -> memref<1x4096x768xf32, #tpu.memory_space<hbm>>
    %dma_wait3A_928 = tpu.memref_squeeze %dma_wait3A_927 : memref<1x4096x768xf32, #tpu.memory_space<hbm>> -> memref<4096x768xf32, #tpu.memory_space<hbm>>
    %dma_wait3A_929 = arith.constant 0 : i32
    %dma_wait3A_930 = arith.constant 0 : i32
    %dma_wait3A_931 = tpu.memref_slice %dma_wait3A_928[%dma_wait3A_929, %dma_wait3A_930] : memref<4096x768xf32, #tpu.memory_space<hbm>> -> memref<32x768xf32, #tpu.memory_space<hbm>>
    %dma_wait3A_932 = arith.constant 0 : i32
    %dma_wait3A_933 = arith.constant 0 : i32
    %dma_wait3A_934 = tpu.memref_slice %arg4[%dma_wait3A_924, %dma_wait3A_932, %dma_wait3A_933] : memref<50x4096x768xf32, #tpu.memory_space<hbm>> -> memref<1x4096x768xf32, #tpu.memory_space<hbm>>
    %dma_wait3A_935 = tpu.memref_squeeze %dma_wait3A_934 : memref<1x4096x768xf32, #tpu.memory_space<hbm>> -> memref<4096x768xf32, #tpu.memory_space<hbm>>
    %dma_wait3A_936 = arith.constant 0 : i32
    %dma_wait3A_937 = arith.constant 0 : i32
    %dma_wait3A_938 = tpu.memref_slice %dma_wait3A_935[%dma_wait3A_936, %dma_wait3A_937] : memref<4096x768xf32, #tpu.memory_space<hbm>> -> memref<32x768xf32, #tpu.memory_space<hbm>>
    tpu.wait_dma2 semaphore(%arg16 : memref<!tpu.dma_semaphore, #tpu.memory_space<semaphore_mem>>) src(%arg7 : memref<32x768xf32, #tpu.memory_space<vmem>>) dst(%dma_wait3A_938 : memref<32x768xf32, #tpu.memory_space<hbm>>)
    %dma_wait3A_939 = arith.constant 0 : i32
    %dma_wait3A_940 = arith.constant 0 : i32
    %dma_wait3A_941 = arith.constant 0 : i32
    %dma_wait3A_942 = tpu.memref_slice %arg4[%dma_wait3A_939, %dma_wait3A_940, %dma_wait3A_941] : memref<50x4096x768xf32, #tpu.memory_space<hbm>> -> memref<1x4096x768xf32, #tpu.memory_space<hbm>>
    %dma_wait3A_943 = tpu.memref_squeeze %dma_wait3A_942 : memref<1x4096x768xf32, #tpu.memory_space<hbm>> -> memref<4096x768xf32, #tpu.memory_space<hbm>>
    %dma_wait3A_944 = arith.constant 0 : i32
    %dma_wait3A_945 = arith.constant 0 : i32
    %dma_wait3A_946 = tpu.memref_slice %dma_wait3A_943[%dma_wait3A_944, %dma_wait3A_945] : memref<4096x768xf32, #tpu.memory_space<hbm>> -> memref<32x768xf32, #tpu.memory_space<hbm>>
    %dma_wait3A_947 = arith.constant 0 : i32
    %dma_wait3A_948 = arith.constant 0 : i32
    %dma_wait3A_949 = tpu.memref_slice %arg4[%dma_wait3A_939, %dma_wait3A_947, %dma_wait3A_948] : memref<50x4096x768xf32, #tpu.memory_space<hbm>> -> memref<1x4096x768xf32, #tpu.memory_space<hbm>>
    %dma_wait3A_950 = tpu.memref_squeeze %dma_wait3A_949 : memref<1x4096x768xf32, #tpu.memory_space<hbm>> -> memref<4096x768xf32, #tpu.memory_space<hbm>>
    %dma_wait3A_951 = arith.constant 0 : i32
    %dma_wait3A_952 = arith.constant 0 : i32
    %dma_wait3A_953 = tpu.memref_slice %dma_wait3A_950[%dma_wait3A_951, %dma_wait3A_952] : memref<4096x768xf32, #tpu.memory_space<hbm>> -> memref<32x768xf32, #tpu.memory_space<hbm>>
    tpu.wait_dma2 semaphore(%arg17 : memref<!tpu.dma_semaphore, #tpu.memory_space<semaphore_mem>>) src(%arg8 : memref<32x768xf32, #tpu.memory_space<vmem>>) dst(%dma_wait3A_953 : memref<32x768xf32, #tpu.memory_space<hbm>>)
    %dma_wait3A_954 = arith.constant 0 : i32
    %dma_wait3A_955 = arith.constant 0 : i32
    %dma_wait3A_956 = arith.constant 0 : i32
    %dma_wait3A_957 = tpu.memref_slice %arg4[%dma_wait3A_954, %dma_wait3A_955, %dma_wait3A_956] : memref<50x4096x768xf32, #tpu.memory_space<hbm>> -> memref<1x4096x768xf32, #tpu.memory_space<hbm>>
    %dma_wait3A_958 = tpu.memref_squeeze %dma_wait3A_957 : memref<1x4096x768xf32, #tpu.memory_space<hbm>> -> memref<4096x768xf32, #tpu.memory_space<hbm>>
    %dma_wait3A_959 = arith.constant 0 : i32
    %dma_wait3A_960 = arith.constant 0 : i32
    %dma_wait3A_961 = tpu.memref_slice %dma_wait3A_958[%dma_wait3A_959, %dma_wait3A_960] : memref<4096x768xf32, #tpu.memory_space<hbm>> -> memref<32x768xf32, #tpu.memory_space<hbm>>
    %dma_wait3A_962 = arith.constant 0 : i32
    %dma_wait3A_963 = arith.constant 0 : i32
    %dma_wait3A_964 = tpu.memref_slice %arg4[%dma_wait3A_954, %dma_wait3A_962, %dma_wait3A_963] : memref<50x4096x768xf32, #tpu.memory_space<hbm>> -> memref<1x4096x768xf32, #tpu.memory_space<hbm>>
    %dma_wait3A_965 = tpu.memref_squeeze %dma_wait3A_964 : memref<1x4096x768xf32, #tpu.memory_space<hbm>> -> memref<4096x768xf32, #tpu.memory_space<hbm>>
    %dma_wait3A_966 = arith.constant 0 : i32
    %dma_wait3A_967 = arith.constant 0 : i32
    %dma_wait3A_968 = tpu.memref_slice %dma_wait3A_965[%dma_wait3A_966, %dma_wait3A_967] : memref<4096x768xf32, #tpu.memory_space<hbm>> -> memref<32x768xf32, #tpu.memory_space<hbm>>
    tpu.wait_dma2 semaphore(%arg18 : memref<!tpu.dma_semaphore, #tpu.memory_space<semaphore_mem>>) src(%arg9 : memref<32x768xf32, #tpu.memory_space<vmem>>) dst(%dma_wait3A_968 : memref<32x768xf32, #tpu.memory_space<hbm>>)
    return
  }
}

</mosaic_0001>

<sc_bundles>
// kernel: kernel.3.cloned.1.call-start
scs
__scs_entry_jumppad:
0x0: {  	(pc) =	sbr.rel $0x88, $3  }
0x1: {  	(tag) =	ssettag $0x0;
	lr =	simm.s32 $0x1  }
0x2: {  	[smem:$0x3F9F] =	sst lr;
	_ =	strace $0xD0000000  }
0x3: {  	_ = 	snop  }
0x4: {  	_ = 	snop  }
0x5: {  	_ = 	snop  }
0x6: {  	_ = 	snop  }
0x7: {  	_ = 	snop  }
__scs_overlays_trampoline_lowered:
0x8: {  	[smem:$0x3FAE] =	sst s0  }
0x9: {  	[smem:$0x3FAF] =	sst s1  }
0xa: {  	[smem:$0x3FB0] =	sst s2  }
0xb: {  	[smem:$0x3FB1] =	sst s3  }
0xc: {  	[smem:$0x3FB2] =	sst s4  }
0xd: {  	[smem:$0x3FB3] =	sst s5  }
0xe: {  	[smem:$0x3FB4] =	sst s6  }
0xf: {  	[smem:$0x3FB5] =	sst s7  }
0x10: {  	[smem:$0x3FB6] =	sst s8  }
0x11: {  	[smem:$0x3FB7] =	sst s9;
	s0 =	simm.s32 @!p0 $0x0  }
0x12: {  	s1 =	sld [smem:$0x3F9D];
	s0 =	simm.s32 @p0 $0x1  }
0x13: {  	[smem:$0x3FB8] =	sst s0;
	s0 =	simm.s32 @!p1 $0x0  }
0x14: {  	s2 =	sld [smem:$0x3F9C];
	s0 =	simm.s32 @p1 $0x1  }
0x15: {  	[smem:$0x3FB9] =	sst s0;
	s0 =	simm.s32 @!p2 $0x0  }
0x16: {  	s3 =	sld [smem:$0x3FDB];
	s0 =	simm.s32 @p2 $0x1  }
0x17: {  	s4 =	simm.s32 $0x1BF5;
	[smem:$0x3FBB] =	sst s0  }
0x18: {  	s0 =	sld [smem:$0x3F9E];
	_ =	swait.ge [sflag:s4], $0x0  }
0x19: {  	s7 =	sld [smem:$0x3F9F]  }
0x1a: {  	s8 =	sadd.s32 $0xFFFFE003, lr  }
0x1b: {  	s9 =	sadd.s32 $0xFFFFFEF7, lr;
	s5 =	simm.s32 $0xFFFFFFFF;
	p2 =	slt.u32 s8, $0xFFFFF086  }
0x1c: {  	p1 =	slt.u32 s9, $0xF7A;
	s5 =	simm.s32 @!p2 $0x0  }
0x1d: {  	s5 =	simm.s32 @p1 $0x1;
	p0 =	seq.s32 s7, s2  }
0x1e: {  	s7 =	smul.u32 @!p0 $0xF7A, s2;
	p2 =	seq.s32 @!p0 s5, $0x0  }
0x1f: {  	s9 =	smul.u32 $0xF7A, s1;
	s8 =	simm.s32 @!p0 $0x1BF5;
	p2 =	por !p2, p0  }
0x20: {  	[sflag:s8] =	ssyncset.s32 @!p0 $0xFFFFF086;
	s6 =	sadd.s32 @!p0 s3, s7;
	s7 =	simm.s32 @!p0 $0x108  }
0x21: {  	s3 =	sadd.s32 s3, s9;
	s6 =	sadd.s32 @!p0 $0x88, s6;
	s7 =	simm.s32 @p2 $0x1082  }
0x22: {  	[simem:s7], [sflag:s8] =	dma.local @!p0 [hbm:s6], $0xF7A  }
0x23: {  	s9 =	sor.u32 $0xD0000000, s2;
	s6 =	simm.s32 $0x108;
	_ =	swait.ge @!p0 [sflag:s8], $0x0  }
0x24: {  	s3 =	sadd.s32 $0x88, s3;
	s6 =	simm.s32 @!p1 $0x1082;
	[sflag:s4] =	ssyncset.s32 $0xFFFFF086  }
0x25: {  	[simem:s6], [sflag:s4] =	dma.local [hbm:s3], $0xF7A  }
0x26: {  	[smem:$0x3F9F] =	sst s1;
	(tag) =	ssettag s2;
	_ =	strace s9  }
0x27: {  	s1 =	sld [smem:$0x3FAF]  }
0x28: {  	s2 =	sld [smem:$0x3FB0]  }
0x29: {  	s4 =	sld [smem:$0x3FB2]  }
0x2a: {  	p0 =	seq.s32 s5, $0x0;
	s5 =	sld [smem:$0x3FB3]  }
0x2b: {  	s6 =	sld [smem:$0x3FB4]  }
0x2c: {  	s7 =	sld [smem:$0x3FB5]  }
0x2d: {  	s3 =	simm.s32 $0x108;
	s8 =	sld [smem:$0x3FB6]  }
0x2e: {  	s3 =	simm.s32 @!p0 $0x1082;
	s9 =	sld [smem:$0x3FB7]  }
0x2f: {  	lr =	sadd.s32 s0, s3;
	s0 =	sld [smem:$0x3FAE]  }
0x30: {  	s3 =	sld [smem:$0x3FB1]  }
0x31: {  	[smem:$0x3FBA] =	sst s10  }
0x32: {  	s10 =	sld [smem:$0x3FB8];
	_ =	sdelay $0x3  }
0x33: {  	p0 =	seq.s32 s10, $0x1;
	s10 =	sld [smem:$0x3FBA];
	_ =	sdelay $0x3  }
0x34: {  	[smem:$0x3FBA] =	sst s10  }
0x35: {  	s10 =	sld [smem:$0x3FB9];
	_ =	sdelay $0x3  }
0x36: {  	p1 =	seq.s32 s10, $0x1;
	s10 =	sld [smem:$0x3FBA];
	_ =	sdelay $0x3  }
0x37: {  	[smem:$0x3FBA] =	sst s10  }
0x38: {  	s10 =	sld [smem:$0x3FBB]  }
0x39: {  	_ = 	snop;
	(pc) =	sbr.ind lr, $3  }
0x3a: {  	_ = 	snop  }
0x3b: {  	_ = 	snop  }
0x3c: {  	p2 =	seq.s32 s10, $0x1;
	s10 =	sld [smem:$0x3FBA]  }
0x3d: {  	_ =	shalt  }
0x3e: {  	_ =	shalt  }
0x3f: {  	_ =	shalt  }
0x40: {  	_ =	shalt  }
0x41: {  	_ =	shalt  }
0x42: {  	_ =	shalt  }
0x43: {  	_ =	shalt  }
0x44: {  	_ =	shalt  }
0x45: {  	_ =	shalt  }
0x46: {  	_ =	shalt  }
0x47: {  	_ =	shalt  }
0x48: {  	_ =	shalt  }
0x49: {  	_ =	shalt  }
0x4a: {  	_ =	shalt  }
0x4b: {  	_ =	shalt  }
0x4c: {  	_ =	shalt  }
0x4d: {  	_ =	shalt  }
0x4e: {  	_ =	shalt  }
0x4f: {  	_ =	shalt  }
0x50: {  	_ =	shalt  }
0x51: {  	_ =	shalt  }
0x52: {  	_ =	shalt  }
0x53: {  	_ =	shalt  }
0x54: {  	_ =	shalt  }
0x55: {  	_ =	shalt  }
0x56: {  	_ =	shalt  }
0x57: {  	_ =	shalt  }
0x58: {  	_ =	shalt  }
0x59: {  	_ =	shalt  }
0x5a: {  	_ =	shalt  }
0x5b: {  	_ =	shalt  }
0x5c: {  	_ =	shalt  }
0x5d: {  	_ =	shalt  }
0x5e: {  	_ =	shalt  }
0x5f: {  	_ =	shalt  }
0x60: {  	_ =	shalt  }
0x61: {  	_ =	shalt  }
0x62: {  	_ =	shalt  }
0x63: {  	_ =	shalt  }
0x64: {  	_ =	shalt  }
0x65: {  	_ =	shalt  }
0x66: {  	_ =	shalt  }
0x67: {  	_ =	shalt  }
0x68: {  	_ =	shalt  }
0x69: {  	_ =	shalt  }
0x6a: {  	_ =	shalt  }
0x6b: {  	_ =	shalt  }
0x6c: {  	_ =	shalt  }
0x6d: {  	_ =	shalt  }
0x6e: {  	_ =	shalt  }
0x6f: {  	_ =	shalt  }
0x70: {  	_ =	shalt  }
0x71: {  	_ =	shalt  }
0x72: {  	_ =	shalt  }
0x73: {  	_ =	shalt  }
0x74: {  	_ =	shalt  }
0x75: {  	_ =	shalt  }
0x76: {  	_ =	shalt  }
0x77: {  	_ =	shalt  }
0x78: {  	_ =	shalt  }
0x79: {  	_ =	shalt  }
0x7a: {  	_ =	shalt  }
0x7b: {  	_ =	shalt  }
0x7c: {  	_ =	shalt  }
0x7d: {  	_ =	shalt  }
0x7e: {  	_ =	shalt  }
0x7f: {  	_ =	shalt  }
0x80: {  	_ =	shalt  }
0x81: {  	_ =	shalt  }
0x82: {  	_ =	shalt  }
0x83: {  	_ =	shalt  }
0x84: {  	_ =	shalt  }
0x85: {  	_ =	shalt  }
0x86: {  	_ =	shalt  }
0x87: {  	_ =	shalt  }
.Lfunc_end0:
.L_simem_size_0:
called_computation_lowered:
.L_overlay_start_0:
0x88: {  	s2 =	sld [smem:$0x3FD9]  }
0x89: {  	s3 =	sld [smem:$0x3FFE];
	_ =	sdelay $0x1  }
0x8a: {  	s1 =	srdreg.scid  }
0x8b: {  	s0 =	sand.u32 $0x1, s1  }
0x8c: {  	s17 =	sshll.u32 s0, $0xA;
	s2 =	sadd.s32 s3, s2  }
0x8d: {  	s2 =	sadd.s32 s2, s17  }
0x8e: {  	[smem:$0x3FC6] =	sst s2  }
0x8f: {  	_ = 	snop  }
0x90: {  	s2 =	sld [smem:$0x3FC8]  }
0x91: {  	s18 =	sld [smem:$0x3FD0];
	(tm) =	ssettm $0x1  }
0x92: {  	s4 =	sld [smem:$0x3FFB];
	_ =	sdelay $0x3  }
0x93: {  	_ =	strace s4  }
0x94: {  	s4 =	sld [smem:$0x3FFC];
	_ =	sdelay $0x3  }
0x95: {  	_ =	strace s4  }
0x96: {  	s4 =	sld [smem:$0x3FFD];
	_ =	sdelay $0x3  }
0x97: {  	_ =	strace s4  }
0x98: {  	_ =	strace $0x8FFFFFFF  }
0x99: {  	s19 =	sld [smem:$0x3FDB];
	_ =	sdelay $0x1  }
0x9a: {  	s5 =	simm.s32 $_scs_section_size  }
0x9b: {  	s6 =	simm.s32 $_size__tile_overlayer_lowered;
	s7 =	simm.s32 $_tile_overlayer_lowered  }
0x9c: {  	s22 =	simm.s32 $0x1BFF;
	s21 =	sshll.u32 s7, $0x1;
	s4 =	sadd.s32 s5, s19  }
0x9d: {  	s8 =	simm.s32 $0x0;
	s20 =	sshll.u32 s6, $0x1;
	s6 =	sadd.s32 s21, s4  }
0x9e: {  	[timem:s8], [sflag:s22] =	dma.local [hbm:s6], s20  }
0x9f: {  	_ =	swait.ge [sflag:s22], s20  }
0xa0: {  	s5 =	ssub.s32 $0x0, s20;
	[sflag:s22] =	ssyncset.done $0x0  }
0xa1: {  	[sflag:s22] =	ssyncadd.s32 s5;
	_ =	sdelay $0x1  }
0xa2: {  	s23 =	simm.s32 $0x1B8B  }
0xa3: {  	_ =	swait.ge [sflag:s23], $0x1  }
0xa4: {  	[sflag:s23] =	ssyncset.done $0x0  }
0xa5: {  	s25 =	simm.s32 $0x1B8E;
	s24 =	sld [smem:$0x3FFE];
	[sflag:s23] =	ssyncadd.s32 $0xFFFFFFFF  }
0xa6: {  	s26 =	simm.s32 $execute0_lowered;
	[smem:$0x3FD2] =	sst s25  }
0xa7: {  	s6 =	sshll.u32 s26, $0x1;
	_ =	strace $0x80000046;
	[dreg:$0x1] =	wrdreg $0xFFFFFFFF  }
0xa8: {  	s28 =	simm.s32 $_size_execute0_lowered;
	s4 =	sadd.s32 s4, s6;
	[dreg:$0x0] =	wrdreg $0x0  }
0xa9: {  	s6 =	sshll.u32 s28, $0x1;
	[dreg:$0x2] =	wrdreg s4  }
0xaa: {  	[dreg:$0x3] =	wrdreg s6  }
0xab: {  	[dreg:$0x4] =	wrdreg $0xC0  }
0xac: {  	_ =	task [dreg:s8], $0x5FFFF  }
0xad: {  	[dreg:$0x1] =	wrdreg $0xFFFFFFFF  }
0xae: {  	[dreg:$0x0] =	wrdreg $0x60  }
0xaf: {  	[dreg:$0x2] =	wrdreg s24  }
0xb0: {  	[dreg:$0x3] =	wrdreg s2  }
0xb1: {  	[dreg:$0x4] =	wrdreg s18  }
0xb2: {  	[dreg:$0x5] =	wrdreg $0x9  }
0xb3: {  	_ =	task.clear_ibuf [dreg:s8], $0x6FFFF;
	_ =	strace $0x90000046  }
0xb4: {  	s29 =	simm.s32 $0x9;
	_ =	strace $0x80000048  }
0xb5: {  	_ =	swait.ge [sflag:s29], $0x1  }
0xb6: {  	[sflag:s29] =	ssyncadd.s32 $0xFFFFFFFF  }
0xb7: {  	_ =	strace $0x90000048  }
0xb8: {  	_ =	sfence  }
0xb9: {  	s30 =	sld [smem:$0x0];
	_ =	sdelay $0x2  }
0xba: {  	s31 =	sshll.u32 s1, $0xD;
	s1 =	sshrl.u32 s1, $0x2  }
0xbb: {  	s3 =	sand.u32 $0x4000, s31;
	s1 =	sadd.s32 s1, s30  }
0xbc: {  	s0 =	sor.u32 s3, s0;
	s1 =	sshll.u32 s1, $0x11  }
0xbd: {  	s0 =	sor.u32 s1, s0  }
0xbe: {  	s0 =	sadd.s32 $0x8F2B, s0  }
0xbf: {  	[sflag:s0] =	ssyncadd.remote.s32 $0x1  }
0xc0: {  	_ =	sfence.sel $0xFFFF  }
0xc1: {  	[dreg:$0x0] =	wrdreg $0xFFFFFFFF;
	(pc) =	sbr.abs _section_cstart, $3  }
0xc2: {  	[dreg:$0x1] =	wrdreg $0xFFFFFFFF  }
0xc3: {  	_ =	task.clear_ibuf [dreg:s8], $0x2FFFF;
	_ =	strace $0x9FFFFFFF  }
0xc4: {  	(tm) =	ssettm $0x7FFFFFFF  }
0xc5: {  	_ =	shalt  }
tec
execute0_lowered:
.L_overlay_start_1:
0x0: {  	(tag) =	ssettag $0x1  }
0x1: {  	s1 =	srdreg.scid  }
0x2: {  	s3 =	stileid.u32;
	s1 =	sand.u32 $0x1, s1  }
0x3: {  	s0 =	rddreg [dreg:$0x0];
	s3 =	sshll.u32 s3, $0x5;
	s5 =	sshll.u32 s1, $0x4  }
0x4: {  	s2 =	rddreg [dreg:$0x1];
	s3 =	sor.u32 s5, s3  }
0x5: {  	s6 =	rddreg [dreg:$0x2];
	s4 =	simm.s32 $0x0;
	s0 =	sadd.s32 s3, s0  }
0x6: {  	[smem:$0x7FF] =	sst s4;
	s14 =	sadd.s32 $0x400, s0  }
0x7: {  	_ =	strace $0x80000047;
	s15 =	sadd.s32 $0x600, s0;
	[dreg:$0x4] =	wrdreg s14  }
0x8: {  	s16 =	sadd.s32 $0x800, s0;
	[dreg:$0x5] =	wrdreg s15  }
0x9: {  	s17 =	sadd.s32 $0xA00, s0;
	[dreg:$0x6] =	wrdreg s16  }
0xa: {  	s18 =	sadd.s32 $0xC00, s0;
	[dreg:$0x7] =	wrdreg s17  }
0xb: {  	s19 =	sadd.s32 $0xE00, s0;
	[dreg:$0x8] =	wrdreg s18  }
0xc: {  	s20 =	sadd.s32 $0x1000, s0;
	[dreg:$0x9] =	wrdreg s19  }
0xd: {  	s21 =	sadd.s32 $0x1200, s0;
	[dreg:$0xa] =	wrdreg s20  }
0xe: {  	s22 =	sadd.s32 $0x1400, s0;
	[dreg:$0xb] =	wrdreg s21  }
0xf: {  	s23 =	sadd.s32 $0x1600, s0;
	[dreg:$0xc] =	wrdreg s22  }
0x10: {  	s24 =	sadd.s32 $0x1800, s0;
	[dreg:$0xd] =	wrdreg s23  }
0x11: {  	s25 =	sadd.s32 $0x1A00, s0;
	[dreg:$0xe] =	wrdreg s24  }
0x12: {  	s26 =	sadd.s32 $0x1C00, s0;
	[dreg:$0xf] =	wrdreg s25  }
0x13: {  	s7 =	sadd.s32 $0x1E00, s0;
	[dreg:$0x10] =	wrdreg s26  }
0x14: {  	s8 =	sadd.s32 $0x2000, s0;
	[dreg:$0x11] =	wrdreg s7  }
0x15: {  	s9 =	sadd.s32 $0x2200, s0;
	[dreg:$0x12] =	wrdreg s8  }
0x16: {  	s10 =	sadd.s32 $0x2400, s0;
	[dreg:$0x13] =	wrdreg s9  }
0x17: {  	s1 =	ssub.s32 $0x2, s1;
	s11 =	sadd.s32 $0x2600, s0;
	[dreg:$0x14] =	wrdreg s10  }
0x18: {  	s13 =	sshrl.u32 s1, $0x1;
	s12 =	sadd.s32 $0x2800, s0;
	[dreg:$0x15] =	wrdreg s11  }
0x19: {  	s1 =	ssub.s32 s1, s13;
	s13 =	sadd.s32 $0x2A00, s0;
	[dreg:$0x16] =	wrdreg s12  }
0x1a: {  	[dreg:$0x17] =	wrdreg s13;
	s14 =	sadd.s32 $0x2C00, s0  }
0x1b: {  	s15 =	sadd.s32 $0x2E00, s0;
	[dreg:$0x18] =	wrdreg s14  }
0x1c: {  	s16 =	sadd.s32 $0x3000, s0;
	[dreg:$0x19] =	wrdreg s15  }
0x1d: {  	s17 =	sadd.s32 $0x3200, s0;
	[dreg:$0x1a] =	wrdreg s16  }
0x1e: {  	s18 =	sadd.s32 $0x3400, s0;
	[dreg:$0x1b] =	wrdreg s17  }
0x1f: {  	s19 =	sadd.s32 $0x3600, s0;
	[dreg:$0x1c] =	wrdreg s18  }
0x20: {  	s20 =	sadd.s32 $0x3800, s0;
	[dreg:$0x1d] =	wrdreg s19  }
0x21: {  	s21 =	sadd.s32 $0x3A00, s0;
	[dreg:$0x1e] =	wrdreg s20  }
0x22: {  	s22 =	sadd.s32 $0x3C00, s0;
	[dreg:$0x1f] =	wrdreg s21  }
0x23: {  	s23 =	sadd.s32 $0x3E00, s0;
	[smem:$0x7E4] =	sst s22  }
0x24: {  	s24 =	sadd.s32 $0x4000, s0;
	[smem:$0x7E5] =	sst s23  }
0x25: {  	s25 =	sadd.s32 $0x4200, s0;
	[smem:$0x7E6] =	sst s24  }
0x26: {  	s26 =	sadd.s32 $0x4400, s0;
	[smem:$0x7E7] =	sst s25  }
0x27: {  	s7 =	sadd.s32 $0x4600, s0;
	[smem:$0x7E8] =	sst s26  }
0x28: {  	s8 =	sadd.s32 $0x4800, s0;
	[smem:$0x7E9] =	sst s7  }
0x29: {  	s9 =	sadd.s32 $0x4A00, s0;
	[smem:$0x7EA] =	sst s8  }
0x2a: {  	s10 =	sadd.s32 $0x4C00, s0;
	[smem:$0x7EB] =	sst s9  }
0x2b: {  	s11 =	sadd.s32 $0x4E00, s0;
	[smem:$0x7EC] =	sst s10  }
0x2c: {  	s12 =	sadd.s32 $0x5000, s0;
	[smem:$0x7ED] =	sst s11  }
0x2d: {  	s13 =	sadd.s32 $0x5200, s0;
	[smem:$0x7EE] =	sst s12  }
0x2e: {  	s28 =	simm.s32 $0x5900;
	[smem:$0x7EF] =	sst s13;
	s14 =	sadd.s32 $0x5400, s0  }
0x2f: {  	s31 =	simm.s32 $0x6900;
	s15 =	sadd.s32 $0x5600, s0;
	[smem:$0x7F0] =	sst s14  }
0x30: {  	s29 =	simm.s32 $0x7100;
	s16 =	sadd.s32 $0x5800, s0;
	[smem:$0x7F1] =	sst s15  }
0x31: {  	s30 =	simm.s32 $0xD100;
	s17 =	sadd.s32 $0x5A00, s0;
	[smem:$0x7F2] =	sst s16  }
0x32: {  	s18 =	sadd.s32 $0x5C00, s0;
	s19 =	sadd.s32 $0x5E00, s0;
	[smem:$0x7F3] =	sst s17  }
0x33: {  	s20 =	smul.u32 $0x1800, s3;
	s7 =	sadd.s32 $0x6000, s0;
	[smem:$0x7F4] =	sst s18  }
0x34: {  	s22 =	sadd.s32 $0x6200, s0;
	s23 =	sadd.s32 $0x6400, s0;
	[smem:$0x7F5] =	sst s19  }
0x35: {  	s0 =	sadd.s32 $0x6600, s0;
	s21 =	smul.u32 $0x300, s3;
	[smem:$0x7F6] =	sst s7  }
0x36: {  	s25 =	smax.u32 s1, $0x1;
	s1 =	sadd.s32 $0x200, s2;
	[smem:$0x7F7] =	sst s22  }
0x37: {  	s26 =	sadd.s32 $0x1260000, s6;
	s10 =	simm.s32 $0x2100;
	[smem:$0x7F8] =	sst s23  }
0x38: {  	s8 =	simm.s32 $0x2900;
	s13 =	simm.s32 $0x3100;
	[smem:$0x7F9] =	sst s0  }
0x39: {  	s11 =	simm.s32 $0x5100;
	s12 =	simm.s32 $0x7900;
	[smem:$0x7FA] =	sst s25  }
0x3a: {  	s9 =	simm.s32 $0x0;
	s0 =	sadd.s32 $0x100, s2;
	[smem:$0x7FB] =	sst s26  }
0x3b: {  	s7 =	simm.s32 $0x1;
	s14 =	simm.s32 $0x3900;
	s15 =	simm.s32 $0x4100  }
0x3c: {  	s26 =	simm.s32 $0x4900;
	s19 =	simm.s32 $0x6100;
	s16 =	simm.s32 $0xD900  }
0x3d: {  	s17 =	simm.s32 $0x13900;
	s18 =	simm.s32 $0x18900;
	s24 =	sshrl.u32 s20, $0x3  }
0x3e: {  	v2 =	vlaneseq.u32;
	s23 =	simm.s32 $0x8;
	s25 =	simm.s32 $0x9;
	s5 =	sadd.s32 $0x2400, s24  }
0x3f: {  	vm0 =	vmmov $0xffff;
	v1 =	vshrl.u32 v2, $0x3;
	s22 =	sadd.s32 $0x1800, s24;
	s24 =	sor.u32 $0xC00, s21;
	[smem:$0x7FC] =	sst s5  }
0x40: {  	v0 =	vand.u32 $0x7, v2;
	v2 =	vor.u32 $0x8, v2;
	v1 =	vmul.u32 $0x8, v1;
	s20 =	simm.s32 $0x1900;
	[smem:$0x7FD] =	sst s24;
	s24 =	simm.s32 $0x7  }
.LBB2_1:
0x41: {  	[smem:$0x7E3] =	sst s9  }
0x42: {  	s3 =	rddreg [dreg:$0x4]  }
0x43: {  	[tilespmem:s4], [sflag:$0x1] =	stream.linear.gather [hbm4b:s3+s4], $0x80, $0x38;
	[tilespmem:$0x19900] =	vst v63  }
0x44: {  	s9 =	simm.s32 $0x80;
	s3 =	rddreg [dreg:$0x5]  }
0x45: {  	[tilespmem:s9], [sflag:$0x1] =	stream.linear.gather [hbm4b:s3+s4], $0x80, $0x38;
	[tilespmem:$0x19900] =	vst v63  }
0x46: {  	s3 =	rddreg [dreg:$0x6];
	s9 =	simm.s32 $0x100  }
0x47: {  	[tilespmem:s9], [sflag:$0x1] =	stream.linear.gather [hbm4b:s3+s4], $0x80, $0x38;
	[tilespmem:$0x19900] =	vst v63  }
0x48: {  	s3 =	rddreg [dreg:$0x7];
	s9 =	simm.s32 $0x180  }
0x49: {  	[tilespmem:s9], [sflag:$0x1] =	stream.linear.gather [hbm4b:s3+s4], $0x80, $0x38;
	[tilespmem:$0x19900] =	vst v63  }
0x4a: {  	s3 =	rddreg [dreg:$0x8];
	s9 =	simm.s32 $0x200  }
0x4b: {  	[tilespmem:s9], [sflag:$0x1] =	stream.linear.gather [hbm4b:s3+s4], $0x80, $0x38;
	[tilespmem:$0x19900] =	vst v63  }
0x4c: {  	s3 =	rddreg [dreg:$0x9];
	s9 =	simm.s32 $0x280  }
0x4d: {  	[tilespmem:s9], [sflag:$0x1] =	stream.linear.gather [hbm4b:s3+s4], $0x80, $0x38;
	[tilespmem:$0x19900] =	vst v63  }
0x4e: {  	s3 =	rddreg [dreg:$0xa];
	s9 =	simm.s32 $0x300  }
0x4f: {  	[tilespmem:s9], [sflag:$0x1] =	stream.linear.gather [hbm4b:s3+s4], $0x80, $0x38;
	[tilespmem:$0x19900] =	vst v63  }
0x50: {  	s3 =	rddreg [dreg:$0xb];
	s9 =	simm.s32 $0x380  }
0x51: {  	[tilespmem:s9], [sflag:$0x1] =	stream.linear.gather [hbm4b:s3+s4], $0x80, $0x38;
	[tilespmem:$0x19900] =	vst v63  }
0x52: {  	s3 =	rddreg [dreg:$0xc];
	s9 =	simm.s32 $0x400  }
0x53: {  	[tilespmem:s9], [sflag:$0x1] =	stream.linear.gather [hbm4b:s3+s4], $0x80, $0x38;
	[tilespmem:$0x19900] =	vst v63  }
0x54: {  	s3 =	rddreg [dreg:$0xd];
	s9 =	simm.s32 $0x480  }
0x55: {  	[tilespmem:s9], [sflag:$0x1] =	stream.linear.gather [hbm4b:s3+s4], $0x80, $0x38;
	[tilespmem:$0x19900] =	vst v63  }
0x56: {  	s3 =	rddreg [dreg:$0xe];
	s9 =	simm.s32 $0x500  }
0x57: {  	[tilespmem:s9], [sflag:$0x1] =	stream.linear.gather [hbm4b:s3+s4], $0x80, $0x38;
	[tilespmem:$0x19900] =	vst v63  }
0x58: {  	s3 =	rddreg [dreg:$0xf];
	s9 =	simm.s32 $0x580  }
0x59: {  	[tilespmem:s9], [sflag:$0x1] =	stream.linear.gather [hbm4b:s3+s4], $0x80, $0x38;
	[tilespmem:$0x19900] =	vst v63  }
0x5a: {  	s3 =	rddreg [dreg:$0x10];
	s9 =	simm.s32 $0x600  }
0x5b: {  	[tilespmem:s9], [sflag:$0x1] =	stream.linear.gather [hbm4b:s3+s4], $0x80, $0x38;
	[tilespmem:$0x19900] =	vst v63  }
0x5c: {  	s3 =	rddreg [dreg:$0x11];
	s9 =	simm.s32 $0x680  }
0x5d: {  	[tilespmem:s9], [sflag:$0x1] =	stream.linear.gather [hbm4b:s3+s4], $0x80, $0x38;
	[tilespmem:$0x19900] =	vst v63  }
0x5e: {  	s3 =	rddreg [dreg:$0x12];
	s9 =	simm.s32 $0x700  }
0x5f: {  	[tilespmem:s9], [sflag:$0x1] =	stream.linear.gather [hbm4b:s3+s4], $0x80, $0x38;
	[tilespmem:$0x19900] =	vst v63  }
0x60: {  	s3 =	rddreg [dreg:$0x13];
	s9 =	simm.s32 $0x780  }
0x61: {  	[tilespmem:s9], [sflag:$0x1] =	stream.linear.gather [hbm4b:s3+s4], $0x80, $0x38;
	[tilespmem:$0x19900] =	vst v63  }
0x62: {  	s3 =	rddreg [dreg:$0x14];
	s9 =	simm.s32 $0x800  }
0x63: {  	[tilespmem:s9], [sflag:$0x1] =	stream.linear.gather [hbm4b:s3+s4], $0x80, $0x38;
	[tilespmem:$0x19900] =	vst v63  }
0x64: {  	s3 =	rddreg [dreg:$0x15];
	s9 =	simm.s32 $0x880  }
0x65: {  	[tilespmem:s9], [sflag:$0x1] =	stream.linear.gather [hbm4b:s3+s4], $0x80, $0x38;
	[tilespmem:$0x19900] =	vst v63  }
0x66: {  	s3 =	rddreg [dreg:$0x16];
	s9 =	simm.s32 $0x900  }
0x67: {  	[tilespmem:s9], [sflag:$0x1] =	stream.linear.gather [hbm4b:s3+s4], $0x80, $0x38;
	[tilespmem:$0x19900] =	vst v63  }
0x68: {  	s3 =	rddreg [dreg:$0x17];
	s9 =	simm.s32 $0x980  }
0x69: {  	[tilespmem:s9], [sflag:$0x1] =	stream.linear.gather [hbm4b:s3+s4], $0x80, $0x38;
	[tilespmem:$0x19900] =	vst v63  }
0x6a: {  	s3 =	rddreg [dreg:$0x18];
	s9 =	simm.s32 $0xA00  }
0x6b: {  	[tilespmem:s9], [sflag:$0x1] =	stream.linear.gather [hbm4b:s3+s4], $0x80, $0x38;
	[tilespmem:$0x19900] =	vst v63  }
0x6c: {  	s3 =	rddreg [dreg:$0x19];
	s9 =	simm.s32 $0xA80  }
0x6d: {  	[tilespmem:s9], [sflag:$0x1] =	stream.linear.gather [hbm4b:s3+s4], $0x80, $0x38;
	[tilespmem:$0x19900] =	vst v63  }
0x6e: {  	s3 =	rddreg [dreg:$0x1a];
	s9 =	simm.s32 $0xB00  }
0x6f: {  	[tilespmem:s9], [sflag:$0x1] =	stream.linear.gather [hbm4b:s3+s4], $0x80, $0x38;
	[tilespmem:$0x19900] =	vst v63  }
0x70: {  	s3 =	rddreg [dreg:$0x1b];
	s9 =	simm.s32 $0xB80  }
0x71: {  	[tilespmem:s9], [sflag:$0x1] =	stream.linear.gather [hbm4b:s3+s4], $0x80, $0x38;
	[tilespmem:$0x19900] =	vst v63  }
0x72: {  	s3 =	rddreg [dreg:$0x1c];
	s9 =	simm.s32 $0xC00  }
0x73: {  	[tilespmem:s9], [sflag:$0x1] =	stream.linear.gather [hbm4b:s3+s4], $0x80, $0x38;
	[tilespmem:$0x19900] =	vst v63  }
0x74: {  	s3 =	rddreg [dreg:$0x1d];
	s9 =	simm.s32 $0xC80  }
0x75: {  	[tilespmem:s9], [sflag:$0x1] =	stream.linear.gather [hbm4b:s3+s4], $0x80, $0x38;
	[tilespmem:$0x19900] =	vst v63  }
0x76: {  	s3 =	rddreg [dreg:$0x1e];
	s9 =	simm.s32 $0xD00  }
0x77: {  	[tilespmem:s9], [sflag:$0x1] =	stream.linear.gather [hbm4b:s3+s4], $0x80, $0x38;
	[tilespmem:$0x19900] =	vst v63  }
0x78: {  	s3 =	rddreg [dreg:$0x1f];
	s9 =	simm.s32 $0xD80  }
0x79: {  	[tilespmem:s9], [sflag:$0x1] =	stream.linear.gather [hbm4b:s3+s4], $0x80, $0x38;
	[tilespmem:$0x19900] =	vst v63  }
0x7a: {  	s3 =	sld [smem:$0x7E4];
	_ =	sdelay $0x1  }
0x7b: {  	s9 =	simm.s32 $0xE00  }
0x7c: {  	[tilespmem:s9], [sflag:$0x1] =	stream.linear.gather [hbm4b:s3+s4], $0x80, $0x38;
	[tilespmem:$0x19900] =	vst v63  }
0x7d: {  	s3 =	sld [smem:$0x7E5];
	_ =	sdelay $0x1  }
0x7e: {  	s9 =	simm.s32 $0xE80  }
0x7f: {  	[tilespmem:s9], [sflag:$0x1] =	stream.linear.gather [hbm4b:s3+s4], $0x80, $0x38;
	[tilespmem:$0x19900] =	vst v63  }
0x80: {  	s3 =	sld [smem:$0x7E6];
	_ =	sdelay $0x1  }
0x81: {  	s9 =	simm.s32 $0xF00  }
0x82: {  	[tilespmem:s9], [sflag:$0x1] =	stream.linear.gather [hbm4b:s3+s4], $0x80, $0x38;
	[tilespmem:$0x19900] =	vst v63  }
0x83: {  	s3 =	sld [smem:$0x7E7];
	_ =	sdelay $0x1  }
0x84: {  	s9 =	simm.s32 $0xF80  }
0x85: {  	[tilespmem:s9], [sflag:$0x1] =	stream.linear.gather [hbm4b:s3+s4], $0x80, $0x38;
	[tilespmem:$0x19900] =	vst v63  }
0x86: {  	s3 =	sld [smem:$0x7E8];
	_ =	sdelay $0x1  }
0x87: {  	s9 =	simm.s32 $0x1000  }
0x88: {  	[tilespmem:s9], [sflag:$0x1] =	stream.linear.gather [hbm4b:s3+s4], $0x80, $0x38;
	[tilespmem:$0x19900] =	vst v63  }
0x89: {  	s3 =	sld [smem:$0x7E9];
	_ =	sdelay $0x1  }
0x8a: {  	s9 =	simm.s32 $0x1080  }
0x8b: {  	[tilespmem:s9], [sflag:$0x1] =	stream.linear.gather [hbm4b:s3+s4], $0x80, $0x38;
	[tilespmem:$0x19900] =	vst v63  }
0x8c: {  	s3 =	sld [smem:$0x7EA];
	_ =	sdelay $0x1  }
0x8d: {  	s9 =	simm.s32 $0x1100  }
0x8e: {  	[tilespmem:s9], [sflag:$0x1] =	stream.linear.gather [hbm4b:s3+s4], $0x80, $0x38;
	[tilespmem:$0x19900] =	vst v63  }
0x8f: {  	s3 =	sld [smem:$0x7EB];
	_ =	sdelay $0x1  }
0x90: {  	s9 =	simm.s32 $0x1180  }
0x91: {  	[tilespmem:s9], [sflag:$0x1] =	stream.linear.gather [hbm4b:s3+s4], $0x80, $0x38;
	[tilespmem:$0x19900] =	vst v63  }
0x92: {  	s3 =	sld [smem:$0x7EC];
	_ =	sdelay $0x1  }
0x93: {  	s9 =	simm.s32 $0x1200  }
0x94: {  	[tilespmem:s9], [sflag:$0x1] =	stream.linear.gather [hbm4b:s3+s4], $0x80, $0x38;
	[tilespmem:$0x19900] =	vst v63  }
0x95: {  	s3 =	sld [smem:$0x7ED];
	_ =	sdelay $0x1  }
0x96: {  	s9 =	simm.s32 $0x1280  }
0x97: {  	[tilespmem:s9], [sflag:$0x1] =	stream.linear.gather [hbm4b:s3+s4], $0x80, $0x38;
	[tilespmem:$0x19900] =	vst v63  }
0x98: {  	s3 =	sld [smem:$0x7EE];
	_ =	sdelay $0x1  }
0x99: {  	s9 =	simm.s32 $0x1300  }
0x9a: {  	[tilespmem:s9], [sflag:$0x1] =	stream.linear.gather [hbm4b:s3+s4], $0x80, $0x38;
	[tilespmem:$0x19900] =	vst v63  }
0x9b: {  	s3 =	sld [smem:$0x7EF];
	_ =	sdelay $0x1  }
0x9c: {  	s9 =	simm.s32 $0x1380  }
0x9d: {  	[tilespmem:s9], [sflag:$0x1] =	stream.linear.gather [hbm4b:s3+s4], $0x80, $0x38;
	[tilespmem:$0x19900] =	vst v63  }
0x9e: {  	s3 =	sld [smem:$0x7F0];
	_ =	sdelay $0x1  }
0x9f: {  	s9 =	simm.s32 $0x1400  }
0xa0: {  	[tilespmem:s9], [sflag:$0x1] =	stream.linear.gather [hbm4b:s3+s4], $0x80, $0x38;
	[tilespmem:$0x19900] =	vst v63  }
0xa1: {  	s3 =	sld [smem:$0x7F1];
	_ =	sdelay $0x1  }
0xa2: {  	s9 =	simm.s32 $0x1480  }
0xa3: {  	[tilespmem:s9], [sflag:$0x1] =	stream.linear.gather [hbm4b:s3+s4], $0x80, $0x38;
	[tilespmem:$0x19900] =	vst v63  }
0xa4: {  	s3 =	sld [smem:$0x7F2];
	_ =	sdelay $0x1  }
0xa5: {  	s9 =	simm.s32 $0x1500  }
0xa6: {  	[tilespmem:s9], [sflag:$0x1] =	stream.linear.gather [hbm4b:s3+s4], $0x80, $0x38;
	[tilespmem:$0x19900] =	vst v63  }
0xa7: {  	s3 =	sld [smem:$0x7F3];
	_ =	sdelay $0x1  }
0xa8: {  	s9 =	simm.s32 $0x1580  }
0xa9: {  	[tilespmem:s9], [sflag:$0x1] =	stream.linear.gather [hbm4b:s3+s4], $0x80, $0x38;
	[tilespmem:$0x19900] =	vst v63  }
0xaa: {  	s3 =	sld [smem:$0x7F4];
	_ =	sdelay $0x1  }
0xab: {  	s9 =	simm.s32 $0x1600  }
0xac: {  	[tilespmem:s9], [sflag:$0x1] =	stream.linear.gather [hbm4b:s3+s4], $0x80, $0x38;
	[tilespmem:$0x19900] =	vst v63  }
0xad: {  	s3 =	sld [smem:$0x7F5];
	_ =	sdelay $0x1  }
0xae: {  	s9 =	simm.s32 $0x1680  }
0xaf: {  	[tilespmem:s9], [sflag:$0x1] =	stream.linear.gather [hbm4b:s3+s4], $0x80, $0x38;
	[tilespmem:$0x19900] =	vst v63  }
0xb0: {  	s3 =	sld [smem:$0x7F6];
	_ =	sdelay $0x1  }
0xb1: {  	s9 =	simm.s32 $0x1700  }
0xb2: {  	[tilespmem:s9], [sflag:$0x1] =	stream.linear.gather [hbm4b:s3+s4], $0x80, $0x38;
	[tilespmem:$0x19900] =	vst v63  }
0xb3: {  	s3 =	sld [smem:$0x7F7];
	_ =	sdelay $0x1  }
0xb4: {  	s9 =	simm.s32 $0x1780  }
0xb5: {  	[tilespmem:s9], [sflag:$0x1] =	stream.linear.gather [hbm4b:s3+s4], $0x80, $0x38;
	[tilespmem:$0x19900] =	vst v63  }
0xb6: {  	s3 =	sld [smem:$0x7F8];
	_ =	sdelay $0x1  }
0xb7: {  	s9 =	simm.s32 $0x1800  }
0xb8: {  	[tilespmem:s9], [sflag:$0x1] =	stream.linear.gather [hbm4b:s3+s4], $0x80, $0x38;
	[tilespmem:$0x19900] =	vst v63  }
0xb9: {  	s3 =	sld [smem:$0x7F9];
	_ =	sdelay $0x1  }
0xba: {  	s9 =	simm.s32 $0x1880  }
0xbb: {  	[tilespmem:s9], [sflag:$0x1] =	stream.linear.gather [hbm4b:s3+s4], $0x80, $0x38;
	[tilespmem:$0x19900] =	vst v63  }
0xbc: {  	_ =	swait.ge [sflag:s7], $0x80  }
0xbd: {  	[sflag:s7] =	ssyncset.done $0x0  }
0xbe: {  	[sflag:s7] =	ssyncadd.s32 $0xFFFFFF80  }
0xbf: {  	v3 =	vld [tilespmem:$0x0];
	_ =	sdelay $0x4  }
0xc0: {  	v4 =	vshrl.u32 v3, $0x3  }
0xc1: {  	v4 =	vmul.u32 $0x30, v4  }
0xc2: {  	v3 =	vand.u32 $0x7, v3  }
0xc3: {  	v3 =	vor.u32 v3, v4  }
0xc4: {  	v4 =	vperm.xlane v3, v0;
	_ =	sdelay $0x1  }
0xc5: {  	v4 =	vadd.s32 v1, v4;
	_ =	sdelay $0x3  }
0xc6: {  	v3 =	vperm.xlane v3, v2  }
0xc7: {  	[tilespmem:s20], [sflag:$0x2] =	stream.indirect_vreg.gather [hbm4b:s2+s4], $0x80, v4, vm0, $0xb8;
	[tilespmem:$0x19900] =	vst v63  }
0xc8: {  	v3 =	vadd.s32 v1, v3  }
0xc9: {  	[tilespmem:s10], [sflag:$0x2] =	stream.indirect_vreg.gather [hbm4b:s0+s4], $0x80, v4, vm0, $0xb8;
	[tilespmem:$0x19900] =	vst v63  }
0xca: {  	_ = 	snop  }
0xcb: {  	[tilespmem:s8], [sflag:$0x2] =	stream.indirect_vreg.gather [hbm4b:s1+s4], $0x80, v4, vm0, $0xb8;
	[tilespmem:$0x19900] =	vst v63  }
0xcc: {  	_ = 	snop  }
0xcd: {  	[tilespmem:s13], [sflag:$0x2] =	stream.indirect_vreg.gather [hbm4b:s2+s4], $0x80, v3, vm0, $0xb8;
	[tilespmem:$0x19900] =	vst v63  }
0xce: {  	_ = 	snop  }
0xcf: {  	[tilespmem:s14], [sflag:$0x2] =	stream.indirect_vreg.gather [hbm4b:s0+s4], $0x80, v3, vm0, $0xb8;
	[tilespmem:$0x19900] =	vst v63  }
0xd0: {  	_ = 	snop  }
0xd1: {  	[tilespmem:s15], [sflag:$0x2] =	stream.indirect_vreg.gather [hbm4b:s1+s4], $0x80, v3, vm0, $0xb8;
	[tilespmem:$0x19900] =	vst v63  }
0xd2: {  	v3 =	vld [tilespmem:$0x10];
	_ =	sdelay $0x4  }
0xd3: {  	v57 =	vshrl.u32 v3, $0x3  }
0xd4: {  	v4 =	vmul.u32 $0x30, v57  }
0xd5: {  	v3 =	vand.u32 $0x7, v3  }
0xd6: {  	v3 =	vor.u32 v3, v4  }
0xd7: {  	v4 =	vperm.xlane v3, v0;
	_ =	sdelay $0x1  }
0xd8: {  	v4 =	vadd.s32 v1, v4;
	_ =	sdelay $0x3  }
0xd9: {  	v3 =	vperm.xlane v3, v2  }
0xda: {  	[tilespmem:s26], [sflag:$0x2] =	stream.indirect_vreg.gather [hbm4b:s2+s4], $0x80, v4, vm0, $0xb8;
	[tilespmem:$0x19900] =	vst v63  }
0xdb: {  	v3 =	vadd.s32 v1, v3  }
0xdc: {  	[tilespmem:s11], [sflag:$0x2] =	stream.indirect_vreg.gather [hbm4b:s0+s4], $0x80, v4, vm0, $0xb8;
	[tilespmem:$0x19900] =	vst v63  }
0xdd: {  	_ = 	snop  }
0xde: {  	[tilespmem:s28], [sflag:$0x2] =	stream.indirect_vreg.gather [hbm4b:s1+s4], $0x80, v4, vm0, $0xb8;
	[tilespmem:$0x19900] =	vst v63  }
0xdf: {  	_ = 	snop  }
0xe0: {  	[tilespmem:s19], [sflag:$0x2] =	stream.indirect_vreg.gather [hbm4b:s2+s4], $0x80, v3, vm0, $0xb8;
	[tilespmem:$0x19900] =	vst v63  }
0xe1: {  	_ = 	snop  }
0xe2: {  	[tilespmem:s31], [sflag:$0x2] =	stream.indirect_vreg.gather [hbm4b:s0+s4], $0x80, v3, vm0, $0xb8;
	[tilespmem:$0x19900] =	vst v63  }
0xe3: {  	_ = 	snop  }
0xe4: {  	[tilespmem:s29], [sflag:$0x2] =	stream.indirect_vreg.gather [hbm4b:s1+s4], $0x80, v3, vm0, $0xb8;
	[tilespmem:$0x19900] =	vst v63  }
0xe5: {  	v3 =	vld [tilespmem:$0x20];
	_ =	sdelay $0x4  }
0xe6: {  	v58 =	vshrl.u32 v3, $0x3  }
0xe7: {  	v4 =	vmul.u32 $0x30, v58  }
0xe8: {  	v3 =	vand.u32 $0x7, v3  }
0xe9: {  	v3 =	vor.u32 v3, v4  }
0xea: {  	v4 =	vperm.xlane v3, v0;
	_ =	sdelay $0x1  }
0xeb: {  	v4 =	vadd.s32 v1, v4;
	_ =	sdelay $0x3  }
0xec: {  	v3 =	vperm.xlane v3, v2  }
0xed: {  	[tilespmem:s12], [sflag:$0x3] =	stream.indirect_vreg.gather [hbm4b:s2+s4], $0x80, v4, vm0, $0xb8;
	[tilespmem:$0x19900] =	vst v63  }
0xee: {  	s13 =	simm.s32 $0x8100;
	v3 =	vadd.s32 v1, v3  }
0xef: {  	[tilespmem:s13], [sflag:$0x3] =	stream.indirect_vreg.gather [hbm4b:s0+s4], $0x80, v4, vm0, $0xb8;
	[tilespmem:$0x19900] =	vst v63  }
0xf0: {  	s14 =	simm.s32 $0x8900  }
0xf1: {  	[tilespmem:s14], [sflag:$0x3] =	stream.indirect_vreg.gather [hbm4b:s1+s4], $0x80, v4, vm0, $0xb8;
	[tilespmem:$0x19900] =	vst v63  }
0xf2: {  	s15 =	simm.s32 $0x9100  }
0xf3: {  	[tilespmem:s15], [sflag:$0x3] =	stream.indirect_vreg.gather [hbm4b:s2+s4], $0x80, v3, vm0, $0xb8;
	[tilespmem:$0x19900] =	vst v63  }
0xf4: {  	s19 =	simm.s32 $0x9900  }
0xf5: {  	[tilespmem:s19], [sflag:$0x3] =	stream.indirect_vreg.gather [hbm4b:s0+s4], $0x80, v3, vm0, $0xb8;
	[tilespmem:$0x19900] =	vst v63  }
0xf6: {  	s20 =	simm.s32 $0xA100  }
0xf7: {  	[tilespmem:s20], [sflag:$0x3] =	stream.indirect_vreg.gather [hbm4b:s1+s4], $0x80, v3, vm0, $0xb8;
	[tilespmem:$0x19900] =	vst v63  }
0xf8: {  	v3 =	vld [tilespmem:$0x30];
	_ =	sdelay $0x4  }
0xf9: {  	v59 =	vshrl.u32 v3, $0x3  }
0xfa: {  	v4 =	vmul.u32 $0x30, v59  }
0xfb: {  	v3 =	vand.u32 $0x7, v3  }
0xfc: {  	v3 =	vor.u32 v3, v4  }
0xfd: {  	v4 =	vperm.xlane v3, v0;
	_ =	sdelay $0x1  }
0xfe: {  	v4 =	vadd.s32 v1, v4;
	_ =	sdelay $0x3  }
0xff: {  	s26 =	simm.s32 $0xA900;
	v3 =	vperm.xlane v3, v2  }
0x100: {  	[tilespmem:s26], [sflag:$0x3] =	stream.indirect_vreg.gather [hbm4b:s2+s4], $0x80, v4, vm0, $0xb8;
	[tilespmem:$0x19900] =	vst v63  }
0x101: {  	s8 =	simm.s32 $0xB100;
	v3 =	vadd.s32 v1, v3  }
0x102: {  	[tilespmem:s8], [sflag:$0x3] =	stream.indirect_vreg.gather [hbm4b:s0+s4], $0x80, v4, vm0, $0xb8;
	[tilespmem:$0x19900] =	vst v63  }
0x103: {  	s9 =	simm.s32 $0xB900  }
0x104: {  	[tilespmem:s9], [sflag:$0x3] =	stream.indirect_vreg.gather [hbm4b:s1+s4], $0x80, v4, vm0, $0xb8;
	[tilespmem:$0x19900] =	vst v63  }
0x105: {  	s10 =	simm.s32 $0xC100  }
0x106: {  	[tilespmem:s10], [sflag:$0x3] =	stream.indirect_vreg.gather [hbm4b:s2+s4], $0x80, v3, vm0, $0xb8;
	[tilespmem:$0x19900] =	vst v63  }
0x107: {  	s11 =	simm.s32 $0xC900  }
0x108: {  	[tilespmem:s11], [sflag:$0x3] =	stream.indirect_vreg.gather [hbm4b:s0+s4], $0x80, v3, vm0, $0xb8;
	[tilespmem:$0x19900] =	vst v63  }
0x109: {  	_ = 	snop  }
0x10a: {  	[tilespmem:s30], [sflag:$0x3] =	stream.indirect_vreg.gather [hbm4b:s1+s4], $0x80, v3, vm0, $0xb8;
	[tilespmem:$0x19900] =	vst v63  }
0x10b: {  	v3 =	vld [tilespmem:$0x40];
	_ =	sdelay $0x4  }
0x10c: {  	v60 =	vshrl.u32 v3, $0x3  }
0x10d: {  	v4 =	vmul.u32 $0x30, v60  }
0x10e: {  	v3 =	vand.u32 $0x7, v3  }
0x10f: {  	v3 =	vor.u32 v3, v4  }
0x110: {  	v4 =	vperm.xlane v3, v0;
	_ =	sdelay $0x1  }
0x111: {  	v4 =	vadd.s32 v1, v4;
	_ =	sdelay $0x3  }
0x112: {  	v3 =	vperm.xlane v3, v2  }
0x113: {  	[tilespmem:s16], [sflag:$0x4] =	stream.indirect_vreg.gather [hbm4b:s2+s4], $0x80, v4, vm0, $0xb8;
	[tilespmem:$0x19900] =	vst v63  }
0x114: {  	s12 =	simm.s32 $0xE100;
	v3 =	vadd.s32 v1, v3  }
0x115: {  	[tilespmem:s12], [sflag:$0x4] =	stream.indirect_vreg.gather [hbm4b:s0+s4], $0x80, v4, vm0, $0xb8;
	[tilespmem:$0x19900] =	vst v63  }
0x116: {  	s13 =	simm.s32 $0xE900  }
0x117: {  	[tilespmem:s13], [sflag:$0x4] =	stream.indirect_vreg.gather [hbm4b:s1+s4], $0x80, v4, vm0, $0xb8;
	[tilespmem:$0x19900] =	vst v63  }
0x118: {  	s14 =	simm.s32 $0xF100  }
0x119: {  	[tilespmem:s14], [sflag:$0x4] =	stream.indirect_vreg.gather [hbm4b:s2+s4], $0x80, v3, vm0, $0xb8;
	[tilespmem:$0x19900] =	vst v63  }
0x11a: {  	s15 =	simm.s32 $0xF900  }
0x11b: {  	[tilespmem:s15], [sflag:$0x4] =	stream.indirect_vreg.gather [hbm4b:s0+s4], $0x80, v3, vm0, $0xb8;
	[tilespmem:$0x19900] =	vst v63  }
0x11c: {  	s16 =	simm.s32 $0x10100  }
0x11d: {  	[tilespmem:s16], [sflag:$0x4] =	stream.indirect_vreg.gather [hbm4b:s1+s4], $0x80, v3, vm0, $0xb8;
	[tilespmem:$0x19900] =	vst v63  }
0x11e: {  	v3 =	vld [tilespmem:$0x50];
	_ =	sdelay $0x4  }
0x11f: {  	v61 =	vshrl.u32 v3, $0x3  }
0x120: {  	v4 =	vmul.u32 $0x30, v61  }
0x121: {  	v3 =	vand.u32 $0x7, v3  }
0x122: {  	v3 =	vor.u32 v3, v4  }
0x123: {  	v4 =	vperm.xlane v3, v0;
	_ =	sdelay $0x1  }
0x124: {  	v4 =	vadd.s32 v1, v4;
	_ =	sdelay $0x3  }
0x125: {  	s19 =	simm.s32 $0x10900;
	v3 =	vperm.xlane v3, v2  }
0x126: {  	[tilespmem:s19], [sflag:$0x4] =	stream.indirect_vreg.gather [hbm4b:s2+s4], $0x80, v4, vm0, $0xb8;
	[tilespmem:$0x19900] =	vst v63  }
0x127: {  	s20 =	simm.s32 $0x11100;
	v3 =	vadd.s32 v1, v3  }
0x128: {  	[tilespmem:s20], [sflag:$0x4] =	stream.indirect_vreg.gather [hbm4b:s0+s4], $0x80, v4, vm0, $0xb8;
	[tilespmem:$0x19900] =	vst v63  }
0x129: {  	s26 =	simm.s32 $0x11900  }
0x12a: {  	[tilespmem:s26], [sflag:$0x4] =	stream.indirect_vreg.gather [hbm4b:s1+s4], $0x80, v4, vm0, $0xb8;
	[tilespmem:$0x19900] =	vst v63  }
0x12b: {  	s8 =	simm.s32 $0x12100  }
0x12c: {  	[tilespmem:s8], [sflag:$0x4] =	stream.indirect_vreg.gather [hbm4b:s2+s4], $0x80, v3, vm0, $0xb8;
	[tilespmem:$0x19900] =	vst v63  }
0x12d: {  	s9 =	simm.s32 $0x12900  }
0x12e: {  	[tilespmem:s9], [sflag:$0x4] =	stream.indirect_vreg.gather [hbm4b:s0+s4], $0x80, v3, vm0, $0xb8;
	[tilespmem:$0x19900] =	vst v63  }
0x12f: {  	s10 =	simm.s32 $0x13100  }
0x130: {  	[tilespmem:s10], [sflag:$0x4] =	stream.indirect_vreg.gather [hbm4b:s1+s4], $0x80, v3, vm0, $0xb8;
	[tilespmem:$0x19900] =	vst v63  }
0x131: {  	v3 =	vld [tilespmem:$0x60];
	_ =	sdelay $0x4  }
0x132: {  	v62 =	vshrl.u32 v3, $0x3  }
0x133: {  	v4 =	vmul.u32 $0x30, v62  }
0x134: {  	v3 =	vand.u32 $0x7, v3  }
0x135: {  	v3 =	vor.u32 v3, v4  }
0x136: {  	v4 =	vperm.xlane v3, v0;
	_ =	sdelay $0x1  }
0x137: {  	v4 =	vadd.s32 v1, v4;
	_ =	sdelay $0x3  }
0x138: {  	v3 =	vperm.xlane v3, v2  }
0x139: {  	[tilespmem:s17], [sflag:$0x5] =	stream.indirect_vreg.gather [hbm4b:s2+s4], $0x80, v4, vm0, $0xb8;
	[tilespmem:$0x19900] =	vst v63  }
0x13a: {  	s11 =	simm.s32 $0x14100;
	v3 =	vadd.s32 v1, v3  }
0x13b: {  	[tilespmem:s11], [sflag:$0x5] =	stream.indirect_vreg.gather [hbm4b:s0+s4], $0x80, v4, vm0, $0xb8;
	[tilespmem:$0x19900] =	vst v63  }
0x13c: {  	s12 =	simm.s32 $0x14900  }
0x13d: {  	[tilespmem:s12], [sflag:$0x5] =	stream.indirect_vreg.gather [hbm4b:s1+s4], $0x80, v4, vm0, $0xb8;
	[tilespmem:$0x19900] =	vst v63  }
0x13e: {  	s13 =	simm.s32 $0x15100  }
0x13f: {  	[tilespmem:s13], [sflag:$0x5] =	stream.indirect_vreg.gather [hbm4b:s2+s4], $0x80, v3, vm0, $0xb8;
	[tilespmem:$0x19900] =	vst v63  }
0x140: {  	s14 =	simm.s32 $0x15900  }
0x141: {  	[tilespmem:s14], [sflag:$0x5] =	stream.indirect_vreg.gather [hbm4b:s0+s4], $0x80, v3, vm0, $0xb8;
	[tilespmem:$0x19900] =	vst v63  }
0x142: {  	s15 =	simm.s32 $0x16100  }
0x143: {  	[tilespmem:s15], [sflag:$0x5] =	stream.indirect_vreg.gather [hbm4b:s1+s4], $0x80, v3, vm0, $0xb8;
	[tilespmem:$0x19900] =	vst v63  }
0x144: {  	v3 =	vld [tilespmem:$0x70];
	_ =	sdelay $0x4  }
0x145: {  	v63 =	vshrl.u32 v3, $0x3  }
0x146: {  	v4 =	vmul.u32 $0x30, v63  }
0x147: {  	v3 =	vand.u32 $0x7, v3  }
0x148: {  	v3 =	vor.u32 v3, v4  }
0x149: {  	v4 =	vperm.xlane v3, v0;
	_ =	sdelay $0x1  }
0x14a: {  	v4 =	vadd.s32 v1, v4;
	_ =	sdelay $0x3  }
0x14b: {  	s16 =	simm.s32 $0x16900;
	v3 =	vperm.xlane v3, v2  }
0x14c: {  	[tilespmem:s16], [sflag:$0x5] =	stream.indirect_vreg.gather [hbm4b:s2+s4], $0x80, v4, vm0, $0xb8;
	[tilespmem:$0x19900] =	vst v63  }
0x14d: {  	s17 =	simm.s32 $0x17100;
	v3 =	vadd.s32 v1, v3  }
0x14e: {  	[tilespmem:s17], [sflag:$0x5] =	stream.indirect_vreg.gather [hbm4b:s0+s4], $0x80, v4, vm0, $0xb8;
	[tilespmem:$0x19900] =	vst v63  }
0x14f: {  	s19 =	simm.s32 $0x17900  }
0x150: {  	[tilespmem:s19], [sflag:$0x5] =	stream.indirect_vreg.gather [hbm4b:s1+s4], $0x80, v4, vm0, $0xb8;
	[tilespmem:$0x19900] =	vst v63  }
0x151: {  	s20 =	simm.s32 $0x18100  }
0x152: {  	[tilespmem:s20], [sflag:$0x5] =	stream.indirect_vreg.gather [hbm4b:s2+s4], $0x80, v3, vm0, $0xb8;
	[tilespmem:$0x19900] =	vst v63  }
0x153: {  	_ = 	snop  }
0x154: {  	[tilespmem:s18], [sflag:$0x5] =	stream.indirect_vreg.gather [hbm4b:s0+s4], $0x80, v3, vm0, $0xb8;
	[tilespmem:$0x19900] =	vst v63  }
0x155: {  	s26 =	simm.s32 $0x19100  }
0x156: {  	[tilespmem:s26], [sflag:$0x5] =	stream.indirect_vreg.gather [hbm4b:s1+s4], $0x80, v3, vm0, $0xb8;
	[tilespmem:$0x19900] =	vst v63  }
0x157: {  	_ =	swait.ge [sflag:s7], $0x80  }
0x158: {  	[sflag:s7] =	ssyncset.done $0x0  }
0x159: {  	[sflag:s7] =	ssyncadd.s32 $0xFFFFFF80  }
0x15a: {  	_ =	swait.ge [sflag:s7], $0x80  }
0x15b: {  	[sflag:s7] =	ssyncset.done $0x0  }
0x15c: {  	[sflag:s7] =	ssyncadd.s32 $0xFFFFFF80  }
0x15d: {  	_ =	swait.ge [sflag:s7], $0x80  }
0x15e: {  	[sflag:s7] =	ssyncset.done $0x0  }
0x15f: {  	[sflag:s7] =	ssyncadd.s32 $0xFFFFFF80  }
0x160: {  	_ =	swait.ge [sflag:s7], $0x80  }
0x161: {  	[sflag:s7] =	ssyncset.done $0x0  }
0x162: {  	[sflag:s7] =	ssyncadd.s32 $0xFFFFFF80  }
0x163: {  	_ =	swait.ge [sflag:s7], $0x80  }
0x164: {  	[sflag:s7] =	ssyncset.done $0x0  }
0x165: {  	[sflag:s7] =	ssyncadd.s32 $0xFFFFFF80  }
0x166: {  	_ =	swait.ge [sflag:s7], $0x80  }
0x167: {  	[sflag:s7] =	ssyncset.done $0x0  }
0x168: {  	[sflag:s7] =	ssyncadd.s32 $0xFFFFFF80  }
0x169: {  	_ =	swait.ge [sflag:s7], $0x80  }
0x16a: {  	[sflag:s7] =	ssyncset.done $0x0  }
0x16b: {  	[sflag:s7] =	ssyncadd.s32 $0xFFFFFF80  }
0x16c: {  	_ =	swait.ge [sflag:s7], $0x80  }
0x16d: {  	[sflag:s7] =	ssyncset.done $0x0  }
0x16e: {  	[sflag:s7] =	ssyncadd.s32 $0xFFFFFF80  }
0x16f: {  	_ =	swait.ge [sflag:s7], $0x80  }
0x170: {  	[sflag:s7] =	ssyncset.done $0x0  }
0x171: {  	[sflag:s7] =	ssyncadd.s32 $0xFFFFFF80  }
0x172: {  	_ =	swait.ge [sflag:s7], $0x80  }
0x173: {  	[sflag:s7] =	ssyncset.done $0x0  }
0x174: {  	[sflag:s7] =	ssyncadd.s32 $0xFFFFFF80  }
0x175: {  	_ =	swait.ge [sflag:s7], $0x80  }
0x176: {  	[sflag:s7] =	ssyncset.done $0x0  }
0x177: {  	[sflag:s7] =	ssyncadd.s32 $0xFFFFFF80  }
0x178: {  	_ =	swait.ge [sflag:s7], $0x80  }
0x179: {  	[sflag:s7] =	ssyncset.done $0x0  }
0x17a: {  	[sflag:s7] =	ssyncadd.s32 $0xFFFFFF80  }
0x17b: {  	_ =	swait.ge [sflag:s7], $0x80  }
0x17c: {  	[sflag:s7] =	ssyncset.done $0x0  }
0x17d: {  	[sflag:s7] =	ssyncadd.s32 $0xFFFFFF80  }
0x17e: {  	_ =	swait.ge [sflag:s7], $0x80  }
0x17f: {  	[sflag:s7] =	ssyncset.done $0x0  }
0x180: {  	[sflag:s7] =	ssyncadd.s32 $0xFFFFFF80  }
0x181: {  	_ =	swait.ge [sflag:s7], $0x80  }
0x182: {  	[sflag:s7] =	ssyncset.done $0x0  }
0x183: {  	[sflag:s7] =	ssyncadd.s32 $0xFFFFFF80  }
0x184: {  	_ =	swait.ge [sflag:s7], $0x80  }
0x185: {  	[sflag:s7] =	ssyncset.done $0x0  }
0x186: {  	[sflag:s7] =	ssyncadd.s32 $0xFFFFFF80  }
0x187: {  	_ =	swait.ge [sflag:s7], $0x80  }
0x188: {  	[sflag:s7] =	ssyncset.done $0x0  }
0x189: {  	[sflag:s7] =	ssyncadd.s32 $0xFFFFFF80  }
0x18a: {  	_ =	swait.ge [sflag:s7], $0x80  }
0x18b: {  	[sflag:s7] =	ssyncset.done $0x0  }
0x18c: {  	[sflag:s7] =	ssyncadd.s32 $0xFFFFFF80  }
0x18d: {  	_ =	swait.ge [sflag:s7], $0x80  }
0x18e: {  	[sflag:s7] =	ssyncset.done $0x0  }
0x18f: {  	[sflag:s7] =	ssyncadd.s32 $0xFFFFFF80  }
0x190: {  	_ =	swait.ge [sflag:s7], $0x80  }
0x191: {  	[sflag:s7] =	ssyncset.done $0x0  }
0x192: {  	[sflag:s7] =	ssyncadd.s32 $0xFFFFFF80  }
0x193: {  	_ =	swait.ge [sflag:s7], $0x80  }
0x194: {  	[sflag:s7] =	ssyncset.done $0x0  }
0x195: {  	[sflag:s7] =	ssyncadd.s32 $0xFFFFFF80  }
0x196: {  	_ =	swait.ge [sflag:s7], $0x80  }
0x197: {  	[sflag:s7] =	ssyncset.done $0x0  }
0x198: {  	[sflag:s7] =	ssyncadd.s32 $0xFFFFFF80  }
0x199: {  	_ =	swait.ge [sflag:s7], $0x80  }
0x19a: {  	[sflag:s7] =	ssyncset.done $0x0  }
0x19b: {  	[sflag:s7] =	ssyncadd.s32 $0xFFFFFF80  }
0x19c: {  	_ =	swait.ge [sflag:s7], $0x80  }
0x19d: {  	[sflag:s7] =	ssyncset.done $0x0  }
0x19e: {  	[sflag:s7] =	ssyncadd.s32 $0xFFFFFF80  }
0x19f: {  	_ =	swait.ge [sflag:s7], $0x80  }
0x1a0: {  	[sflag:s7] =	ssyncset.done $0x0  }
0x1a1: {  	[sflag:s7] =	ssyncadd.s32 $0xFFFFFF80  }
0x1a2: {  	_ =	swait.ge [sflag:s7], $0x80  }
0x1a3: {  	[sflag:s7] =	ssyncset.done $0x0  }
0x1a4: {  	[sflag:s7] =	ssyncadd.s32 $0xFFFFFF80  }
0x1a5: {  	_ =	swait.ge [sflag:s7], $0x80  }
0x1a6: {  	[sflag:s7] =	ssyncset.done $0x0  }
0x1a7: {  	[sflag:s7] =	ssyncadd.s32 $0xFFFFFF80  }
0x1a8: {  	_ =	swait.ge [sflag:s7], $0x80  }
0x1a9: {  	[sflag:s7] =	ssyncset.done $0x0  }
0x1aa: {  	[sflag:s7] =	ssyncadd.s32 $0xFFFFFF80  }
0x1ab: {  	_ =	swait.ge [sflag:s7], $0x80  }
0x1ac: {  	[sflag:s7] =	ssyncset.done $0x0  }
0x1ad: {  	[sflag:s7] =	ssyncadd.s32 $0xFFFFFF80  }
0x1ae: {  	_ =	swait.ge [sflag:s7], $0x80  }
0x1af: {  	[sflag:s7] =	ssyncset.done $0x0  }
0x1b0: {  	[sflag:s7] =	ssyncadd.s32 $0xFFFFFF80  }
0x1b1: {  	_ =	swait.ge [sflag:s7], $0x80  }
0x1b2: {  	[sflag:s7] =	ssyncset.done $0x0  }
0x1b3: {  	[sflag:s7] =	ssyncadd.s32 $0xFFFFFF80  }
0x1b4: {  	_ =	swait.ge [sflag:s7], $0x80  }
0x1b5: {  	[sflag:s7] =	ssyncset.done $0x0  }
0x1b6: {  	[sflag:s7] =	ssyncadd.s32 $0xFFFFFF80  }
0x1b7: {  	_ =	swait.ge [sflag:s7], $0x80  }
0x1b8: {  	[sflag:s7] =	ssyncset.done $0x0  }
0x1b9: {  	[sflag:s7] =	ssyncadd.s32 $0xFFFFFF80  }
0x1ba: {  	_ =	swait.ge [sflag:s7], $0x80  }
0x1bb: {  	[sflag:s7] =	ssyncset.done $0x0  }
0x1bc: {  	[sflag:s7] =	ssyncadd.s32 $0xFFFFFF80  }
0x1bd: {  	_ =	swait.ge [sflag:s7], $0x80  }
0x1be: {  	[sflag:s7] =	ssyncset.done $0x0  }
0x1bf: {  	[sflag:s7] =	ssyncadd.s32 $0xFFFFFF80  }
0x1c0: {  	_ =	swait.ge [sflag:s7], $0x80  }
0x1c1: {  	[sflag:s7] =	ssyncset.done $0x0  }
0x1c2: {  	[sflag:s7] =	ssyncadd.s32 $0xFFFFFF80  }
0x1c3: {  	_ =	swait.ge [sflag:s7], $0x80  }
0x1c4: {  	[sflag:s7] =	ssyncset.done $0x0  }
0x1c5: {  	[sflag:s7] =	ssyncadd.s32 $0xFFFFFF80  }
0x1c6: {  	_ =	swait.ge [sflag:s7], $0x80  }
0x1c7: {  	[sflag:s7] =	ssyncset.done $0x0  }
0x1c8: {  	[sflag:s7] =	ssyncadd.s32 $0xFFFFFF80  }
0x1c9: {  	_ =	swait.ge [sflag:s7], $0x80  }
0x1ca: {  	[sflag:s7] =	ssyncset.done $0x0  }
0x1cb: {  	[sflag:s7] =	ssyncadd.s32 $0xFFFFFF80  }
0x1cc: {  	_ =	swait.ge [sflag:s7], $0x80  }
0x1cd: {  	[sflag:s7] =	ssyncset.done $0x0  }
0x1ce: {  	[sflag:s7] =	ssyncadd.s32 $0xFFFFFF80  }
0x1cf: {  	_ =	swait.ge [sflag:s7], $0x80  }
0x1d0: {  	[sflag:s7] =	ssyncset.done $0x0  }
0x1d1: {  	[sflag:s7] =	ssyncadd.s32 $0xFFFFFF80  }
0x1d2: {  	_ =	swait.ge [sflag:s7], $0x80  }
0x1d3: {  	[sflag:s7] =	ssyncset.done $0x0  }
0x1d4: {  	[sflag:s7] =	ssyncadd.s32 $0xFFFFFF80  }
0x1d5: {  	_ =	swait.ge [sflag:s7], $0x80  }
0x1d6: {  	[sflag:s7] =	ssyncset.done $0x0  }
0x1d7: {  	[sflag:s7] =	ssyncadd.s32 $0xFFFFFF80  }
0x1d8: {  	_ =	swait.ge [sflag:s7], $0x80  }
0x1d9: {  	[sflag:s7] =	ssyncset.done $0x0  }
0x1da: {  	[sflag:s7] =	ssyncadd.s32 $0xFFFFFF80  }
0x1db: {  	_ =	swait.ge [sflag:s7], $0x80  }
0x1dc: {  	[sflag:s7] =	ssyncset.done $0x0  }
0x1dd: {  	[sflag:s7] =	ssyncadd.s32 $0xFFFFFF80  }
0x1de: {  	_ =	swait.ge [sflag:s7], $0x80  }
0x1df: {  	[sflag:s7] =	ssyncset.done $0x0  }
0x1e0: {  	[sflag:s7] =	ssyncadd.s32 $0xFFFFFF80  }
0x1e1: {  	_ =	swait.ge [sflag:s7], $0x80  }
0x1e2: {  	s5 =	smov.u32 s22;
	s22 =	simm.s32 $0x6;
	[sflag:s7] =	ssyncset.done $0x0  }
0x1e3: {  	s28 =	smov.u32 s21;
	s21 =	simm.s32 $0x5;
	[sflag:s7] =	ssyncadd.s32 $0xFFFFFF80  }
0x1e4: {  	s31 =	simm.s32 $0x0;
	s29 =	smov.u32 s5;
	_ =	swait.ge [sflag:s7], $0x80  }
0x1e5: {  	s5 =	simm.s32 $0x6900;
	s8 =	simm.s32 $0x3;
	[sflag:s7] =	ssyncset.done $0x0  }
0x1e6: {  	s10 =	simm.s32 $0x6100;
	s13 =	simm.s32 $0x7100;
	[sflag:s7] =	ssyncadd.s32 $0xFFFFFF80  }
0x1e7: {  	s14 =	simm.s32 $0xD100;
	s15 =	simm.s32 $0x18900;
	_ =	swait.ge [sflag:s7], $0x80  }
0x1e8: {  	s19 =	simm.s32 $0x4;
	s18 =	simm.s32 $0x2;
	[sflag:s7] =	ssyncset.done $0x0  }
0x1e9: {  	s26 =	simm.s32 $0xF0;
	s30 =	sld [smem:$0x7FD];
	[sflag:s7] =	ssyncadd.s32 $0xFFFFFF80  }
.LBB2_2:
0x1ea: {  	_ =	swait.ge [sflag:s18], $0x6000  }
0x1eb: {  	s9 =	smov.u32 s6;
	s6 =	sadd.s32 s31, s6;
	[sflag:s18] =	ssyncset.done $0x0  }
0x1ec: {  	s11 =	simm.s32 $0x1900;
	s3 =	sadd.s32 s28, s6;
	[sflag:s18] =	ssyncadd.s32 $0xFFFFA000  }
0x1ed: {  	[hbm4b:s3+s4] =	stream.linear.scatter [tilespmem:s11], [sflag:$0x6], $0x6000, $0x38;
	[tilespmem:$0x19900] =	vst v63  }
0x1ee: {  	_ =	swait.ge [sflag:s8], $0x6000  }
0x1ef: {  	[sflag:s8] =	ssyncset.done $0x0  }
0x1f0: {  	s16 =	simm.s32 $0x7900;
	s20 =	sadd.s32 s6, s30;
	[sflag:s8] =	ssyncadd.s32 $0xFFFFA000  }
0x1f1: {  	[hbm4b:s20+s4] =	stream.linear.scatter [tilespmem:s16], [sflag:$0x7], $0x6000, $0x38;
	[tilespmem:$0x19900] =	vst v63  }
0x1f2: {  	_ =	swait.ge [sflag:s19], $0x6000  }
0x1f3: {  	[sflag:s19] =	ssyncset.done $0x0  }
0x1f4: {  	s17 =	simm.s32 $0xD900;
	s12 =	sadd.s32 s29, s6;
	[sflag:s19] =	ssyncadd.s32 $0xFFFFA000  }
0x1f5: {  	[hbm4b:s12+s4] =	stream.linear.scatter [tilespmem:s17], [sflag:$0x8], $0x6000, $0x38;
	[tilespmem:$0x19900] =	vst v63  }
0x1f6: {  	_ =	swait.ge [sflag:s21], $0x6000  }
0x1f7: {  	s20 =	sld [smem:$0x7FC]  }
0x1f8: {  	[sflag:s21] =	ssyncset.done $0x0  }
0x1f9: {  	[sflag:s21] =	ssyncadd.s32 $0xFFFFA000  }
0x1fa: {  	s3 =	sadd.s32 s20, s6;
	s6 =	smov.u32 s9;
	s9 =	simm.s32 $0x13900  }
0x1fb: {  	[hbm4b:s3+s4] =	stream.linear.scatter [tilespmem:s9], [sflag:$0x9], $0x6000, $0x38;
	[tilespmem:$0x19900] =	vst v63  }
0x1fc: {  	_ =	swait.ge [sflag:s22], $0x6000  }
0x1fd: {  	[sflag:s22] =	ssyncset.done $0x0  }
0x1fe: {  	[sflag:s22] =	ssyncadd.s32 $0xFFFFA000  }
0x1ff: {  	v3 =	vld [tilespmem:s26+$0xFFFFFF90];
	_ =	sdelay $0x4  }
0x200: {  	v4 =	vshrl.u32 v3, $0x3  }
0x201: {  	v4 =	vmul.u32 $0x30, v4  }
0x202: {  	v3 =	vand.u32 $0x7, v3  }
0x203: {  	v3 =	vor.u32 v3, v4  }
0x204: {  	v4 =	vperm.xlane v3, v0;
	_ =	sdelay $0x1  }
0x205: {  	v4 =	vadd.s32 v1, v4;
	_ =	sdelay $0x3  }
0x206: {  	v3 =	vperm.xlane v3, v2  }
0x207: {  	[tilespmem:s11], [sflag:$0x2] =	stream.indirect_vreg.gather [hbm4b:s2+s4], $0x80, v4, vm0, $0xb8;
	[tilespmem:$0x19900] =	vst v63  }
0x208: {  	s12 =	simm.s32 $0x2100;
	v3 =	vadd.s32 v1, v3  }
0x209: {  	[tilespmem:s12], [sflag:$0x2] =	stream.indirect_vreg.gather [hbm4b:s0+s4], $0x80, v4, vm0, $0xb8;
	[tilespmem:$0x19900] =	vst v63  }
0x20a: {  	s12 =	simm.s32 $0x2900  }
0x20b: {  	[tilespmem:s12], [sflag:$0x2] =	stream.indirect_vreg.gather [hbm4b:s1+s4], $0x80, v4, vm0, $0xb8;
	[tilespmem:$0x19900] =	vst v63  }
0x20c: {  	s12 =	simm.s32 $0x3100  }
0x20d: {  	[tilespmem:s12], [sflag:$0x2] =	stream.indirect_vreg.gather [hbm4b:s2+s4], $0x80, v3, vm0, $0xb8;
	[tilespmem:$0x19900] =	vst v63  }
0x20e: {  	s12 =	simm.s32 $0x3900  }
0x20f: {  	[tilespmem:s12], [sflag:$0x2] =	stream.indirect_vreg.gather [hbm4b:s0+s4], $0x80, v3, vm0, $0xb8;
	[tilespmem:$0x19900] =	vst v63  }
0x210: {  	s12 =	simm.s32 $0x4100  }
0x211: {  	[tilespmem:s12], [sflag:$0x2] =	stream.indirect_vreg.gather [hbm4b:s1+s4], $0x80, v3, vm0, $0xb8;
	[tilespmem:$0x19900] =	vst v63  }
0x212: {  	v3 =	vld [tilespmem:s26+$0xFFFFFFA0];
	_ =	sdelay $0x4  }
0x213: {  	v57 =	vshrl.u32 v3, $0x3  }
0x214: {  	v4 =	vmul.u32 $0x30, v57  }
0x215: {  	v3 =	vand.u32 $0x7, v3  }
0x216: {  	v3 =	vor.u32 v3, v4  }
0x217: {  	v4 =	vperm.xlane v3, v0;
	_ =	sdelay $0x1  }
0x218: {  	v4 =	vadd.s32 v1, v4;
	_ =	sdelay $0x3  }
0x219: {  	s12 =	simm.s32 $0x4900;
	v3 =	vperm.xlane v3, v2  }
0x21a: {  	[tilespmem:s12], [sflag:$0x2] =	stream.indirect_vreg.gather [hbm4b:s2+s4], $0x80, v4, vm0, $0xb8;
	[tilespmem:$0x19900] =	vst v63  }
0x21b: {  	s11 =	simm.s32 $0x5100;
	v3 =	vadd.s32 v1, v3  }
0x21c: {  	[tilespmem:s11], [sflag:$0x2] =	stream.indirect_vreg.gather [hbm4b:s0+s4], $0x80, v4, vm0, $0xb8;
	[tilespmem:$0x19900] =	vst v63  }
0x21d: {  	s12 =	simm.s32 $0x5900  }
0x21e: {  	[tilespmem:s12], [sflag:$0x2] =	stream.indirect_vreg.gather [hbm4b:s1+s4], $0x80, v4, vm0, $0xb8;
	[tilespmem:$0x19900] =	vst v63  }
0x21f: {  	_ = 	snop  }
0x220: {  	[tilespmem:s10], [sflag:$0x2] =	stream.indirect_vreg.gather [hbm4b:s2+s4], $0x80, v3, vm0, $0xb8;
	[tilespmem:$0x19900] =	vst v63  }
0x221: {  	_ = 	snop  }
0x222: {  	[tilespmem:s5], [sflag:$0x2] =	stream.indirect_vreg.gather [hbm4b:s0+s4], $0x80, v3, vm0, $0xb8;
	[tilespmem:$0x19900] =	vst v63  }
0x223: {  	_ = 	snop  }
0x224: {  	[tilespmem:s13], [sflag:$0x2] =	stream.indirect_vreg.gather [hbm4b:s1+s4], $0x80, v3, vm0, $0xb8;
	[tilespmem:$0x19900] =	vst v63  }
0x225: {  	_ =	swait.ge [sflag:s24], $0x6000  }
0x226: {  	[sflag:s24] =	ssyncset.done $0x0  }
0x227: {  	[sflag:s24] =	ssyncadd.s32 $0xFFFFA000  }
0x228: {  	v3 =	vld [tilespmem:s26+$0xFFFFFFB0];
	_ =	sdelay $0x4  }
0x229: {  	v58 =	vshrl.u32 v3, $0x3  }
0x22a: {  	v4 =	vmul.u32 $0x30, v58  }
0x22b: {  	v3 =	vand.u32 $0x7, v3  }
0x22c: {  	v3 =	vor.u32 v3, v4  }
0x22d: {  	v4 =	vperm.xlane v3, v0;
	_ =	sdelay $0x1  }
0x22e: {  	v4 =	vadd.s32 v1, v4;
	_ =	sdelay $0x3  }
0x22f: {  	v3 =	vperm.xlane v3, v2  }
0x230: {  	[tilespmem:s16], [sflag:$0x3] =	stream.indirect_vreg.gather [hbm4b:s2+s4], $0x80, v4, vm0, $0xb8;
	[tilespmem:$0x19900] =	vst v63  }
0x231: {  	v3 =	vadd.s32 v1, v3;
	s16 =	simm.s32 $0x8100  }
0x232: {  	[tilespmem:s16], [sflag:$0x3] =	stream.indirect_vreg.gather [hbm4b:s0+s4], $0x80, v4, vm0, $0xb8;
	[tilespmem:$0x19900] =	vst v63  }
0x233: {  	s16 =	simm.s32 $0x8900  }
0x234: {  	[tilespmem:s16], [sflag:$0x3] =	stream.indirect_vreg.gather [hbm4b:s1+s4], $0x80, v4, vm0, $0xb8;
	[tilespmem:$0x19900] =	vst v63  }
0x235: {  	s16 =	simm.s32 $0x9100  }
0x236: {  	[tilespmem:s16], [sflag:$0x3] =	stream.indirect_vreg.gather [hbm4b:s2+s4], $0x80, v3, vm0, $0xb8;
	[tilespmem:$0x19900] =	vst v63  }
0x237: {  	s16 =	simm.s32 $0x9900  }
0x238: {  	[tilespmem:s16], [sflag:$0x3] =	stream.indirect_vreg.gather [hbm4b:s0+s4], $0x80, v3, vm0, $0xb8;
	[tilespmem:$0x19900] =	vst v63  }
0x239: {  	s16 =	simm.s32 $0xA100  }
0x23a: {  	[tilespmem:s16], [sflag:$0x3] =	stream.indirect_vreg.gather [hbm4b:s1+s4], $0x80, v3, vm0, $0xb8;
	[tilespmem:$0x19900] =	vst v63  }
0x23b: {  	v3 =	vld [tilespmem:s26+$0xFFFFFFC0];
	_ =	sdelay $0x4  }
0x23c: {  	v59 =	vshrl.u32 v3, $0x3  }
0x23d: {  	v4 =	vmul.u32 $0x30, v59  }
0x23e: {  	v3 =	vand.u32 $0x7, v3  }
0x23f: {  	v3 =	vor.u32 v3, v4  }
0x240: {  	v4 =	vperm.xlane v3, v0;
	_ =	sdelay $0x1  }
0x241: {  	v4 =	vadd.s32 v1, v4;
	_ =	sdelay $0x3  }
0x242: {  	s16 =	simm.s32 $0xA900;
	v3 =	vperm.xlane v3, v2  }
0x243: {  	[tilespmem:s16], [sflag:$0x3] =	stream.indirect_vreg.gather [hbm4b:s2+s4], $0x80, v4, vm0, $0xb8;
	[tilespmem:$0x19900] =	vst v63  }
0x244: {  	v3 =	vadd.s32 v1, v3;
	s16 =	simm.s32 $0xB100  }
0x245: {  	[tilespmem:s16], [sflag:$0x3] =	stream.indirect_vreg.gather [hbm4b:s0+s4], $0x80, v4, vm0, $0xb8;
	[tilespmem:$0x19900] =	vst v63  }
0x246: {  	s16 =	simm.s32 $0xB900  }
0x247: {  	[tilespmem:s16], [sflag:$0x3] =	stream.indirect_vreg.gather [hbm4b:s1+s4], $0x80, v4, vm0, $0xb8;
	[tilespmem:$0x19900] =	vst v63  }
0x248: {  	s16 =	simm.s32 $0xC100  }
0x249: {  	[tilespmem:s16], [sflag:$0x3] =	stream.indirect_vreg.gather [hbm4b:s2+s4], $0x80, v3, vm0, $0xb8;
	[tilespmem:$0x19900] =	vst v63  }
0x24a: {  	s16 =	simm.s32 $0xC900  }
0x24b: {  	[tilespmem:s16], [sflag:$0x3] =	stream.indirect_vreg.gather [hbm4b:s0+s4], $0x80, v3, vm0, $0xb8;
	[tilespmem:$0x19900] =	vst v63  }
0x24c: {  	_ = 	snop  }
0x24d: {  	[tilespmem:s14], [sflag:$0x3] =	stream.indirect_vreg.gather [hbm4b:s1+s4], $0x80, v3, vm0, $0xb8;
	[tilespmem:$0x19900] =	vst v63  }
0x24e: {  	_ =	swait.ge [sflag:s23], $0x6000  }
0x24f: {  	[sflag:s23] =	ssyncset.done $0x0  }
0x250: {  	[sflag:s23] =	ssyncadd.s32 $0xFFFFA000  }
0x251: {  	v3 =	vld [tilespmem:s26+$0xFFFFFFD0];
	_ =	sdelay $0x4  }
0x252: {  	v60 =	vshrl.u32 v3, $0x3  }
0x253: {  	v4 =	vmul.u32 $0x30, v60  }
0x254: {  	v3 =	vand.u32 $0x7, v3  }
0x255: {  	v3 =	vor.u32 v3, v4  }
0x256: {  	v4 =	vperm.xlane v3, v0;
	_ =	sdelay $0x1  }
0x257: {  	v4 =	vadd.s32 v1, v4;
	_ =	sdelay $0x3  }
0x258: {  	v3 =	vperm.xlane v3, v2  }
0x259: {  	[tilespmem:s17], [sflag:$0x4] =	stream.indirect_vreg.gather [hbm4b:s2+s4], $0x80, v4, vm0, $0xb8;
	[tilespmem:$0x19900] =	vst v63  }
0x25a: {  	v3 =	vadd.s32 v1, v3;
	s17 =	simm.s32 $0xE100  }
0x25b: {  	[tilespmem:s17], [sflag:$0x4] =	stream.indirect_vreg.gather [hbm4b:s0+s4], $0x80, v4, vm0, $0xb8;
	[tilespmem:$0x19900] =	vst v63  }
0x25c: {  	s17 =	simm.s32 $0xE900  }
0x25d: {  	[tilespmem:s17], [sflag:$0x4] =	stream.indirect_vreg.gather [hbm4b:s1+s4], $0x80, v4, vm0, $0xb8;
	[tilespmem:$0x19900] =	vst v63  }
0x25e: {  	s17 =	simm.s32 $0xF100  }
0x25f: {  	[tilespmem:s17], [sflag:$0x4] =	stream.indirect_vreg.gather [hbm4b:s2+s4], $0x80, v3, vm0, $0xb8;
	[tilespmem:$0x19900] =	vst v63  }
0x260: {  	s17 =	simm.s32 $0xF900  }
0x261: {  	[tilespmem:s17], [sflag:$0x4] =	stream.indirect_vreg.gather [hbm4b:s0+s4], $0x80, v3, vm0, $0xb8;
	[tilespmem:$0x19900] =	vst v63  }
0x262: {  	s17 =	simm.s32 $0x10100  }
0x263: {  	[tilespmem:s17], [sflag:$0x4] =	stream.indirect_vreg.gather [hbm4b:s1+s4], $0x80, v3, vm0, $0xb8;
	[tilespmem:$0x19900] =	vst v63  }
0x264: {  	v3 =	vld [tilespmem:s26+$0xFFFFFFE0];
	_ =	sdelay $0x4  }
0x265: {  	v61 =	vshrl.u32 v3, $0x3  }
0x266: {  	v4 =	vmul.u32 $0x30, v61  }
0x267: {  	v3 =	vand.u32 $0x7, v3  }
0x268: {  	v3 =	vor.u32 v3, v4  }
0x269: {  	v4 =	vperm.xlane v3, v0;
	_ =	sdelay $0x1  }
0x26a: {  	v4 =	vadd.s32 v1, v4;
	_ =	sdelay $0x3  }
0x26b: {  	s17 =	simm.s32 $0x10900;
	v3 =	vperm.xlane v3, v2  }
0x26c: {  	[tilespmem:s17], [sflag:$0x4] =	stream.indirect_vreg.gather [hbm4b:s2+s4], $0x80, v4, vm0, $0xb8;
	[tilespmem:$0x19900] =	vst v63  }
0x26d: {  	v3 =	vadd.s32 v1, v3;
	s17 =	simm.s32 $0x11100  }
0x26e: {  	[tilespmem:s17], [sflag:$0x4] =	stream.indirect_vreg.gather [hbm4b:s0+s4], $0x80, v4, vm0, $0xb8;
	[tilespmem:$0x19900] =	vst v63  }
0x26f: {  	s17 =	simm.s32 $0x11900  }
0x270: {  	[tilespmem:s17], [sflag:$0x4] =	stream.indirect_vreg.gather [hbm4b:s1+s4], $0x80, v4, vm0, $0xb8;
	[tilespmem:$0x19900] =	vst v63  }
0x271: {  	s17 =	simm.s32 $0x12100  }
0x272: {  	[tilespmem:s17], [sflag:$0x4] =	stream.indirect_vreg.gather [hbm4b:s2+s4], $0x80, v3, vm0, $0xb8;
	[tilespmem:$0x19900] =	vst v63  }
0x273: {  	s17 =	simm.s32 $0x12900  }
0x274: {  	[tilespmem:s17], [sflag:$0x4] =	stream.indirect_vreg.gather [hbm4b:s0+s4], $0x80, v3, vm0, $0xb8;
	[tilespmem:$0x19900] =	vst v63  }
0x275: {  	s17 =	simm.s32 $0x13100  }
0x276: {  	[tilespmem:s17], [sflag:$0x4] =	stream.indirect_vreg.gather [hbm4b:s1+s4], $0x80, v3, vm0, $0xb8;
	[tilespmem:$0x19900] =	vst v63  }
0x277: {  	_ =	swait.ge [sflag:s25], $0x6000  }
0x278: {  	[sflag:s25] =	ssyncset.done $0x0  }
0x279: {  	[sflag:s25] =	ssyncadd.s32 $0xFFFFA000  }
0x27a: {  	v3 =	vld [tilespmem:s26+$0xFFFFFFF0];
	_ =	sdelay $0x4  }
0x27b: {  	v62 =	vshrl.u32 v3, $0x3  }
0x27c: {  	v4 =	vmul.u32 $0x30, v62  }
0x27d: {  	v3 =	vand.u32 $0x7, v3  }
0x27e: {  	v3 =	vor.u32 v3, v4  }
0x27f: {  	v4 =	vperm.xlane v3, v0;
	_ =	sdelay $0x1  }
0x280: {  	v4 =	vadd.s32 v1, v4;
	_ =	sdelay $0x3  }
0x281: {  	v3 =	vperm.xlane v3, v2  }
0x282: {  	[tilespmem:s9], [sflag:$0x5] =	stream.indirect_vreg.gather [hbm4b:s2+s4], $0x80, v4, vm0, $0xb8;
	[tilespmem:$0x19900] =	vst v63  }
0x283: {  	v3 =	vadd.s32 v1, v3;
	s9 =	simm.s32 $0x14100  }
0x284: {  	[tilespmem:s9], [sflag:$0x5] =	stream.indirect_vreg.gather [hbm4b:s0+s4], $0x80, v4, vm0, $0xb8;
	[tilespmem:$0x19900] =	vst v63  }
0x285: {  	s9 =	simm.s32 $0x14900  }
0x286: {  	[tilespmem:s9], [sflag:$0x5] =	stream.indirect_vreg.gather [hbm4b:s1+s4], $0x80, v4, vm0, $0xb8;
	[tilespmem:$0x19900] =	vst v63  }
0x287: {  	s9 =	simm.s32 $0x15100  }
0x288: {  	[tilespmem:s9], [sflag:$0x5] =	stream.indirect_vreg.gather [hbm4b:s2+s4], $0x80, v3, vm0, $0xb8;
	[tilespmem:$0x19900] =	vst v63  }
0x289: {  	s9 =	simm.s32 $0x15900  }
0x28a: {  	[tilespmem:s9], [sflag:$0x5] =	stream.indirect_vreg.gather [hbm4b:s0+s4], $0x80, v3, vm0, $0xb8;
	[tilespmem:$0x19900] =	vst v63  }
0x28b: {  	s9 =	simm.s32 $0x16100  }
0x28c: {  	[tilespmem:s9], [sflag:$0x5] =	stream.indirect_vreg.gather [hbm4b:s1+s4], $0x80, v3, vm0, $0xb8;
	[tilespmem:$0x19900] =	vst v63  }
0x28d: {  	v3 =	vld [tilespmem:s26+$0x0];
	_ =	sdelay $0x4  }
0x28e: {  	v63 =	vshrl.u32 v3, $0x3  }
0x28f: {  	v4 =	vmul.u32 $0x30, v63  }
0x290: {  	v3 =	vand.u32 $0x7, v3  }
0x291: {  	v3 =	vor.u32 v3, v4  }
0x292: {  	v4 =	vperm.xlane v3, v0;
	_ =	sdelay $0x1  }
0x293: {  	v4 =	vadd.s32 v1, v4;
	_ =	sdelay $0x3  }
0x294: {  	s9 =	simm.s32 $0x16900;
	v3 =	vperm.xlane v3, v2  }
0x295: {  	[tilespmem:s9], [sflag:$0x5] =	stream.indirect_vreg.gather [hbm4b:s2+s4], $0x80, v4, vm0, $0xb8;
	[tilespmem:$0x19900] =	vst v63  }
0x296: {  	v3 =	vadd.s32 v1, v3;
	s9 =	simm.s32 $0x17100  }
0x297: {  	[tilespmem:s9], [sflag:$0x5] =	stream.indirect_vreg.gather [hbm4b:s0+s4], $0x80, v4, vm0, $0xb8;
	[tilespmem:$0x19900] =	vst v63  }
0x298: {  	s9 =	simm.s32 $0x17900  }
0x299: {  	[tilespmem:s9], [sflag:$0x5] =	stream.indirect_vreg.gather [hbm4b:s1+s4], $0x80, v4, vm0, $0xb8;
	[tilespmem:$0x19900] =	vst v63  }
0x29a: {  	p0 =	sne.s32 s31, $0x1200000;
	s9 =	simm.s32 $0x18100  }
0x29b: {  	[tilespmem:s9], [sflag:$0x5] =	stream.indirect_vreg.gather [hbm4b:s2+s4], $0x80, v3, vm0, $0xb8;
	[tilespmem:$0x19900] =	vst v63  }
.Ltmp0:
0x29c: {  	s31 =	sadd.s32 $0x60000, s31;
	(pc) =	sbr.rel @p0 .LBB2_2-.Ltmp0, $4  }
0x29d: {  	s20 =	simm.s32 $0x1900;
	s12 =	simm.s32 $0x7900;
	s16 =	simm.s32 $0xD900  }
0x29e: {  	[tilespmem:s15], [sflag:$0x5] =	stream.indirect_vreg.gather [hbm4b:s0+s4], $0x80, v3, vm0, $0xb8;
	[tilespmem:$0x19900] =	vst v63  }
0x29f: {  	s17 =	simm.s32 $0x13900;
	s26 =	sadd.s32 $0x80, s26;
	s9 =	simm.s32 $0x19100  }
0x2a0: {  	[tilespmem:s9], [sflag:$0x5] =	stream.indirect_vreg.gather [hbm4b:s1+s4], $0x80, v3, vm0, $0xb8;
	[tilespmem:$0x19900] =	vst v63  }
0x2a1: {  	_ =	swait.ge [sflag:s18], $0x6000  }
0x2a2: {  	s9 =	sld [smem:$0x7FB];
	_ =	sdelay $0x1  }
0x2a3: {  	[sflag:s18] =	ssyncset.done $0x0  }
0x2a4: {  	[sflag:s18] =	ssyncadd.s32 $0xFFFFA000;
	s3 =	sadd.s32 s28, s9  }
0x2a5: {  	[hbm4b:s3+s4] =	stream.linear.scatter [tilespmem:s20], [sflag:$0x6], $0x6000, $0x38;
	[tilespmem:$0x19900] =	vst v63  }
0x2a6: {  	_ =	swait.ge [sflag:s8], $0x6000  }
0x2a7: {  	[sflag:s8] =	ssyncset.done $0x0  }
0x2a8: {  	s18 =	sadd.s32 s9, s30;
	[sflag:s8] =	ssyncadd.s32 $0xFFFFA000  }
0x2a9: {  	[hbm4b:s18+s4] =	stream.linear.scatter [tilespmem:s12], [sflag:$0x7], $0x6000, $0x38;
	[tilespmem:$0x19900] =	vst v63  }
0x2aa: {  	_ =	swait.ge [sflag:s19], $0x6000  }
0x2ab: {  	[sflag:s19] =	ssyncset.done $0x0  }
0x2ac: {  	[sflag:s19] =	ssyncadd.s32 $0xFFFFA000;
	s19 =	sadd.s32 s29, s9  }
0x2ad: {  	[hbm4b:s19+s4] =	stream.linear.scatter [tilespmem:s16], [sflag:$0x8], $0x6000, $0x38;
	[tilespmem:$0x19900] =	vst v63  }
0x2ae: {  	_ =	swait.ge [sflag:s21], $0x6000  }
0x2af: {  	s5 =	sld [smem:$0x7FC];
	_ =	sdelay $0x1  }
0x2b0: {  	[sflag:s21] =	ssyncset.done $0x0  }
0x2b1: {  	[sflag:s21] =	ssyncadd.s32 $0xFFFFA000;
	s21 =	sadd.s32 s5, s9  }
0x2b2: {  	[hbm4b:s21+s4] =	stream.linear.scatter [tilespmem:s17], [sflag:$0x9], $0x6000, $0x38;
	[tilespmem:$0x19900] =	vst v63  }
0x2b3: {  	_ =	swait.ge [sflag:s22], $0x6000  }
0x2b4: {  	[sflag:s22] =	ssyncset.done $0x0  }
0x2b5: {  	[sflag:s22] =	ssyncadd.s32 $0xFFFFA000  }
0x2b6: {  	_ =	swait.ge [sflag:s24], $0x6000  }
0x2b7: {  	[sflag:s24] =	ssyncset.done $0x0  }
0x2b8: {  	[sflag:s24] =	ssyncadd.s32 $0xFFFFA000  }
0x2b9: {  	_ =	swait.ge [sflag:s23], $0x6000  }
0x2ba: {  	[sflag:s23] =	ssyncset.done $0x0  }
0x2bb: {  	[sflag:s23] =	ssyncadd.s32 $0xFFFFA000  }
0x2bc: {  	_ =	swait.ge [sflag:s25], $0x6000  }
0x2bd: {  	s22 =	sld [smem:$0x7E3]  }
0x2be: {  	s26 =	sld [smem:$0x7FA];
	_ =	sdelay $0x1  }
0x2bf: {  	s9 =	sadd.s32 $0x1, s22  }
0x2c0: {  	s10 =	simm.s32 $0x2100;
	s13 =	simm.s32 $0x3100;
	p0 =	sne.s32 s9, s26  }
.Ltmp1:
0x2c1: {  	s14 =	simm.s32 $0x3900;
	s15 =	simm.s32 $0x4100;
	(pc) =	sbr.rel @p0 .LBB2_1-.Ltmp1, $4  }
0x2c2: {  	s31 =	simm.s32 $0x6900;
	s30 =	simm.s32 $0xD100;
	s8 =	simm.s32 $0x2900  }
0x2c3: {  	s18 =	simm.s32 $0x18900;
	s19 =	simm.s32 $0x6100;
	[sflag:s25] =	ssyncset.done $0x0  }
0x2c4: {  	s21 =	smov.u32 s28;
	s28 =	simm.s32 $0x5900;
	[sflag:s25] =	ssyncadd.s32 $0xFFFFA000  }
0x2c5: {  	s22 =	smov.u32 s29;
	s29 =	simm.s32 $0x7100;
	s26 =	simm.s32 $0x4900  }
0x2c6: {  	_ =	sfence.sel $0x180000  }
0x2c7: {  	[bflag:$0x0] =	sbarrier.arrive $0xFFFF  }
0x2c8: {  	_ =	strace $0x90000047  }
0x2c9: {  	s0 =	stileid.u32;
	[bflag:$0x2] =	sbarrier.arrive $0xFFFF  }
0x2ca: {  	p0 =	sne.s32 s0, $0x0;
	s0 =	rddreg [dreg:$0x3]  }
0x2cb: {  	s0 =	sadd.s32 @!p0 $0x100000, s0  }
0x2cc: {  	[sflag:s0] =	ssyncadd.tile.s32 @!p0 $0x1;
	_ =	shalt  }
.Lfunc_end2:
_tile_overlayer_lowered:
.L_overlay_start_2:
0x2cd: {  	(tag) =	ssettag $0x2  }
0x2ce: {  	s0 =	rddreg [dreg:$0x0];
	s2 =	stileid.u32  }
0x2cf: {  	s1 =	rddreg [dreg:$0x1];
	p0 =	sne.s32 s2, $0x0  }
0x2d0: {  	s3 =	rddreg [dreg:$0x2];
	[bflag:$0x3] =	sbarrier.arrive $0xFFFF;
	s2 =	simm.s32 @!p0 $0x1C0A  }
0x2d1: {  	[timem:s3], [sflag:s2] =	dma.local @!p0 [hbm:s0], s1  }
0x2d2: {  	s0 =	simm.s32 @!p0 $0xA  }
0x2d3: {  	_ =	swait.ge @!p0 [sflag:s0], s1  }
0x2d4: {  	s1 =	ssub.s32 @!p0 $0x0, s1;
	[sflag:s0] =	ssyncset.done @!p0 $0x0  }
0x2d5: {  	[sflag:s0] =	ssyncadd.s32 @!p0 s1  }
0x2d6: {  	[bflag:$0x3] =	sbarrier.arrive $0xFFFF  }
0x2d7: {  	_ =	shalt  }

</sc_bundles>
